<compile_context>
chip_gen: v7x
topology: tpu7x:2x2x1
jax: 0.10.2.dev20260603
libtpu: 0.0.44.dev20260713+nightly
codegen_flags: <defaults>
</compile_context>

<pallas_src>
import jax
import jax.numpy as jnp
from jax import lax
from jax.experimental import pallas as pl
from jax.experimental.pallas import tpu as pltpu
from jax.experimental.pallas import tpu_sc as plsc

_L = 16
_ROWS = 128
_N = 32768
_NCH = _N // _L
_UNROLL = 16
_NW = 32
_RPW = _ROWS // _NW
_BISECT = 14

_f32 = jnp.float32
_i32 = jnp.int32


def _bsum(v):
    lane = lax.iota(_i32, _L)
    for d in (1, 2, 4, 8):
        v = v + v[lane ^ d]
    return v


def _bmax(v):
    lane = lax.iota(_i32, _L)
    for d in (1, 2, 4, 8):
        v = jnp.maximum(v, v[lane ^ d])
    return v


def _row_compute(xbuf, cand):
    lane = lax.iota(_i32, _L)
    ninf = jnp.full((_L,), -jnp.inf, _f32)

    @plsc.parallel_loop(0, _NCH, unroll=_UNROLL, carry=ninf)
    def mxloop(i, acc):
        return jnp.maximum(acc, xbuf[pl.ds(i * _L, _L)])

    m = _bmax(mxloop)
    lo0 = m - 1.0

    @plsc.parallel_loop(0, _NCH, unroll=_UNROLL, carry=jnp.zeros((_L,), _i32))
    def compact(i, off):
        v = xbuf[pl.ds(i * _L, _L)]
        aliv = v >= lo0
        ai = jnp.where(aliv, 1, 0)
        pos = off + plsc.cumsum(ai) - ai
        plsc.store_scatter(cand, [pos], v, mask=aliv)
        return off + plsc.all_reduce_population_count(aliv)

    ncand = compact
    nvec = (jnp.max(ncand) + (_L - 1)) // _L

    def fsum(mid):
        def body(i, acc):
            v = cand[pl.ds(i * _L, _L)]
            valid = (lane + i * _L) < ncand
            return acc + jnp.where(valid, jnp.maximum(v - mid, 0.0), 0.0)

        return _bsum(lax.fori_loop(0, nvec, body, jnp.zeros((_L,), _f32)))

    def bis(_, carry):
        lo, hi = carry
        mid = 0.5 * (lo + hi)
        pred = fsum(mid) > 1.0
        return jnp.where(pred, mid, lo), jnp.where(pred, hi, mid)

    lo, hi = lax.fori_loop(0, _BISECT, bis, (lo0, m))
    mid = 0.5 * (lo + hi)

    def ksbody(i, acc):
        ka, sa = acc
        v = cand[pl.ds(i * _L, _L)]
        sel = ((lane + i * _L) < ncand) & (v > mid)
        return ka + jnp.where(sel, 1.0, 0.0), sa + jnp.where(sel, v, 0.0)

    z = jnp.zeros((_L,), _f32)
    ka, sa = lax.fori_loop(0, nvec, ksbody, (z, z))
    kp = jnp.maximum(_bsum(ka), 1.0)
    sp = _bsum(sa)
    tau = (sp - 1.0) / kp

    @plsc.parallel_loop(0, _NCH, unroll=_UNROLL)
    def outp(i):
        base = i * _L
        xbuf[pl.ds(base, _L)] = jnp.maximum(xbuf[pl.ds(base, _L)] + tau, 0.0)


def _sc_body(x_hbm, out_hbm, xb0, xb1, cand, si0, si1, so0, so1):
    wid = lax.axis_index("s") * 2 + lax.axis_index("c")
    row0 = wid * _RPW
    bufs = (xb0, xb1)
    isems = (si0, si1)
    osems = (so0, so1)

    h_in = pltpu.async_copy(x_hbm.at[row0], bufs[0], isems[0])
    h_out = [None, None]
    for r in range(_RPW):
        cur = r % 2
        nxt = (r + 1) % 2
        if r + 1 < _RPW:
            if h_out[nxt] is not None:
                h_out[nxt].wait()
                h_out[nxt] = None
            h_next = pltpu.async_copy(x_hbm.at[row0 + r + 1], bufs[nxt], isems[nxt])
        h_in.wait()
        _row_compute(bufs[cur], cand)
        h_out[cur] = pltpu.async_copy(bufs[cur], out_hbm.at[row0 + r], osems[cur])
        if r + 1 < _RPW:
            h_in = h_next
    for h in h_out:
        if h is not None:
            h.wait()


def _make(interpret=False):
    return pl.kernel(
        _sc_body,
        out_type=jax.ShapeDtypeStruct((_ROWS, _N), _f32),
        mesh=plsc.VectorSubcoreMesh(
            core_axis_name="c", subcore_axis_name="s", num_cores=2, num_subcores=16
        ),
        scratch_types=[
            pltpu.VMEM((_N,), _f32),
            pltpu.VMEM((_N,), _f32),
            pltpu.VMEM((_N,), _f32),
            pltpu.SemaphoreType.DMA,
            pltpu.SemaphoreType.DMA,
            pltpu.SemaphoreType.DMA,
            pltpu.SemaphoreType.DMA,
        ],
        compiler_params=pltpu.CompilerParams(needs_layout_passes=False),
        interpret=interpret,
    )


_sc_sparsemax = _make()


@jax.jit
def kernel(x):
    return _sc_sparsemax(x)

# --- scband reference (transcript-rebuilt; emitter-appended) ---
"""Pipeline reference for scband-sparsemax-29935922053778 (READ-ONLY COPY).

The authoritative reference and input builder live on the scoring server;
editing this copy changes nothing except your own understanding.
"""

import jax, jax.numpy as jnp
import numpy as np


def setup_inputs(seed: int = 0) -> dict:
    key = jax.random.key(seed)
    x = jax.random.normal(key, (128, 32768), dtype=jnp.float32)
    return {"x": x}


def reference(x):
    # Sparsemax along last dim (dim=-1), faithful to the torch reference.
    N = x.shape[-1]
    # descending sort
    sorted_x = -jnp.sort(-x, axis=-1)
    cumsum_x = jnp.cumsum(sorted_x, axis=-1)
    r = jnp.arange(1, N + 1, dtype=x.dtype)
    r = r.reshape([1] * (x.ndim - 1) + [-1])
    support = (sorted_x + (1.0 / r) * (1.0 - cumsum_x)) > 0
    k = jnp.sum(support.astype(jnp.int32), axis=-1, keepdims=True)
    k = jnp.clip(k, 1, None)
    idx = k - 1  # int indices into cumsum
    gathered = jnp.take_along_axis(cumsum_x, idx, axis=-1)
    kf = k.astype(x.dtype)
    tau = (1.0 / kf) * (1.0 - gathered)
    tau = jnp.broadcast_to(tau, x.shape)
    return jax.nn.relu(x - tau)

if __name__ == "__main__":
    import jax
    _d = setup_inputs()
    print(jax.jit(kernel)(*tuple(_d.values())))

</pallas_src>

<mosaic_0001>
#map = affine_map<(d0, d1) -> (0, 0)>
module attributes {stable_mosaic.version = 14 : i64} {
  func.func @_sc_body(%arg0: i32, %arg1: i32, %arg2: memref<128x32768xf32, #tpu.memory_space<hbm>>, %arg3: memref<128x32768xf32, #tpu.memory_space<hbm>>, %arg4: memref<32768xf32, #tpu.memory_space<vmem>>, %arg5: memref<32768xf32, #tpu.memory_space<vmem>>, %arg6: memref<32768xf32, #tpu.memory_space<vmem>>, %arg7: memref<!tpu.dma_semaphore, #tpu.memory_space<semaphore_mem>>, %arg8: memref<!tpu.dma_semaphore, #tpu.memory_space<semaphore_mem>>, %arg9: memref<!tpu.dma_semaphore, #tpu.memory_space<semaphore_mem>>, %arg10: memref<!tpu.dma_semaphore, #tpu.memory_space<semaphore_mem>>) attributes {dimension_semantics = [#tpu.dimension_semantics<core_parallel>, #tpu.dimension_semantics<subcore_parallel>], iteration_bounds = array<i64: 2, 16>, scalar_prefetch = 0 : i64, scratch_operands = 7 : i64, tpu.core_type = #tpu.core_type<sc_vector_subcore>, window_params = [{transform_indices = #map}, {transform_indices = #map}]} {
    %mul3A = arith.constant 2 : i32
    %mul3A_0 = arith.muli %arg1, %mul3A : i32
    %add3A = arith.addi %mul3A_0, %arg0 : i32
    %mul3A_1 = arith.constant 4 : i32
    %mul3A_2 = arith.muli %add3A, %mul3A_1 : i32
    %dma_start3A = arith.constant 0 : i32
    %dma_start3A_3 = tpu.memref_slice %arg2[%mul3A_2, %dma_start3A] : memref<128x32768xf32, #tpu.memory_space<hbm>> -> memref<1x32768xf32, #tpu.memory_space<hbm>>
    %dma_start3A_4 = tpu.memref_squeeze %dma_start3A_3 : memref<1x32768xf32, #tpu.memory_space<hbm>> -> memref<32768xf32, #tpu.memory_space<hbm>>
    %dma_start3A_5 = arith.constant 0 : i32
    %dma_start3A_6 = tpu.memref_slice %arg2[%mul3A_2, %dma_start3A_5] : memref<128x32768xf32, #tpu.memory_space<hbm>> -> memref<1x32768xf32, #tpu.memory_space<hbm>>
    %dma_start3A_7 = tpu.memref_squeeze %dma_start3A_6 : memref<1x32768xf32, #tpu.memory_space<hbm>> -> memref<32768xf32, #tpu.memory_space<hbm>>
    tpu.enqueue_dma source(%dma_start3A_7 : memref<32768xf32, #tpu.memory_space<hbm>>) target(%arg4 : memref<32768xf32, #tpu.memory_space<vmem>>) target_semaphore(%arg7 : memref<!tpu.dma_semaphore, #tpu.memory_space<semaphore_mem>>)
    %add3A_8 = arith.constant 0 : i32
    %add3A_9 = arith.addi %mul3A_2, %add3A_8 : i32
    %add3A_10 = arith.constant 1 : i32
    %add3A_11 = arith.addi %add3A_9, %add3A_10 : i32
    %dma_start3A_12 = arith.constant 0 : i32
    %dma_start3A_13 = tpu.memref_slice %arg2[%add3A_11, %dma_start3A_12] : memref<128x32768xf32, #tpu.memory_space<hbm>> -> memref<1x32768xf32, #tpu.memory_space<hbm>>
    %dma_start3A_14 = tpu.memref_squeeze %dma_start3A_13 : memref<1x32768xf32, #tpu.memory_space<hbm>> -> memref<32768xf32, #tpu.memory_space<hbm>>
    %dma_start3A_15 = arith.constant 0 : i32
    %dma_start3A_16 = tpu.memref_slice %arg2[%add3A_11, %dma_start3A_15] : memref<128x32768xf32, #tpu.memory_space<hbm>> -> memref<1x32768xf32, #tpu.memory_space<hbm>>
    %dma_start3A_17 = tpu.memref_squeeze %dma_start3A_16 : memref<1x32768xf32, #tpu.memory_space<hbm>> -> memref<32768xf32, #tpu.memory_space<hbm>>
    tpu.enqueue_dma source(%dma_start3A_17 : memref<32768xf32, #tpu.memory_space<hbm>>) target(%arg5 : memref<32768xf32, #tpu.memory_space<vmem>>) target_semaphore(%arg8 : memref<!tpu.dma_semaphore, #tpu.memory_space<semaphore_mem>>)
    %dma_wait3A = arith.constant 0 : i32
    %dma_wait3A_18 = tpu.memref_slice %arg2[%mul3A_2, %dma_wait3A] : memref<128x32768xf32, #tpu.memory_space<hbm>> -> memref<1x32768xf32, #tpu.memory_space<hbm>>
    %dma_wait3A_19 = tpu.memref_squeeze %dma_wait3A_18 : memref<1x32768xf32, #tpu.memory_space<hbm>> -> memref<32768xf32, #tpu.memory_space<hbm>>
    %dma_wait3A_20 = arith.constant 0 : i32
    %dma_wait3A_21 = tpu.memref_slice %arg2[%mul3A_2, %dma_wait3A_20] : memref<128x32768xf32, #tpu.memory_space<hbm>> -> memref<1x32768xf32, #tpu.memory_space<hbm>>
    %dma_wait3A_22 = tpu.memref_squeeze %dma_wait3A_21 : memref<1x32768xf32, #tpu.memory_space<hbm>> -> memref<32768xf32, #tpu.memory_space<hbm>>
    tpu.wait_dma2 semaphore(%arg7 : memref<!tpu.dma_semaphore, #tpu.memory_space<semaphore_mem>>) src(%dma_wait3A_22 : memref<32768xf32, #tpu.memory_space<hbm>>) dst(%arg4 : memref<32768xf32, #tpu.memory_space<vmem>>)
    %iota3A = tpu.iota {dimensions = array<i32: 0>} : vector<16xi32>
    %broadcast_in_dim3A = arith.constant 0xFF800000 : f32
    %broadcast_in_dim3A_23 = vector.broadcast %broadcast_in_dim3A : f32 to vector<16xf32>
    %parallel_loop3A = arith.constant 0 : i32
    %parallel_loop3A_24 = arith.constant 2048 : i32
    %parallel_loop3A_25 = arith.constant 1 : i32
    %parallel_loop3A_26 = scf.for %parallel_loop3A_1115 = %parallel_loop3A to %parallel_loop3A_24 step %parallel_loop3A_25 iter_args(%parallel_loop3A_1116 = %broadcast_in_dim3A_23) -> (vector<16xf32>)  : i32 {
      %parallel_loop3A_1117 = arith.constant 16 : i32
      %parallel_loop3A_1118 = arith.muli %parallel_loop3A_1115, %parallel_loop3A_1117 : i32
      %parallel_loop3A_1119 = arith.index_cast %parallel_loop3A_1118 : i32 to index
      %parallel_loop3A_1120 = tpu.vector_load %arg4[%parallel_loop3A_1119] {strides = array<i32>} : memref<32768xf32, #tpu.memory_space<vmem>>, vector<16xf32>,
      %parallel_loop3A_1121 = arith.maximumf %parallel_loop3A_1116, %parallel_loop3A_1120 : vector<16xf32>
      scf.yield %parallel_loop3A_1121 : vector<16xf32>
    } {sc.loop_unroll_factor = 16 : i64, sc.parallel_access}
    %iota3A_27 = tpu.iota {dimensions = array<i32: 0>} : vector<16xi32>
    %xor3A = arith.constant 1 : i32
    %xor3A_28 = vector.broadcast %xor3A : i32 to vector<16xi32>
    %xor3A_29 = arith.xori %iota3A_27, %xor3A_28 : vector<16xi32>
    %lt3A = arith.constant 0 : i32
    %lt3A_30 = vector.broadcast %lt3A : i32 to vector<16xi32>
    %lt3A_31 = arith.cmpi slt, %xor3A_29, %lt3A_30 : vector<16xi32>
    %add3A_32 = arith.constant 16 : i32
    %add3A_33 = vector.broadcast %add3A_32 : i32 to vector<16xi32>
    %add3A_34 = arith.addi %xor3A_29, %add3A_33 : vector<16xi32>
    %select_n3A = arith.select %lt3A_31, %add3A_34, %xor3A_29 : vector<16xi1>, vector<16xi32>
    %broadcast_in_dim3A_35 = vector.shape_cast %select_n3A : vector<16xi32> to vector<16x1xi32>
    %gather3A = vector.shape_cast %broadcast_in_dim3A_35 : vector<16x1xi32> to vector<16xi32>
    %gather3A_36 = tpu.dynamic_gather %parallel_loop3A_26[%gather3A] in [0] : vector<16xf32>, vector<16xi32> -> vector<16xf32>
    %max3A = arith.maximumf %parallel_loop3A_26, %gather3A_36 : vector<16xf32>
    %xor3A_37 = arith.constant 2 : i32
    %xor3A_38 = vector.broadcast %xor3A_37 : i32 to vector<16xi32>
    %xor3A_39 = arith.xori %iota3A_27, %xor3A_38 : vector<16xi32>
    %lt3A_40 = arith.constant 0 : i32
    %lt3A_41 = vector.broadcast %lt3A_40 : i32 to vector<16xi32>
    %lt3A_42 = arith.cmpi slt, %xor3A_39, %lt3A_41 : vector<16xi32>
    %add3A_43 = arith.constant 16 : i32
    %add3A_44 = vector.broadcast %add3A_43 : i32 to vector<16xi32>
    %add3A_45 = arith.addi %xor3A_39, %add3A_44 : vector<16xi32>
    %select_n3A_46 = arith.select %lt3A_42, %add3A_45, %xor3A_39 : vector<16xi1>, vector<16xi32>
    %broadcast_in_dim3A_47 = vector.shape_cast %select_n3A_46 : vector<16xi32> to vector<16x1xi32>
    %gather3A_48 = vector.shape_cast %broadcast_in_dim3A_47 : vector<16x1xi32> to vector<16xi32>
    %gather3A_49 = tpu.dynamic_gather %max3A[%gather3A_48] in [0] : vector<16xf32>, vector<16xi32> -> vector<16xf32>
    %max3A_50 = arith.maximumf %max3A, %gather3A_49 : vector<16xf32>
    %xor3A_51 = arith.constant 4 : i32
    %xor3A_52 = vector.broadcast %xor3A_51 : i32 to vector<16xi32>
    %xor3A_53 = arith.xori %iota3A_27, %xor3A_52 : vector<16xi32>
    %lt3A_54 = arith.constant 0 : i32
    %lt3A_55 = vector.broadcast %lt3A_54 : i32 to vector<16xi32>
    %lt3A_56 = arith.cmpi slt, %xor3A_53, %lt3A_55 : vector<16xi32>
    %add3A_57 = arith.constant 16 : i32
    %add3A_58 = vector.broadcast %add3A_57 : i32 to vector<16xi32>
    %add3A_59 = arith.addi %xor3A_53, %add3A_58 : vector<16xi32>
    %select_n3A_60 = arith.select %lt3A_56, %add3A_59, %xor3A_53 : vector<16xi1>, vector<16xi32>
    %broadcast_in_dim3A_61 = vector.shape_cast %select_n3A_60 : vector<16xi32> to vector<16x1xi32>
    %gather3A_62 = vector.shape_cast %broadcast_in_dim3A_61 : vector<16x1xi32> to vector<16xi32>
    %gather3A_63 = tpu.dynamic_gather %max3A_50[%gather3A_62] in [0] : vector<16xf32>, vector<16xi32> -> vector<16xf32>
    %max3A_64 = arith.maximumf %max3A_50, %gather3A_63 : vector<16xf32>
    %xor3A_65 = arith.constant 8 : i32
    %xor3A_66 = vector.broadcast %xor3A_65 : i32 to vector<16xi32>
    %xor3A_67 = arith.xori %iota3A_27, %xor3A_66 : vector<16xi32>
    %lt3A_68 = arith.constant 0 : i32
    %lt3A_69 = vector.broadcast %lt3A_68 : i32 to vector<16xi32>
    %lt3A_70 = arith.cmpi slt, %xor3A_67, %lt3A_69 : vector<16xi32>
    %add3A_71 = arith.constant 16 : i32
    %add3A_72 = vector.broadcast %add3A_71 : i32 to vector<16xi32>
    %add3A_73 = arith.addi %xor3A_67, %add3A_72 : vector<16xi32>
    %select_n3A_74 = arith.select %lt3A_70, %add3A_73, %xor3A_67 : vector<16xi1>, vector<16xi32>
    %broadcast_in_dim3A_75 = vector.shape_cast %select_n3A_74 : vector<16xi32> to vector<16x1xi32>
    %gather3A_76 = vector.shape_cast %broadcast_in_dim3A_75 : vector<16x1xi32> to vector<16xi32>
    %gather3A_77 = tpu.dynamic_gather %max3A_64[%gather3A_76] in [0] : vector<16xf32>, vector<16xi32> -> vector<16xf32>
    %max3A_78 = arith.maximumf %max3A_64, %gather3A_77 : vector<16xf32>
    %sub3A = arith.constant 1.000000e+00 : f32
    %sub3A_79 = vector.broadcast %sub3A : f32 to vector<16xf32>
    %sub3A_80 = arith.subf %max3A_78, %sub3A_79 : vector<16xf32>
    %broadcast_in_dim3A_81 = arith.constant 0 : i32
    %broadcast_in_dim3A_82 = vector.broadcast %broadcast_in_dim3A_81 : i32 to vector<16xi32>
    %parallel_loop3A_83 = arith.constant 0 : i32
    %parallel_loop3A_84 = arith.constant 2048 : i32
    %parallel_loop3A_85 = arith.constant 1 : i32
    %parallel_loop3A_86 = scf.for %parallel_loop3A_1115 = %parallel_loop3A_83 to %parallel_loop3A_84 step %parallel_loop3A_85 iter_args(%parallel_loop3A_1116 = %broadcast_in_dim3A_82) -> (vector<16xi32>)  : i32 {
      %parallel_loop3A_1117 = arith.constant 16 : i32
      %parallel_loop3A_1118 = arith.muli %parallel_loop3A_1115, %parallel_loop3A_1117 : i32
      %parallel_loop3A_1119 = arith.index_cast %parallel_loop3A_1118 : i32 to index
      %parallel_loop3A_1120 = tpu.vector_load %arg4[%parallel_loop3A_1119] {strides = array<i32>} : memref<32768xf32, #tpu.memory_space<vmem>>, vector<16xf32>,
      %parallel_loop3A_1121 = arith.cmpf oge, %parallel_loop3A_1120, %sub3A_80 : vector<16xf32>
      %parallel_loop3A_1122 = arith.constant 1 : i32
      %parallel_loop3A_1123 = arith.constant 0 : i32
      %parallel_loop3A_1124 = vector.broadcast %parallel_loop3A_1122 : i32 to vector<16xi32>
      %parallel_loop3A_1125 = vector.broadcast %parallel_loop3A_1123 : i32 to vector<16xi32>
      %parallel_loop3A_1126 = arith.select %parallel_loop3A_1121, %parallel_loop3A_1124, %parallel_loop3A_1125 : vector<16xi1>, vector<16xi32>
      %parallel_loop3A_1127 = arith.constant true
      %parallel_loop3A_1128 = vector.broadcast %parallel_loop3A_1127 : i1 to vector<16xi1>
      %parallel_loop3A_1129 = tpu.scan <sum>, %parallel_loop3A_1126 masked %parallel_loop3A_1128 : vector<16xi32>, vector<16xi1> -> vector<16xi32>
      %parallel_loop3A_1130 = arith.addi %parallel_loop3A_1116, %parallel_loop3A_1129 : vector<16xi32>
      %parallel_loop3A_1131 = arith.subi %parallel_loop3A_1130, %parallel_loop3A_1126 : vector<16xi32>
      tpu.vector_store_idx %arg6[%parallel_loop3A_1131], %parallel_loop3A_1120 masked %parallel_loop3A_1121 : memref<32768xf32, #tpu.memory_space<vmem>>[vector<16xi32>], vector<16xf32>, vector<16xi1>
      %parallel_loop3A_1132 = tpu.all_reduce %parallel_loop3A_1121 {dim = 0 : i64, kind = #tpu.reduction_kind<sum>} : vector<16xi1> -> vector<16xi32>
      %parallel_loop3A_1133 = arith.addi %parallel_loop3A_1116, %parallel_loop3A_1132 : vector<16xi32>
      scf.yield %parallel_loop3A_1133 : vector<16xi32>
    } {sc.loop_unroll_factor = 16 : i64, sc.parallel_access}
    %reduce_max3A = arith.constant true
    %reduce_max3A_87 = vector.broadcast %reduce_max3A : i1 to vector<16xi1>
    %reduce_max3A_88 = arith.constant -2147483648 : i32
    %reduce_max3A_89 = vector.broadcast %reduce_max3A_88 : i32 to vector<16xi32>
    %reduce_max3A_90 = arith.xori %parallel_loop3A_86, %reduce_max3A_89 : vector<16xi32>
    %reduce_max3A_91 = tpu.scan <max>, %reduce_max3A_90 masked %reduce_max3A_87 : vector<16xi32>, vector<16xi1> -> vector<16xi32>
    %reduce_max3A_92 = arith.xori %reduce_max3A_91, %reduce_max3A_89 : vector<16xi32>
    %reduce_max3A_93 = vector.extract %reduce_max3A_92[15] : i32 from vector<16xi32>
    %add3A_94 = arith.constant 15 : i32
    %add3A_95 = arith.addi %reduce_max3A_93, %add3A_94 : i32
    %jit3A = arith.constant 16 : i32
    %div3A = arith.divsi %add3A_95, %jit3A : i32
    %sign3A = arith.constant 0 : i32
    %sign3A_96 = arith.cmpi sgt, %add3A_95, %sign3A : i32
    %sign3A_97 = arith.extui %sign3A_96 : i1 to i32
    %sign3A_98 = arith.constant 0 : i32
    %sign3A_99 = arith.cmpi slt, %add3A_95, %sign3A_98 : i32
    %sign3A_100 = arith.extui %sign3A_99 : i1 to i32
    %sign3A_101 = arith.subi %sign3A_97, %sign3A_100 : i32
    %sign3A_102 = arith.constant 0 : i32
    %sign3A_103 = arith.cmpi sgt, %jit3A, %sign3A_102 : i32
    %sign3A_104 = arith.extui %sign3A_103 : i1 to i32
    %sign3A_105 = arith.constant 0 : i32
    %sign3A_106 = arith.cmpi slt, %jit3A, %sign3A_105 : i32
    %sign3A_107 = arith.extui %sign3A_106 : i1 to i32
    %sign3A_108 = arith.subi %sign3A_104, %sign3A_107 : i32
    %ne3A = arith.cmpi ne, %sign3A_101, %sign3A_108 : i32
    %rem3A = arith.remsi %add3A_95, %jit3A : i32
    %ne3A_109 = arith.constant 0 : i32
    %ne3A_110 = arith.cmpi ne, %rem3A, %ne3A_109 : i32
    %and3A = arith.andi %ne3A, %ne3A_110 : i1
    %sub3A_111 = arith.constant 1 : i32
    %sub3A_112 = arith.subi %div3A, %sub3A_111 : i32
    %select_n3A_113 = arith.select %and3A, %sub3A_112, %div3A : i32
    %scan3A = arith.constant 0 : i32
    %scan3A_114 = arith.constant 14 : i32
    %scan3A_115 = arith.addi %scan3A, %scan3A_114 : i32
    %scan3A_116 = arith.constant 1 : i32
    %scan3A_117:2 = scf.for %scan3A_1115 = %scan3A to %scan3A_115 step %scan3A_116 iter_args(%scan3A_1116 = %sub3A_80, %scan3A_1117 = %max3A_78) -> (vector<16xf32>, vector<16xf32>)  : i32 {
      %add3A_1118 = arith.addf %scan3A_1116, %scan3A_1117 : vector<16xf32>
      %mul3A_1119 = arith.constant 5.000000e-01 : f32
      %mul3A_1120 = vector.broadcast %mul3A_1119 : f32 to vector<16xf32>
      %mul3A_1121 = arith.mulf %mul3A_1120, %add3A_1118 : vector<16xf32>
      %broadcast_in_dim3A_1122 = arith.constant 0.000000e+00 : f32
      %broadcast_in_dim3A_1123 = vector.broadcast %broadcast_in_dim3A_1122 : f32 to vector<16xf32>
      %while3A_1124 = arith.constant 0 : i32
      %while3A_1125 = arith.subi %select_n3A_113, %while3A_1124 : i32
      %while3A_1126 = arith.addi %while3A_1124, %while3A_1125 : i32
      %while3A_1127 = arith.constant 1 : i32
      %while3A_1128 = arith.divsi %while3A_1125, %while3A_1127 : i32
      %while3A_1129 = arith.muli %while3A_1128, %while3A_1127 : i32
      %while3A_1130 = arith.addi %while3A_1124, %while3A_1129 : i32
      %while3A_1131 = arith.constant 1 : i32
      %while3A_1132 = scf.for %while3A_1196 = %while3A_1124 to %while3A_1130 step %while3A_1131 iter_args(%while3A_1197 = %broadcast_in_dim3A_1123) -> (vector<16xf32>)  : i32 {
        %mul3A_1198 = arith.constant 16 : i32
        %mul3A_1199 = arith.muli %while3A_1196, %mul3A_1198 : i32
        %get3A = arith.index_cast %mul3A_1199 : i32 to index
        %get3A_1200 = tpu.vector_load %arg6[%get3A] {strides = array<i32>} : memref<32768xf32, #tpu.memory_space<vmem>>, vector<16xf32>,
        %mul3A_1201 = arith.constant 16 : i32
        %mul3A_1202 = arith.muli %while3A_1196, %mul3A_1201 : i32
        %add3A_1203 = vector.broadcast %mul3A_1202 : i32 to vector<16xi32>
        %add3A_1204 = arith.addi %iota3A, %add3A_1203 : vector<16xi32>
        %lt3A_1205 = arith.cmpi slt, %add3A_1204, %parallel_loop3A_86 : vector<16xi32>
        %sub3A_1206 = arith.subf %get3A_1200, %mul3A_1121 : vector<16xf32>
        %max3A_1207 = arith.constant 0.000000e+00 : f32
        %max3A_1208 = vector.broadcast %max3A_1207 : f32 to vector<16xf32>
        %max3A_1209 = arith.maximumf %sub3A_1206, %max3A_1208 : vector<16xf32>
        %jit3A_1210 = arith.constant 0.000000e+00 : f32
        %broadcast_in_dim3A_1211 = vector.broadcast %jit3A_1210 : f32 to vector<16xf32>
        %select_n3A_1212 = arith.select %lt3A_1205, %max3A_1209, %broadcast_in_dim3A_1211 : vector<16xi1>, vector<16xf32>
        %add3A_1213 = arith.addf %while3A_1197, %select_n3A_1212 : vector<16xf32>
        scf.yield %add3A_1213 : vector<16xf32>
      }
      %while3A_1133 = arith.constant 1 : i32
      %while3A_1134 = scf.for %while3A_1196 = %while3A_1130 to %while3A_1126 step %while3A_1133 iter_args(%while3A_1197 = %while3A_1132) -> (vector<16xf32>)  : i32 {
        %mul3A_1198 = arith.constant 16 : i32
        %mul3A_1199 = arith.muli %while3A_1196, %mul3A_1198 : i32
        %get3A = arith.index_cast %mul3A_1199 : i32 to index
        %get3A_1200 = tpu.vector_load %arg6[%get3A] {strides = array<i32>} : memref<32768xf32, #tpu.memory_space<vmem>>, vector<16xf32>,
        %mul3A_1201 = arith.constant 16 : i32
        %mul3A_1202 = arith.muli %while3A_1196, %mul3A_1201 : i32
        %add3A_1203 = vector.broadcast %mul3A_1202 : i32 to vector<16xi32>
        %add3A_1204 = arith.addi %iota3A, %add3A_1203 : vector<16xi32>
        %lt3A_1205 = arith.cmpi slt, %add3A_1204, %parallel_loop3A_86 : vector<16xi32>
        %sub3A_1206 = arith.subf %get3A_1200, %mul3A_1121 : vector<16xf32>
        %max3A_1207 = arith.constant 0.000000e+00 : f32
        %max3A_1208 = vector.broadcast %max3A_1207 : f32 to vector<16xf32>
        %max3A_1209 = arith.maximumf %sub3A_1206, %max3A_1208 : vector<16xf32>
        %jit3A_1210 = arith.constant 0.000000e+00 : f32
        %broadcast_in_dim3A_1211 = vector.broadcast %jit3A_1210 : f32 to vector<16xf32>
        %select_n3A_1212 = arith.select %lt3A_1205, %max3A_1209, %broadcast_in_dim3A_1211 : vector<16xi1>, vector<16xf32>
        %add3A_1213 = arith.addf %while3A_1197, %select_n3A_1212 : vector<16xf32>
        scf.yield %add3A_1213 : vector<16xf32>
      }
      %iota3A_1135 = tpu.iota {dimensions = array<i32: 0>} : vector<16xi32>
      %xor3A_1136 = arith.constant 1 : i32
      %xor3A_1137 = vector.broadcast %xor3A_1136 : i32 to vector<16xi32>
      %xor3A_1138 = arith.xori %iota3A_1135, %xor3A_1137 : vector<16xi32>
      %lt3A_1139 = arith.constant 0 : i32
      %lt3A_1140 = vector.broadcast %lt3A_1139 : i32 to vector<16xi32>
      %lt3A_1141 = arith.cmpi slt, %xor3A_1138, %lt3A_1140 : vector<16xi32>
      %add3A_1142 = arith.constant 16 : i32
      %add3A_1143 = vector.broadcast %add3A_1142 : i32 to vector<16xi32>
      %add3A_1144 = arith.addi %xor3A_1138, %add3A_1143 : vector<16xi32>
      %select_n3A_1145 = arith.select %lt3A_1141, %add3A_1144, %xor3A_1138 : vector<16xi1>, vector<16xi32>
      %broadcast_in_dim3A_1146 = vector.shape_cast %select_n3A_1145 : vector<16xi32> to vector<16x1xi32>
      %gather3A_1147 = vector.shape_cast %broadcast_in_dim3A_1146 : vector<16x1xi32> to vector<16xi32>
      %gather3A_1148 = tpu.dynamic_gather %while3A_1134[%gather3A_1147] in [0] : vector<16xf32>, vector<16xi32> -> vector<16xf32>
      %add3A_1149 = arith.addf %while3A_1134, %gather3A_1148 : vector<16xf32>
      %xor3A_1150 = arith.constant 2 : i32
      %xor3A_1151 = vector.broadcast %xor3A_1150 : i32 to vector<16xi32>
      %xor3A_1152 = arith.xori %iota3A_1135, %xor3A_1151 : vector<16xi32>
      %lt3A_1153 = arith.constant 0 : i32
      %lt3A_1154 = vector.broadcast %lt3A_1153 : i32 to vector<16xi32>
      %lt3A_1155 = arith.cmpi slt, %xor3A_1152, %lt3A_1154 : vector<16xi32>
      %add3A_1156 = arith.constant 16 : i32
      %add3A_1157 = vector.broadcast %add3A_1156 : i32 to vector<16xi32>
      %add3A_1158 = arith.addi %xor3A_1152, %add3A_1157 : vector<16xi32>
      %select_n3A_1159 = arith.select %lt3A_1155, %add3A_1158, %xor3A_1152 : vector<16xi1>, vector<16xi32>
      %broadcast_in_dim3A_1160 = vector.shape_cast %select_n3A_1159 : vector<16xi32> to vector<16x1xi32>
      %gather3A_1161 = vector.shape_cast %broadcast_in_dim3A_1160 : vector<16x1xi32> to vector<16xi32>
      %gather3A_1162 = tpu.dynamic_gather %add3A_1149[%gather3A_1161] in [0] : vector<16xf32>, vector<16xi32> -> vector<16xf32>
      %add3A_1163 = arith.addf %add3A_1149, %gather3A_1162 : vector<16xf32>
      %xor3A_1164 = arith.constant 4 : i32
      %xor3A_1165 = vector.broadcast %xor3A_1164 : i32 to vector<16xi32>
      %xor3A_1166 = arith.xori %iota3A_1135, %xor3A_1165 : vector<16xi32>
      %lt3A_1167 = arith.constant 0 : i32
      %lt3A_1168 = vector.broadcast %lt3A_1167 : i32 to vector<16xi32>
      %lt3A_1169 = arith.cmpi slt, %xor3A_1166, %lt3A_1168 : vector<16xi32>
      %add3A_1170 = arith.constant 16 : i32
      %add3A_1171 = vector.broadcast %add3A_1170 : i32 to vector<16xi32>
      %add3A_1172 = arith.addi %xor3A_1166, %add3A_1171 : vector<16xi32>
      %select_n3A_1173 = arith.select %lt3A_1169, %add3A_1172, %xor3A_1166 : vector<16xi1>, vector<16xi32>
      %broadcast_in_dim3A_1174 = vector.shape_cast %select_n3A_1173 : vector<16xi32> to vector<16x1xi32>
      %gather3A_1175 = vector.shape_cast %broadcast_in_dim3A_1174 : vector<16x1xi32> to vector<16xi32>
      %gather3A_1176 = tpu.dynamic_gather %add3A_1163[%gather3A_1175] in [0] : vector<16xf32>, vector<16xi32> -> vector<16xf32>
      %add3A_1177 = arith.addf %add3A_1163, %gather3A_1176 : vector<16xf32>
      %xor3A_1178 = arith.constant 8 : i32
      %xor3A_1179 = vector.broadcast %xor3A_1178 : i32 to vector<16xi32>
      %xor3A_1180 = arith.xori %iota3A_1135, %xor3A_1179 : vector<16xi32>
      %lt3A_1181 = arith.constant 0 : i32
      %lt3A_1182 = vector.broadcast %lt3A_1181 : i32 to vector<16xi32>
      %lt3A_1183 = arith.cmpi slt, %xor3A_1180, %lt3A_1182 : vector<16xi32>
      %add3A_1184 = arith.constant 16 : i32
      %add3A_1185 = vector.broadcast %add3A_1184 : i32 to vector<16xi32>
      %add3A_1186 = arith.addi %xor3A_1180, %add3A_1185 : vector<16xi32>
      %select_n3A_1187 = arith.select %lt3A_1183, %add3A_1186, %xor3A_1180 : vector<16xi1>, vector<16xi32>
      %broadcast_in_dim3A_1188 = vector.shape_cast %select_n3A_1187 : vector<16xi32> to vector<16x1xi32>
      %gather3A_1189 = vector.shape_cast %broadcast_in_dim3A_1188 : vector<16x1xi32> to vector<16xi32>
      %gather3A_1190 = tpu.dynamic_gather %add3A_1177[%gather3A_1189] in [0] : vector<16xf32>, vector<16xi32> -> vector<16xf32>
      %add3A_1191 = arith.addf %add3A_1177, %gather3A_1190 : vector<16xf32>
      %gt3A = arith.constant 1.000000e+00 : f32
      %gt3A_1192 = vector.broadcast %gt3A : f32 to vector<16xf32>
      %gt3A_1193 = arith.cmpf ogt, %add3A_1191, %gt3A_1192 : vector<16xf32>
      %select_n3A_1194 = arith.select %gt3A_1193, %mul3A_1121, %scan3A_1116 : vector<16xi1>, vector<16xf32>
      %select_n3A_1195 = arith.select %gt3A_1193, %scan3A_1117, %mul3A_1121 : vector<16xi1>, vector<16xf32>
      scf.yield %select_n3A_1194, %select_n3A_1195 : vector<16xf32>, vector<16xf32>
    }
    %scan3A_118 = arith.constant 14 : i32
    %add3A_119 = arith.addf %scan3A_117#0, %scan3A_117#1 : vector<16xf32>
    %mul3A_120 = arith.constant 5.000000e-01 : f32
    %mul3A_121 = vector.broadcast %mul3A_120 : f32 to vector<16xf32>
    %mul3A_122 = arith.mulf %mul3A_121, %add3A_119 : vector<16xf32>
    %broadcast_in_dim3A_123 = arith.constant 0.000000e+00 : f32
    %broadcast_in_dim3A_124 = vector.broadcast %broadcast_in_dim3A_123 : f32 to vector<16xf32>
    %while3A = arith.constant 0 : i32
    %while3A_125 = arith.subi %select_n3A_113, %while3A : i32
    %while3A_126 = arith.addi %while3A, %while3A_125 : i32
    %while3A_127 = arith.constant 1 : i32
    %while3A_128 = arith.divsi %while3A_125, %while3A_127 : i32
    %while3A_129 = arith.muli %while3A_128, %while3A_127 : i32
    %while3A_130 = arith.addi %while3A, %while3A_129 : i32
    %while3A_131 = arith.constant 1 : i32
    %while3A_132:2 = scf.for %while3A_1115 = %while3A to %while3A_130 step %while3A_131 iter_args(%while3A_1116 = %broadcast_in_dim3A_124, %while3A_1117 = %broadcast_in_dim3A_124) -> (vector<16xf32>, vector<16xf32>)  : i32 {
      %mul3A_1118 = arith.constant 16 : i32
      %mul3A_1119 = arith.muli %while3A_1115, %mul3A_1118 : i32
      %get3A = arith.index_cast %mul3A_1119 : i32 to index
      %get3A_1120 = tpu.vector_load %arg6[%get3A] {strides = array<i32>} : memref<32768xf32, #tpu.memory_space<vmem>>, vector<16xf32>,
      %mul3A_1121 = arith.constant 16 : i32
      %mul3A_1122 = arith.muli %while3A_1115, %mul3A_1121 : i32
      %add3A_1123 = vector.broadcast %mul3A_1122 : i32 to vector<16xi32>
      %add3A_1124 = arith.addi %iota3A, %add3A_1123 : vector<16xi32>
      %lt3A_1125 = arith.cmpi slt, %add3A_1124, %parallel_loop3A_86 : vector<16xi32>
      %gt3A = arith.cmpf ogt, %get3A_1120, %mul3A_122 : vector<16xf32>
      %and3A_1126 = arith.andi %lt3A_1125, %gt3A : vector<16xi1>
      %jit3A_1127 = arith.constant 1.000000e+00 : f32
      %jit3A_1128 = arith.constant 0.000000e+00 : f32
      %broadcast_in_dim3A_1129 = vector.broadcast %jit3A_1127 : f32 to vector<16xf32>
      %broadcast_in_dim3A_1130 = vector.broadcast %jit3A_1128 : f32 to vector<16xf32>
      %select_n3A_1131 = arith.select %and3A_1126, %broadcast_in_dim3A_1129, %broadcast_in_dim3A_1130 : vector<16xi1>, vector<16xf32>
      %add3A_1132 = arith.addf %while3A_1116, %select_n3A_1131 : vector<16xf32>
      %jit3A_1133 = arith.constant 0.000000e+00 : f32
      %broadcast_in_dim3A_1134 = vector.broadcast %jit3A_1133 : f32 to vector<16xf32>
      %select_n3A_1135 = arith.select %and3A_1126, %get3A_1120, %broadcast_in_dim3A_1134 : vector<16xi1>, vector<16xf32>
      %add3A_1136 = arith.addf %while3A_1117, %select_n3A_1135 : vector<16xf32>
      scf.yield %add3A_1132, %add3A_1136 : vector<16xf32>, vector<16xf32>
    }
    %while3A_133 = arith.constant 1 : i32
    %while3A_134:2 = scf.for %while3A_1115 = %while3A_130 to %while3A_126 step %while3A_133 iter_args(%while3A_1116 = %while3A_132#0, %while3A_1117 = %while3A_132#1) -> (vector<16xf32>, vector<16xf32>)  : i32 {
      %mul3A_1118 = arith.constant 16 : i32
      %mul3A_1119 = arith.muli %while3A_1115, %mul3A_1118 : i32
      %get3A = arith.index_cast %mul3A_1119 : i32 to index
      %get3A_1120 = tpu.vector_load %arg6[%get3A] {strides = array<i32>} : memref<32768xf32, #tpu.memory_space<vmem>>, vector<16xf32>,
      %mul3A_1121 = arith.constant 16 : i32
      %mul3A_1122 = arith.muli %while3A_1115, %mul3A_1121 : i32
      %add3A_1123 = vector.broadcast %mul3A_1122 : i32 to vector<16xi32>
      %add3A_1124 = arith.addi %iota3A, %add3A_1123 : vector<16xi32>
      %lt3A_1125 = arith.cmpi slt, %add3A_1124, %parallel_loop3A_86 : vector<16xi32>
      %gt3A = arith.cmpf ogt, %get3A_1120, %mul3A_122 : vector<16xf32>
      %and3A_1126 = arith.andi %lt3A_1125, %gt3A : vector<16xi1>
      %jit3A_1127 = arith.constant 1.000000e+00 : f32
      %jit3A_1128 = arith.constant 0.000000e+00 : f32
      %broadcast_in_dim3A_1129 = vector.broadcast %jit3A_1127 : f32 to vector<16xf32>
      %broadcast_in_dim3A_1130 = vector.broadcast %jit3A_1128 : f32 to vector<16xf32>
      %select_n3A_1131 = arith.select %and3A_1126, %broadcast_in_dim3A_1129, %broadcast_in_dim3A_1130 : vector<16xi1>, vector<16xf32>
      %add3A_1132 = arith.addf %while3A_1116, %select_n3A_1131 : vector<16xf32>
      %jit3A_1133 = arith.constant 0.000000e+00 : f32
      %broadcast_in_dim3A_1134 = vector.broadcast %jit3A_1133 : f32 to vector<16xf32>
      %select_n3A_1135 = arith.select %and3A_1126, %get3A_1120, %broadcast_in_dim3A_1134 : vector<16xi1>, vector<16xf32>
      %add3A_1136 = arith.addf %while3A_1117, %select_n3A_1135 : vector<16xf32>
      scf.yield %add3A_1132, %add3A_1136 : vector<16xf32>, vector<16xf32>
    }
    %iota3A_135 = tpu.iota {dimensions = array<i32: 0>} : vector<16xi32>
    %xor3A_136 = arith.constant 1 : i32
    %xor3A_137 = vector.broadcast %xor3A_136 : i32 to vector<16xi32>
    %xor3A_138 = arith.xori %iota3A_135, %xor3A_137 : vector<16xi32>
    %lt3A_139 = arith.constant 0 : i32
    %lt3A_140 = vector.broadcast %lt3A_139 : i32 to vector<16xi32>
    %lt3A_141 = arith.cmpi slt, %xor3A_138, %lt3A_140 : vector<16xi32>
    %add3A_142 = arith.constant 16 : i32
    %add3A_143 = vector.broadcast %add3A_142 : i32 to vector<16xi32>
    %add3A_144 = arith.addi %xor3A_138, %add3A_143 : vector<16xi32>
    %select_n3A_145 = arith.select %lt3A_141, %add3A_144, %xor3A_138 : vector<16xi1>, vector<16xi32>
    %broadcast_in_dim3A_146 = vector.shape_cast %select_n3A_145 : vector<16xi32> to vector<16x1xi32>
    %gather3A_147 = vector.shape_cast %broadcast_in_dim3A_146 : vector<16x1xi32> to vector<16xi32>
    %gather3A_148 = tpu.dynamic_gather %while3A_134#0[%gather3A_147] in [0] : vector<16xf32>, vector<16xi32> -> vector<16xf32>
    %add3A_149 = arith.addf %while3A_134#0, %gather3A_148 : vector<16xf32>
    %xor3A_150 = arith.constant 2 : i32
    %xor3A_151 = vector.broadcast %xor3A_150 : i32 to vector<16xi32>
    %xor3A_152 = arith.xori %iota3A_135, %xor3A_151 : vector<16xi32>
    %lt3A_153 = arith.constant 0 : i32
    %lt3A_154 = vector.broadcast %lt3A_153 : i32 to vector<16xi32>
    %lt3A_155 = arith.cmpi slt, %xor3A_152, %lt3A_154 : vector<16xi32>
    %add3A_156 = arith.constant 16 : i32
    %add3A_157 = vector.broadcast %add3A_156 : i32 to vector<16xi32>
    %add3A_158 = arith.addi %xor3A_152, %add3A_157 : vector<16xi32>
    %select_n3A_159 = arith.select %lt3A_155, %add3A_158, %xor3A_152 : vector<16xi1>, vector<16xi32>
    %broadcast_in_dim3A_160 = vector.shape_cast %select_n3A_159 : vector<16xi32> to vector<16x1xi32>
    %gather3A_161 = vector.shape_cast %broadcast_in_dim3A_160 : vector<16x1xi32> to vector<16xi32>
    %gather3A_162 = tpu.dynamic_gather %add3A_149[%gather3A_161] in [0] : vector<16xf32>, vector<16xi32> -> vector<16xf32>
    %add3A_163 = arith.addf %add3A_149, %gather3A_162 : vector<16xf32>
    %xor3A_164 = arith.constant 4 : i32
    %xor3A_165 = vector.broadcast %xor3A_164 : i32 to vector<16xi32>
    %xor3A_166 = arith.xori %iota3A_135, %xor3A_165 : vector<16xi32>
    %lt3A_167 = arith.constant 0 : i32
    %lt3A_168 = vector.broadcast %lt3A_167 : i32 to vector<16xi32>
    %lt3A_169 = arith.cmpi slt, %xor3A_166, %lt3A_168 : vector<16xi32>
    %add3A_170 = arith.constant 16 : i32
    %add3A_171 = vector.broadcast %add3A_170 : i32 to vector<16xi32>
    %add3A_172 = arith.addi %xor3A_166, %add3A_171 : vector<16xi32>
    %select_n3A_173 = arith.select %lt3A_169, %add3A_172, %xor3A_166 : vector<16xi1>, vector<16xi32>
    %broadcast_in_dim3A_174 = vector.shape_cast %select_n3A_173 : vector<16xi32> to vector<16x1xi32>
    %gather3A_175 = vector.shape_cast %broadcast_in_dim3A_174 : vector<16x1xi32> to vector<16xi32>
    %gather3A_176 = tpu.dynamic_gather %add3A_163[%gather3A_175] in [0] : vector<16xf32>, vector<16xi32> -> vector<16xf32>
    %add3A_177 = arith.addf %add3A_163, %gather3A_176 : vector<16xf32>
    %xor3A_178 = arith.constant 8 : i32
    %xor3A_179 = vector.broadcast %xor3A_178 : i32 to vector<16xi32>
    %xor3A_180 = arith.xori %iota3A_135, %xor3A_179 : vector<16xi32>
    %lt3A_181 = arith.constant 0 : i32
    %lt3A_182 = vector.broadcast %lt3A_181 : i32 to vector<16xi32>
    %lt3A_183 = arith.cmpi slt, %xor3A_180, %lt3A_182 : vector<16xi32>
    %add3A_184 = arith.constant 16 : i32
    %add3A_185 = vector.broadcast %add3A_184 : i32 to vector<16xi32>
    %add3A_186 = arith.addi %xor3A_180, %add3A_185 : vector<16xi32>
    %select_n3A_187 = arith.select %lt3A_183, %add3A_186, %xor3A_180 : vector<16xi1>, vector<16xi32>
    %broadcast_in_dim3A_188 = vector.shape_cast %select_n3A_187 : vector<16xi32> to vector<16x1xi32>
    %gather3A_189 = vector.shape_cast %broadcast_in_dim3A_188 : vector<16x1xi32> to vector<16xi32>
    %gather3A_190 = tpu.dynamic_gather %add3A_177[%gather3A_189] in [0] : vector<16xf32>, vector<16xi32> -> vector<16xf32>
    %add3A_191 = arith.addf %add3A_177, %gather3A_190 : vector<16xf32>
    %max3A_192 = arith.constant 1.000000e+00 : f32
    %max3A_193 = vector.broadcast %max3A_192 : f32 to vector<16xf32>
    %max3A_194 = arith.maximumf %add3A_191, %max3A_193 : vector<16xf32>
    %iota3A_195 = tpu.iota {dimensions = array<i32: 0>} : vector<16xi32>
    %xor3A_196 = arith.constant 1 : i32
    %xor3A_197 = vector.broadcast %xor3A_196 : i32 to vector<16xi32>
    %xor3A_198 = arith.xori %iota3A_195, %xor3A_197 : vector<16xi32>
    %lt3A_199 = arith.constant 0 : i32
    %lt3A_200 = vector.broadcast %lt3A_199 : i32 to vector<16xi32>
    %lt3A_201 = arith.cmpi slt, %xor3A_198, %lt3A_200 : vector<16xi32>
    %add3A_202 = arith.constant 16 : i32
    %add3A_203 = vector.broadcast %add3A_202 : i32 to vector<16xi32>
    %add3A_204 = arith.addi %xor3A_198, %add3A_203 : vector<16xi32>
    %select_n3A_205 = arith.select %lt3A_201, %add3A_204, %xor3A_198 : vector<16xi1>, vector<16xi32>
    %broadcast_in_dim3A_206 = vector.shape_cast %select_n3A_205 : vector<16xi32> to vector<16x1xi32>
    %gather3A_207 = vector.shape_cast %broadcast_in_dim3A_206 : vector<16x1xi32> to vector<16xi32>
    %gather3A_208 = tpu.dynamic_gather %while3A_134#1[%gather3A_207] in [0] : vector<16xf32>, vector<16xi32> -> vector<16xf32>
    %add3A_209 = arith.addf %while3A_134#1, %gather3A_208 : vector<16xf32>
    %xor3A_210 = arith.constant 2 : i32
    %xor3A_211 = vector.broadcast %xor3A_210 : i32 to vector<16xi32>
    %xor3A_212 = arith.xori %iota3A_195, %xor3A_211 : vector<16xi32>
    %lt3A_213 = arith.constant 0 : i32
    %lt3A_214 = vector.broadcast %lt3A_213 : i32 to vector<16xi32>
    %lt3A_215 = arith.cmpi slt, %xor3A_212, %lt3A_214 : vector<16xi32>
    %add3A_216 = arith.constant 16 : i32
    %add3A_217 = vector.broadcast %add3A_216 : i32 to vector<16xi32>
    %add3A_218 = arith.addi %xor3A_212, %add3A_217 : vector<16xi32>
    %select_n3A_219 = arith.select %lt3A_215, %add3A_218, %xor3A_212 : vector<16xi1>, vector<16xi32>
    %broadcast_in_dim3A_220 = vector.shape_cast %select_n3A_219 : vector<16xi32> to vector<16x1xi32>
    %gather3A_221 = vector.shape_cast %broadcast_in_dim3A_220 : vector<16x1xi32> to vector<16xi32>
    %gather3A_222 = tpu.dynamic_gather %add3A_209[%gather3A_221] in [0] : vector<16xf32>, vector<16xi32> -> vector<16xf32>
    %add3A_223 = arith.addf %add3A_209, %gather3A_222 : vector<16xf32>
    %xor3A_224 = arith.constant 4 : i32
    %xor3A_225 = vector.broadcast %xor3A_224 : i32 to vector<16xi32>
    %xor3A_226 = arith.xori %iota3A_195, %xor3A_225 : vector<16xi32>
    %lt3A_227 = arith.constant 0 : i32
    %lt3A_228 = vector.broadcast %lt3A_227 : i32 to vector<16xi32>
    %lt3A_229 = arith.cmpi slt, %xor3A_226, %lt3A_228 : vector<16xi32>
    %add3A_230 = arith.constant 16 : i32
    %add3A_231 = vector.broadcast %add3A_230 : i32 to vector<16xi32>
    %add3A_232 = arith.addi %xor3A_226, %add3A_231 : vector<16xi32>
    %select_n3A_233 = arith.select %lt3A_229, %add3A_232, %xor3A_226 : vector<16xi1>, vector<16xi32>
    %broadcast_in_dim3A_234 = vector.shape_cast %select_n3A_233 : vector<16xi32> to vector<16x1xi32>
    %gather3A_235 = vector.shape_cast %broadcast_in_dim3A_234 : vector<16x1xi32> to vector<16xi32>
    %gather3A_236 = tpu.dynamic_gather %add3A_223[%gather3A_235] in [0] : vector<16xf32>, vector<16xi32> -> vector<16xf32>
    %add3A_237 = arith.addf %add3A_223, %gather3A_236 : vector<16xf32>
    %xor3A_238 = arith.constant 8 : i32
    %xor3A_239 = vector.broadcast %xor3A_238 : i32 to vector<16xi32>
    %xor3A_240 = arith.xori %iota3A_195, %xor3A_239 : vector<16xi32>
    %lt3A_241 = arith.constant 0 : i32
    %lt3A_242 = vector.broadcast %lt3A_241 : i32 to vector<16xi32>
    %lt3A_243 = arith.cmpi slt, %xor3A_240, %lt3A_242 : vector<16xi32>
    %add3A_244 = arith.constant 16 : i32
    %add3A_245 = vector.broadcast %add3A_244 : i32 to vector<16xi32>
    %add3A_246 = arith.addi %xor3A_240, %add3A_245 : vector<16xi32>
    %select_n3A_247 = arith.select %lt3A_243, %add3A_246, %xor3A_240 : vector<16xi1>, vector<16xi32>
    %broadcast_in_dim3A_248 = vector.shape_cast %select_n3A_247 : vector<16xi32> to vector<16x1xi32>
    %gather3A_249 = vector.shape_cast %broadcast_in_dim3A_248 : vector<16x1xi32> to vector<16xi32>
    %gather3A_250 = tpu.dynamic_gather %add3A_237[%gather3A_249] in [0] : vector<16xf32>, vector<16xi32> -> vector<16xf32>
    %add3A_251 = arith.addf %add3A_237, %gather3A_250 : vector<16xf32>
    %sub3A_252 = arith.constant 1.000000e+00 : f32
    %sub3A_253 = vector.broadcast %sub3A_252 : f32 to vector<16xf32>
    %sub3A_254 = arith.subf %add3A_251, %sub3A_253 : vector<16xf32>
    %div3A_255 = arith.divf %sub3A_254, %max3A_194 : vector<16xf32>
    %parallel_loop3A_256 = arith.constant 0 : i32
    %parallel_loop3A_257 = arith.constant 2048 : i32
    %parallel_loop3A_258 = arith.constant 1 : i32
    scf.for %parallel_loop3A_1115 = %parallel_loop3A_256 to %parallel_loop3A_257 step %parallel_loop3A_258  : i32 {
      %parallel_loop3A_1116 = arith.constant 16 : i32
      %parallel_loop3A_1117 = arith.muli %parallel_loop3A_1115, %parallel_loop3A_1116 : i32
      %parallel_loop3A_1118 = arith.index_cast %parallel_loop3A_1117 : i32 to index
      %parallel_loop3A_1119 = tpu.vector_load %arg4[%parallel_loop3A_1118] {strides = array<i32>} : memref<32768xf32, #tpu.memory_space<vmem>>, vector<16xf32>,
      %parallel_loop3A_1120 = arith.addf %parallel_loop3A_1119, %div3A_255 : vector<16xf32>
      %parallel_loop3A_1121 = arith.constant 0.000000e+00 : f32
      %parallel_loop3A_1122 = vector.broadcast %parallel_loop3A_1121 : f32 to vector<16xf32>
      %parallel_loop3A_1123 = arith.maximumf %parallel_loop3A_1120, %parallel_loop3A_1122 : vector<16xf32>
      %parallel_loop3A_1124 = arith.index_cast %parallel_loop3A_1117 : i32 to index
      %parallel_loop3A_1125 = tpu.vector_load %arg4[%parallel_loop3A_1124] {strides = array<i32>} : memref<32768xf32, #tpu.memory_space<vmem>>, vector<16xf32>,
      tpu.vector_store %arg4[%parallel_loop3A_1124], %parallel_loop3A_1123 {strides = array<i32>} : memref<32768xf32, #tpu.memory_space<vmem>>, vector<16xf32>,
    } {sc.loop_unroll_factor = 16 : i64, sc.parallel_access}
    %add3A_259 = arith.constant 0 : i32
    %add3A_260 = arith.addi %mul3A_2, %add3A_259 : i32
    %dma_start3A_261 = arith.constant 0 : i32
    %dma_start3A_262 = tpu.memref_slice %arg3[%add3A_260, %dma_start3A_261] : memref<128x32768xf32, #tpu.memory_space<hbm>> -> memref<1x32768xf32, #tpu.memory_space<hbm>>
    %dma_start3A_263 = tpu.memref_squeeze %dma_start3A_262 : memref<1x32768xf32, #tpu.memory_space<hbm>> -> memref<32768xf32, #tpu.memory_space<hbm>>
    %dma_start3A_264 = arith.constant 0 : i32
    %dma_start3A_265 = tpu.memref_slice %arg3[%add3A_260, %dma_start3A_264] : memref<128x32768xf32, #tpu.memory_space<hbm>> -> memref<1x32768xf32, #tpu.memory_space<hbm>>
    %dma_start3A_266 = tpu.memref_squeeze %dma_start3A_265 : memref<1x32768xf32, #tpu.memory_space<hbm>> -> memref<32768xf32, #tpu.memory_space<hbm>>
    tpu.enqueue_dma source(%arg4 : memref<32768xf32, #tpu.memory_space<vmem>>) target(%dma_start3A_266 : memref<32768xf32, #tpu.memory_space<hbm>>) target_semaphore(%arg9 : memref<!tpu.dma_semaphore, #tpu.memory_space<semaphore_mem>>)
    %dma_wait3A_267 = arith.constant 0 : i32
    %dma_wait3A_268 = tpu.memref_slice %arg3[%add3A_260, %dma_wait3A_267] : memref<128x32768xf32, #tpu.memory_space<hbm>> -> memref<1x32768xf32, #tpu.memory_space<hbm>>
    %dma_wait3A_269 = tpu.memref_squeeze %dma_wait3A_268 : memref<1x32768xf32, #tpu.memory_space<hbm>> -> memref<32768xf32, #tpu.memory_space<hbm>>
    %dma_wait3A_270 = arith.constant 0 : i32
    %dma_wait3A_271 = tpu.memref_slice %arg3[%add3A_260, %dma_wait3A_270] : memref<128x32768xf32, #tpu.memory_space<hbm>> -> memref<1x32768xf32, #tpu.memory_space<hbm>>
    %dma_wait3A_272 = tpu.memref_squeeze %dma_wait3A_271 : memref<1x32768xf32, #tpu.memory_space<hbm>> -> memref<32768xf32, #tpu.memory_space<hbm>>
    tpu.wait_dma2 semaphore(%arg9 : memref<!tpu.dma_semaphore, #tpu.memory_space<semaphore_mem>>) src(%arg4 : memref<32768xf32, #tpu.memory_space<vmem>>) dst(%dma_wait3A_272 : memref<32768xf32, #tpu.memory_space<hbm>>)
    %add3A_273 = arith.constant 1 : i32
    %add3A_274 = arith.addi %mul3A_2, %add3A_273 : i32
    %add3A_275 = arith.constant 1 : i32
    %add3A_276 = arith.addi %add3A_274, %add3A_275 : i32
    %dma_start3A_277 = arith.constant 0 : i32
    %dma_start3A_278 = tpu.memref_slice %arg2[%add3A_276, %dma_start3A_277] : memref<128x32768xf32, #tpu.memory_space<hbm>> -> memref<1x32768xf32, #tpu.memory_space<hbm>>
    %dma_start3A_279 = tpu.memref_squeeze %dma_start3A_278 : memref<1x32768xf32, #tpu.memory_space<hbm>> -> memref<32768xf32, #tpu.memory_space<hbm>>
    %dma_start3A_280 = arith.constant 0 : i32
    %dma_start3A_281 = tpu.memref_slice %arg2[%add3A_276, %dma_start3A_280] : memref<128x32768xf32, #tpu.memory_space<hbm>> -> memref<1x32768xf32, #tpu.memory_space<hbm>>
    %dma_start3A_282 = tpu.memref_squeeze %dma_start3A_281 : memref<1x32768xf32, #tpu.memory_space<hbm>> -> memref<32768xf32, #tpu.memory_space<hbm>>
    tpu.enqueue_dma source(%dma_start3A_282 : memref<32768xf32, #tpu.memory_space<hbm>>) target(%arg4 : memref<32768xf32, #tpu.memory_space<vmem>>) target_semaphore(%arg7 : memref<!tpu.dma_semaphore, #tpu.memory_space<semaphore_mem>>)
    %dma_wait3A_283 = arith.constant 0 : i32
    %dma_wait3A_284 = tpu.memref_slice %arg2[%add3A_11, %dma_wait3A_283] : memref<128x32768xf32, #tpu.memory_space<hbm>> -> memref<1x32768xf32, #tpu.memory_space<hbm>>
    %dma_wait3A_285 = tpu.memref_squeeze %dma_wait3A_284 : memref<1x32768xf32, #tpu.memory_space<hbm>> -> memref<32768xf32, #tpu.memory_space<hbm>>
    %dma_wait3A_286 = arith.constant 0 : i32
    %dma_wait3A_287 = tpu.memref_slice %arg2[%add3A_11, %dma_wait3A_286] : memref<128x32768xf32, #tpu.memory_space<hbm>> -> memref<1x32768xf32, #tpu.memory_space<hbm>>
    %dma_wait3A_288 = tpu.memref_squeeze %dma_wait3A_287 : memref<1x32768xf32, #tpu.memory_space<hbm>> -> memref<32768xf32, #tpu.memory_space<hbm>>
    tpu.wait_dma2 semaphore(%arg8 : memref<!tpu.dma_semaphore, #tpu.memory_space<semaphore_mem>>) src(%dma_wait3A_288 : memref<32768xf32, #tpu.memory_space<hbm>>) dst(%arg5 : memref<32768xf32, #tpu.memory_space<vmem>>)
    %iota3A_289 = tpu.iota {dimensions = array<i32: 0>} : vector<16xi32>
    %broadcast_in_dim3A_290 = arith.constant 0xFF800000 : f32
    %broadcast_in_dim3A_291 = vector.broadcast %broadcast_in_dim3A_290 : f32 to vector<16xf32>
    %parallel_loop3A_292 = arith.constant 0 : i32
    %parallel_loop3A_293 = arith.constant 2048 : i32
    %parallel_loop3A_294 = arith.constant 1 : i32
    %parallel_loop3A_295 = scf.for %parallel_loop3A_1115 = %parallel_loop3A_292 to %parallel_loop3A_293 step %parallel_loop3A_294 iter_args(%parallel_loop3A_1116 = %broadcast_in_dim3A_291) -> (vector<16xf32>)  : i32 {
      %parallel_loop3A_1117 = arith.constant 16 : i32
      %parallel_loop3A_1118 = arith.muli %parallel_loop3A_1115, %parallel_loop3A_1117 : i32
      %parallel_loop3A_1119 = arith.index_cast %parallel_loop3A_1118 : i32 to index
      %parallel_loop3A_1120 = tpu.vector_load %arg5[%parallel_loop3A_1119] {strides = array<i32>} : memref<32768xf32, #tpu.memory_space<vmem>>, vector<16xf32>,
      %parallel_loop3A_1121 = arith.maximumf %parallel_loop3A_1116, %parallel_loop3A_1120 : vector<16xf32>
      scf.yield %parallel_loop3A_1121 : vector<16xf32>
    } {sc.loop_unroll_factor = 16 : i64, sc.parallel_access}
    %iota3A_296 = tpu.iota {dimensions = array<i32: 0>} : vector<16xi32>
    %xor3A_297 = arith.constant 1 : i32
    %xor3A_298 = vector.broadcast %xor3A_297 : i32 to vector<16xi32>
    %xor3A_299 = arith.xori %iota3A_296, %xor3A_298 : vector<16xi32>
    %lt3A_300 = arith.constant 0 : i32
    %lt3A_301 = vector.broadcast %lt3A_300 : i32 to vector<16xi32>
    %lt3A_302 = arith.cmpi slt, %xor3A_299, %lt3A_301 : vector<16xi32>
    %add3A_303 = arith.constant 16 : i32
    %add3A_304 = vector.broadcast %add3A_303 : i32 to vector<16xi32>
    %add3A_305 = arith.addi %xor3A_299, %add3A_304 : vector<16xi32>
    %select_n3A_306 = arith.select %lt3A_302, %add3A_305, %xor3A_299 : vector<16xi1>, vector<16xi32>
    %broadcast_in_dim3A_307 = vector.shape_cast %select_n3A_306 : vector<16xi32> to vector<16x1xi32>
    %gather3A_308 = vector.shape_cast %broadcast_in_dim3A_307 : vector<16x1xi32> to vector<16xi32>
    %gather3A_309 = tpu.dynamic_gather %parallel_loop3A_295[%gather3A_308] in [0] : vector<16xf32>, vector<16xi32> -> vector<16xf32>
    %max3A_310 = arith.maximumf %parallel_loop3A_295, %gather3A_309 : vector<16xf32>
    %xor3A_311 = arith.constant 2 : i32
    %xor3A_312 = vector.broadcast %xor3A_311 : i32 to vector<16xi32>
    %xor3A_313 = arith.xori %iota3A_296, %xor3A_312 : vector<16xi32>
    %lt3A_314 = arith.constant 0 : i32
    %lt3A_315 = vector.broadcast %lt3A_314 : i32 to vector<16xi32>
    %lt3A_316 = arith.cmpi slt, %xor3A_313, %lt3A_315 : vector<16xi32>
    %add3A_317 = arith.constant 16 : i32
    %add3A_318 = vector.broadcast %add3A_317 : i32 to vector<16xi32>
    %add3A_319 = arith.addi %xor3A_313, %add3A_318 : vector<16xi32>
    %select_n3A_320 = arith.select %lt3A_316, %add3A_319, %xor3A_313 : vector<16xi1>, vector<16xi32>
    %broadcast_in_dim3A_321 = vector.shape_cast %select_n3A_320 : vector<16xi32> to vector<16x1xi32>
    %gather3A_322 = vector.shape_cast %broadcast_in_dim3A_321 : vector<16x1xi32> to vector<16xi32>
    %gather3A_323 = tpu.dynamic_gather %max3A_310[%gather3A_322] in [0] : vector<16xf32>, vector<16xi32> -> vector<16xf32>
    %max3A_324 = arith.maximumf %max3A_310, %gather3A_323 : vector<16xf32>
    %xor3A_325 = arith.constant 4 : i32
    %xor3A_326 = vector.broadcast %xor3A_325 : i32 to vector<16xi32>
    %xor3A_327 = arith.xori %iota3A_296, %xor3A_326 : vector<16xi32>
    %lt3A_328 = arith.constant 0 : i32
    %lt3A_329 = vector.broadcast %lt3A_328 : i32 to vector<16xi32>
    %lt3A_330 = arith.cmpi slt, %xor3A_327, %lt3A_329 : vector<16xi32>
    %add3A_331 = arith.constant 16 : i32
    %add3A_332 = vector.broadcast %add3A_331 : i32 to vector<16xi32>
    %add3A_333 = arith.addi %xor3A_327, %add3A_332 : vector<16xi32>
    %select_n3A_334 = arith.select %lt3A_330, %add3A_333, %xor3A_327 : vector<16xi1>, vector<16xi32>
    %broadcast_in_dim3A_335 = vector.shape_cast %select_n3A_334 : vector<16xi32> to vector<16x1xi32>
    %gather3A_336 = vector.shape_cast %broadcast_in_dim3A_335 : vector<16x1xi32> to vector<16xi32>
    %gather3A_337 = tpu.dynamic_gather %max3A_324[%gather3A_336] in [0] : vector<16xf32>, vector<16xi32> -> vector<16xf32>
    %max3A_338 = arith.maximumf %max3A_324, %gather3A_337 : vector<16xf32>
    %xor3A_339 = arith.constant 8 : i32
    %xor3A_340 = vector.broadcast %xor3A_339 : i32 to vector<16xi32>
    %xor3A_341 = arith.xori %iota3A_296, %xor3A_340 : vector<16xi32>
    %lt3A_342 = arith.constant 0 : i32
    %lt3A_343 = vector.broadcast %lt3A_342 : i32 to vector<16xi32>
    %lt3A_344 = arith.cmpi slt, %xor3A_341, %lt3A_343 : vector<16xi32>
    %add3A_345 = arith.constant 16 : i32
    %add3A_346 = vector.broadcast %add3A_345 : i32 to vector<16xi32>
    %add3A_347 = arith.addi %xor3A_341, %add3A_346 : vector<16xi32>
    %select_n3A_348 = arith.select %lt3A_344, %add3A_347, %xor3A_341 : vector<16xi1>, vector<16xi32>
    %broadcast_in_dim3A_349 = vector.shape_cast %select_n3A_348 : vector<16xi32> to vector<16x1xi32>
    %gather3A_350 = vector.shape_cast %broadcast_in_dim3A_349 : vector<16x1xi32> to vector<16xi32>
    %gather3A_351 = tpu.dynamic_gather %max3A_338[%gather3A_350] in [0] : vector<16xf32>, vector<16xi32> -> vector<16xf32>
    %max3A_352 = arith.maximumf %max3A_338, %gather3A_351 : vector<16xf32>
    %sub3A_353 = arith.constant 1.000000e+00 : f32
    %sub3A_354 = vector.broadcast %sub3A_353 : f32 to vector<16xf32>
    %sub3A_355 = arith.subf %max3A_352, %sub3A_354 : vector<16xf32>
    %broadcast_in_dim3A_356 = arith.constant 0 : i32
    %broadcast_in_dim3A_357 = vector.broadcast %broadcast_in_dim3A_356 : i32 to vector<16xi32>
    %parallel_loop3A_358 = arith.constant 0 : i32
    %parallel_loop3A_359 = arith.constant 2048 : i32
    %parallel_loop3A_360 = arith.constant 1 : i32
    %parallel_loop3A_361 = scf.for %parallel_loop3A_1115 = %parallel_loop3A_358 to %parallel_loop3A_359 step %parallel_loop3A_360 iter_args(%parallel_loop3A_1116 = %broadcast_in_dim3A_357) -> (vector<16xi32>)  : i32 {
      %parallel_loop3A_1117 = arith.constant 16 : i32
      %parallel_loop3A_1118 = arith.muli %parallel_loop3A_1115, %parallel_loop3A_1117 : i32
      %parallel_loop3A_1119 = arith.index_cast %parallel_loop3A_1118 : i32 to index
      %parallel_loop3A_1120 = tpu.vector_load %arg5[%parallel_loop3A_1119] {strides = array<i32>} : memref<32768xf32, #tpu.memory_space<vmem>>, vector<16xf32>,
      %parallel_loop3A_1121 = arith.cmpf oge, %parallel_loop3A_1120, %sub3A_355 : vector<16xf32>
      %parallel_loop3A_1122 = arith.constant 1 : i32
      %parallel_loop3A_1123 = arith.constant 0 : i32
      %parallel_loop3A_1124 = vector.broadcast %parallel_loop3A_1122 : i32 to vector<16xi32>
      %parallel_loop3A_1125 = vector.broadcast %parallel_loop3A_1123 : i32 to vector<16xi32>
      %parallel_loop3A_1126 = arith.select %parallel_loop3A_1121, %parallel_loop3A_1124, %parallel_loop3A_1125 : vector<16xi1>, vector<16xi32>
      %parallel_loop3A_1127 = arith.constant true
      %parallel_loop3A_1128 = vector.broadcast %parallel_loop3A_1127 : i1 to vector<16xi1>
      %parallel_loop3A_1129 = tpu.scan <sum>, %parallel_loop3A_1126 masked %parallel_loop3A_1128 : vector<16xi32>, vector<16xi1> -> vector<16xi32>
      %parallel_loop3A_1130 = arith.addi %parallel_loop3A_1116, %parallel_loop3A_1129 : vector<16xi32>
      %parallel_loop3A_1131 = arith.subi %parallel_loop3A_1130, %parallel_loop3A_1126 : vector<16xi32>
      tpu.vector_store_idx %arg6[%parallel_loop3A_1131], %parallel_loop3A_1120 masked %parallel_loop3A_1121 : memref<32768xf32, #tpu.memory_space<vmem>>[vector<16xi32>], vector<16xf32>, vector<16xi1>
      %parallel_loop3A_1132 = tpu.all_reduce %parallel_loop3A_1121 {dim = 0 : i64, kind = #tpu.reduction_kind<sum>} : vector<16xi1> -> vector<16xi32>
      %parallel_loop3A_1133 = arith.addi %parallel_loop3A_1116, %parallel_loop3A_1132 : vector<16xi32>
      scf.yield %parallel_loop3A_1133 : vector<16xi32>
    } {sc.loop_unroll_factor = 16 : i64, sc.parallel_access}
    %reduce_max3A_362 = arith.constant true
    %reduce_max3A_363 = vector.broadcast %reduce_max3A_362 : i1 to vector<16xi1>
    %reduce_max3A_364 = arith.constant -2147483648 : i32
    %reduce_max3A_365 = vector.broadcast %reduce_max3A_364 : i32 to vector<16xi32>
    %reduce_max3A_366 = arith.xori %parallel_loop3A_361, %reduce_max3A_365 : vector<16xi32>
    %reduce_max3A_367 = tpu.scan <max>, %reduce_max3A_366 masked %reduce_max3A_363 : vector<16xi32>, vector<16xi1> -> vector<16xi32>
    %reduce_max3A_368 = arith.xori %reduce_max3A_367, %reduce_max3A_365 : vector<16xi32>
    %reduce_max3A_369 = vector.extract %reduce_max3A_368[15] : i32 from vector<16xi32>
    %add3A_370 = arith.constant 15 : i32
    %add3A_371 = arith.addi %reduce_max3A_369, %add3A_370 : i32
    %jit3A_372 = arith.constant 16 : i32
    %div3A_373 = arith.divsi %add3A_371, %jit3A_372 : i32
    %sign3A_374 = arith.constant 0 : i32
    %sign3A_375 = arith.cmpi sgt, %add3A_371, %sign3A_374 : i32
    %sign3A_376 = arith.extui %sign3A_375 : i1 to i32
    %sign3A_377 = arith.constant 0 : i32
    %sign3A_378 = arith.cmpi slt, %add3A_371, %sign3A_377 : i32
    %sign3A_379 = arith.extui %sign3A_378 : i1 to i32
    %sign3A_380 = arith.subi %sign3A_376, %sign3A_379 : i32
    %sign3A_381 = arith.constant 0 : i32
    %sign3A_382 = arith.cmpi sgt, %jit3A_372, %sign3A_381 : i32
    %sign3A_383 = arith.extui %sign3A_382 : i1 to i32
    %sign3A_384 = arith.constant 0 : i32
    %sign3A_385 = arith.cmpi slt, %jit3A_372, %sign3A_384 : i32
    %sign3A_386 = arith.extui %sign3A_385 : i1 to i32
    %sign3A_387 = arith.subi %sign3A_383, %sign3A_386 : i32
    %ne3A_388 = arith.cmpi ne, %sign3A_380, %sign3A_387 : i32
    %rem3A_389 = arith.remsi %add3A_371, %jit3A_372 : i32
    %ne3A_390 = arith.constant 0 : i32
    %ne3A_391 = arith.cmpi ne, %rem3A_389, %ne3A_390 : i32
    %and3A_392 = arith.andi %ne3A_388, %ne3A_391 : i1
    %sub3A_393 = arith.constant 1 : i32
    %sub3A_394 = arith.subi %div3A_373, %sub3A_393 : i32
    %select_n3A_395 = arith.select %and3A_392, %sub3A_394, %div3A_373 : i32
    %scan3A_396 = arith.constant 0 : i32
    %scan3A_397 = arith.constant 14 : i32
    %scan3A_398 = arith.addi %scan3A_396, %scan3A_397 : i32
    %scan3A_399 = arith.constant 1 : i32
    %scan3A_400:2 = scf.for %scan3A_1115 = %scan3A_396 to %scan3A_398 step %scan3A_399 iter_args(%scan3A_1116 = %sub3A_355, %scan3A_1117 = %max3A_352) -> (vector<16xf32>, vector<16xf32>)  : i32 {
      %add3A_1118 = arith.addf %scan3A_1116, %scan3A_1117 : vector<16xf32>
      %mul3A_1119 = arith.constant 5.000000e-01 : f32
      %mul3A_1120 = vector.broadcast %mul3A_1119 : f32 to vector<16xf32>
      %mul3A_1121 = arith.mulf %mul3A_1120, %add3A_1118 : vector<16xf32>
      %broadcast_in_dim3A_1122 = arith.constant 0.000000e+00 : f32
      %broadcast_in_dim3A_1123 = vector.broadcast %broadcast_in_dim3A_1122 : f32 to vector<16xf32>
      %while3A_1124 = arith.constant 0 : i32
      %while3A_1125 = arith.subi %select_n3A_395, %while3A_1124 : i32
      %while3A_1126 = arith.addi %while3A_1124, %while3A_1125 : i32
      %while3A_1127 = arith.constant 1 : i32
      %while3A_1128 = arith.divsi %while3A_1125, %while3A_1127 : i32
      %while3A_1129 = arith.muli %while3A_1128, %while3A_1127 : i32
      %while3A_1130 = arith.addi %while3A_1124, %while3A_1129 : i32
      %while3A_1131 = arith.constant 1 : i32
      %while3A_1132 = scf.for %while3A_1196 = %while3A_1124 to %while3A_1130 step %while3A_1131 iter_args(%while3A_1197 = %broadcast_in_dim3A_1123) -> (vector<16xf32>)  : i32 {
        %mul3A_1198 = arith.constant 16 : i32
        %mul3A_1199 = arith.muli %while3A_1196, %mul3A_1198 : i32
        %get3A = arith.index_cast %mul3A_1199 : i32 to index
        %get3A_1200 = tpu.vector_load %arg6[%get3A] {strides = array<i32>} : memref<32768xf32, #tpu.memory_space<vmem>>, vector<16xf32>,
        %mul3A_1201 = arith.constant 16 : i32
        %mul3A_1202 = arith.muli %while3A_1196, %mul3A_1201 : i32
        %add3A_1203 = vector.broadcast %mul3A_1202 : i32 to vector<16xi32>
        %add3A_1204 = arith.addi %iota3A_289, %add3A_1203 : vector<16xi32>
        %lt3A_1205 = arith.cmpi slt, %add3A_1204, %parallel_loop3A_361 : vector<16xi32>
        %sub3A_1206 = arith.subf %get3A_1200, %mul3A_1121 : vector<16xf32>
        %max3A_1207 = arith.constant 0.000000e+00 : f32
        %max3A_1208 = vector.broadcast %max3A_1207 : f32 to vector<16xf32>
        %max3A_1209 = arith.maximumf %sub3A_1206, %max3A_1208 : vector<16xf32>
        %jit3A_1210 = arith.constant 0.000000e+00 : f32
        %broadcast_in_dim3A_1211 = vector.broadcast %jit3A_1210 : f32 to vector<16xf32>
        %select_n3A_1212 = arith.select %lt3A_1205, %max3A_1209, %broadcast_in_dim3A_1211 : vector<16xi1>, vector<16xf32>
        %add3A_1213 = arith.addf %while3A_1197, %select_n3A_1212 : vector<16xf32>
        scf.yield %add3A_1213 : vector<16xf32>
      }
      %while3A_1133 = arith.constant 1 : i32
      %while3A_1134 = scf.for %while3A_1196 = %while3A_1130 to %while3A_1126 step %while3A_1133 iter_args(%while3A_1197 = %while3A_1132) -> (vector<16xf32>)  : i32 {
        %mul3A_1198 = arith.constant 16 : i32
        %mul3A_1199 = arith.muli %while3A_1196, %mul3A_1198 : i32
        %get3A = arith.index_cast %mul3A_1199 : i32 to index
        %get3A_1200 = tpu.vector_load %arg6[%get3A] {strides = array<i32>} : memref<32768xf32, #tpu.memory_space<vmem>>, vector<16xf32>,
        %mul3A_1201 = arith.constant 16 : i32
        %mul3A_1202 = arith.muli %while3A_1196, %mul3A_1201 : i32
        %add3A_1203 = vector.broadcast %mul3A_1202 : i32 to vector<16xi32>
        %add3A_1204 = arith.addi %iota3A_289, %add3A_1203 : vector<16xi32>
        %lt3A_1205 = arith.cmpi slt, %add3A_1204, %parallel_loop3A_361 : vector<16xi32>
        %sub3A_1206 = arith.subf %get3A_1200, %mul3A_1121 : vector<16xf32>
        %max3A_1207 = arith.constant 0.000000e+00 : f32
        %max3A_1208 = vector.broadcast %max3A_1207 : f32 to vector<16xf32>
        %max3A_1209 = arith.maximumf %sub3A_1206, %max3A_1208 : vector<16xf32>
        %jit3A_1210 = arith.constant 0.000000e+00 : f32
        %broadcast_in_dim3A_1211 = vector.broadcast %jit3A_1210 : f32 to vector<16xf32>
        %select_n3A_1212 = arith.select %lt3A_1205, %max3A_1209, %broadcast_in_dim3A_1211 : vector<16xi1>, vector<16xf32>
        %add3A_1213 = arith.addf %while3A_1197, %select_n3A_1212 : vector<16xf32>
        scf.yield %add3A_1213 : vector<16xf32>
      }
      %iota3A_1135 = tpu.iota {dimensions = array<i32: 0>} : vector<16xi32>
      %xor3A_1136 = arith.constant 1 : i32
      %xor3A_1137 = vector.broadcast %xor3A_1136 : i32 to vector<16xi32>
      %xor3A_1138 = arith.xori %iota3A_1135, %xor3A_1137 : vector<16xi32>
      %lt3A_1139 = arith.constant 0 : i32
      %lt3A_1140 = vector.broadcast %lt3A_1139 : i32 to vector<16xi32>
      %lt3A_1141 = arith.cmpi slt, %xor3A_1138, %lt3A_1140 : vector<16xi32>
      %add3A_1142 = arith.constant 16 : i32
      %add3A_1143 = vector.broadcast %add3A_1142 : i32 to vector<16xi32>
      %add3A_1144 = arith.addi %xor3A_1138, %add3A_1143 : vector<16xi32>
      %select_n3A_1145 = arith.select %lt3A_1141, %add3A_1144, %xor3A_1138 : vector<16xi1>, vector<16xi32>
      %broadcast_in_dim3A_1146 = vector.shape_cast %select_n3A_1145 : vector<16xi32> to vector<16x1xi32>
      %gather3A_1147 = vector.shape_cast %broadcast_in_dim3A_1146 : vector<16x1xi32> to vector<16xi32>
      %gather3A_1148 = tpu.dynamic_gather %while3A_1134[%gather3A_1147] in [0] : vector<16xf32>, vector<16xi32> -> vector<16xf32>
      %add3A_1149 = arith.addf %while3A_1134, %gather3A_1148 : vector<16xf32>
      %xor3A_1150 = arith.constant 2 : i32
      %xor3A_1151 = vector.broadcast %xor3A_1150 : i32 to vector<16xi32>
      %xor3A_1152 = arith.xori %iota3A_1135, %xor3A_1151 : vector<16xi32>
      %lt3A_1153 = arith.constant 0 : i32
      %lt3A_1154 = vector.broadcast %lt3A_1153 : i32 to vector<16xi32>
      %lt3A_1155 = arith.cmpi slt, %xor3A_1152, %lt3A_1154 : vector<16xi32>
      %add3A_1156 = arith.constant 16 : i32
      %add3A_1157 = vector.broadcast %add3A_1156 : i32 to vector<16xi32>
      %add3A_1158 = arith.addi %xor3A_1152, %add3A_1157 : vector<16xi32>
      %select_n3A_1159 = arith.select %lt3A_1155, %add3A_1158, %xor3A_1152 : vector<16xi1>, vector<16xi32>
      %broadcast_in_dim3A_1160 = vector.shape_cast %select_n3A_1159 : vector<16xi32> to vector<16x1xi32>
      %gather3A_1161 = vector.shape_cast %broadcast_in_dim3A_1160 : vector<16x1xi32> to vector<16xi32>
      %gather3A_1162 = tpu.dynamic_gather %add3A_1149[%gather3A_1161] in [0] : vector<16xf32>, vector<16xi32> -> vector<16xf32>
      %add3A_1163 = arith.addf %add3A_1149, %gather3A_1162 : vector<16xf32>
      %xor3A_1164 = arith.constant 4 : i32
      %xor3A_1165 = vector.broadcast %xor3A_1164 : i32 to vector<16xi32>
      %xor3A_1166 = arith.xori %iota3A_1135, %xor3A_1165 : vector<16xi32>
      %lt3A_1167 = arith.constant 0 : i32
      %lt3A_1168 = vector.broadcast %lt3A_1167 : i32 to vector<16xi32>
      %lt3A_1169 = arith.cmpi slt, %xor3A_1166, %lt3A_1168 : vector<16xi32>
      %add3A_1170 = arith.constant 16 : i32
      %add3A_1171 = vector.broadcast %add3A_1170 : i32 to vector<16xi32>
      %add3A_1172 = arith.addi %xor3A_1166, %add3A_1171 : vector<16xi32>
      %select_n3A_1173 = arith.select %lt3A_1169, %add3A_1172, %xor3A_1166 : vector<16xi1>, vector<16xi32>
      %broadcast_in_dim3A_1174 = vector.shape_cast %select_n3A_1173 : vector<16xi32> to vector<16x1xi32>
      %gather3A_1175 = vector.shape_cast %broadcast_in_dim3A_1174 : vector<16x1xi32> to vector<16xi32>
      %gather3A_1176 = tpu.dynamic_gather %add3A_1163[%gather3A_1175] in [0] : vector<16xf32>, vector<16xi32> -> vector<16xf32>
      %add3A_1177 = arith.addf %add3A_1163, %gather3A_1176 : vector<16xf32>
      %xor3A_1178 = arith.constant 8 : i32
      %xor3A_1179 = vector.broadcast %xor3A_1178 : i32 to vector<16xi32>
      %xor3A_1180 = arith.xori %iota3A_1135, %xor3A_1179 : vector<16xi32>
      %lt3A_1181 = arith.constant 0 : i32
      %lt3A_1182 = vector.broadcast %lt3A_1181 : i32 to vector<16xi32>
      %lt3A_1183 = arith.cmpi slt, %xor3A_1180, %lt3A_1182 : vector<16xi32>
      %add3A_1184 = arith.constant 16 : i32
      %add3A_1185 = vector.broadcast %add3A_1184 : i32 to vector<16xi32>
      %add3A_1186 = arith.addi %xor3A_1180, %add3A_1185 : vector<16xi32>
      %select_n3A_1187 = arith.select %lt3A_1183, %add3A_1186, %xor3A_1180 : vector<16xi1>, vector<16xi32>
      %broadcast_in_dim3A_1188 = vector.shape_cast %select_n3A_1187 : vector<16xi32> to vector<16x1xi32>
      %gather3A_1189 = vector.shape_cast %broadcast_in_dim3A_1188 : vector<16x1xi32> to vector<16xi32>
      %gather3A_1190 = tpu.dynamic_gather %add3A_1177[%gather3A_1189] in [0] : vector<16xf32>, vector<16xi32> -> vector<16xf32>
      %add3A_1191 = arith.addf %add3A_1177, %gather3A_1190 : vector<16xf32>
      %gt3A = arith.constant 1.000000e+00 : f32
      %gt3A_1192 = vector.broadcast %gt3A : f32 to vector<16xf32>
      %gt3A_1193 = arith.cmpf ogt, %add3A_1191, %gt3A_1192 : vector<16xf32>
      %select_n3A_1194 = arith.select %gt3A_1193, %mul3A_1121, %scan3A_1116 : vector<16xi1>, vector<16xf32>
      %select_n3A_1195 = arith.select %gt3A_1193, %scan3A_1117, %mul3A_1121 : vector<16xi1>, vector<16xf32>
      scf.yield %select_n3A_1194, %select_n3A_1195 : vector<16xf32>, vector<16xf32>
    }
    %scan3A_401 = arith.constant 14 : i32
    %add3A_402 = arith.addf %scan3A_400#0, %scan3A_400#1 : vector<16xf32>
    %mul3A_403 = arith.constant 5.000000e-01 : f32
    %mul3A_404 = vector.broadcast %mul3A_403 : f32 to vector<16xf32>
    %mul3A_405 = arith.mulf %mul3A_404, %add3A_402 : vector<16xf32>
    %broadcast_in_dim3A_406 = arith.constant 0.000000e+00 : f32
    %broadcast_in_dim3A_407 = vector.broadcast %broadcast_in_dim3A_406 : f32 to vector<16xf32>
    %while3A_408 = arith.constant 0 : i32
    %while3A_409 = arith.subi %select_n3A_395, %while3A_408 : i32
    %while3A_410 = arith.addi %while3A_408, %while3A_409 : i32
    %while3A_411 = arith.constant 1 : i32
    %while3A_412 = arith.divsi %while3A_409, %while3A_411 : i32
    %while3A_413 = arith.muli %while3A_412, %while3A_411 : i32
    %while3A_414 = arith.addi %while3A_408, %while3A_413 : i32
    %while3A_415 = arith.constant 1 : i32
    %while3A_416:2 = scf.for %while3A_1115 = %while3A_408 to %while3A_414 step %while3A_415 iter_args(%while3A_1116 = %broadcast_in_dim3A_407, %while3A_1117 = %broadcast_in_dim3A_407) -> (vector<16xf32>, vector<16xf32>)  : i32 {
      %mul3A_1118 = arith.constant 16 : i32
      %mul3A_1119 = arith.muli %while3A_1115, %mul3A_1118 : i32
      %get3A = arith.index_cast %mul3A_1119 : i32 to index
      %get3A_1120 = tpu.vector_load %arg6[%get3A] {strides = array<i32>} : memref<32768xf32, #tpu.memory_space<vmem>>, vector<16xf32>,
      %mul3A_1121 = arith.constant 16 : i32
      %mul3A_1122 = arith.muli %while3A_1115, %mul3A_1121 : i32
      %add3A_1123 = vector.broadcast %mul3A_1122 : i32 to vector<16xi32>
      %add3A_1124 = arith.addi %iota3A_289, %add3A_1123 : vector<16xi32>
      %lt3A_1125 = arith.cmpi slt, %add3A_1124, %parallel_loop3A_361 : vector<16xi32>
      %gt3A = arith.cmpf ogt, %get3A_1120, %mul3A_405 : vector<16xf32>
      %and3A_1126 = arith.andi %lt3A_1125, %gt3A : vector<16xi1>
      %jit3A_1127 = arith.constant 1.000000e+00 : f32
      %jit3A_1128 = arith.constant 0.000000e+00 : f32
      %broadcast_in_dim3A_1129 = vector.broadcast %jit3A_1127 : f32 to vector<16xf32>
      %broadcast_in_dim3A_1130 = vector.broadcast %jit3A_1128 : f32 to vector<16xf32>
      %select_n3A_1131 = arith.select %and3A_1126, %broadcast_in_dim3A_1129, %broadcast_in_dim3A_1130 : vector<16xi1>, vector<16xf32>
      %add3A_1132 = arith.addf %while3A_1116, %select_n3A_1131 : vector<16xf32>
      %jit3A_1133 = arith.constant 0.000000e+00 : f32
      %broadcast_in_dim3A_1134 = vector.broadcast %jit3A_1133 : f32 to vector<16xf32>
      %select_n3A_1135 = arith.select %and3A_1126, %get3A_1120, %broadcast_in_dim3A_1134 : vector<16xi1>, vector<16xf32>
      %add3A_1136 = arith.addf %while3A_1117, %select_n3A_1135 : vector<16xf32>
      scf.yield %add3A_1132, %add3A_1136 : vector<16xf32>, vector<16xf32>
    }
    %while3A_417 = arith.constant 1 : i32
    %while3A_418:2 = scf.for %while3A_1115 = %while3A_414 to %while3A_410 step %while3A_417 iter_args(%while3A_1116 = %while3A_416#0, %while3A_1117 = %while3A_416#1) -> (vector<16xf32>, vector<16xf32>)  : i32 {
      %mul3A_1118 = arith.constant 16 : i32
      %mul3A_1119 = arith.muli %while3A_1115, %mul3A_1118 : i32
      %get3A = arith.index_cast %mul3A_1119 : i32 to index
      %get3A_1120 = tpu.vector_load %arg6[%get3A] {strides = array<i32>} : memref<32768xf32, #tpu.memory_space<vmem>>, vector<16xf32>,
      %mul3A_1121 = arith.constant 16 : i32
      %mul3A_1122 = arith.muli %while3A_1115, %mul3A_1121 : i32
      %add3A_1123 = vector.broadcast %mul3A_1122 : i32 to vector<16xi32>
      %add3A_1124 = arith.addi %iota3A_289, %add3A_1123 : vector<16xi32>
      %lt3A_1125 = arith.cmpi slt, %add3A_1124, %parallel_loop3A_361 : vector<16xi32>
      %gt3A = arith.cmpf ogt, %get3A_1120, %mul3A_405 : vector<16xf32>
      %and3A_1126 = arith.andi %lt3A_1125, %gt3A : vector<16xi1>
      %jit3A_1127 = arith.constant 1.000000e+00 : f32
      %jit3A_1128 = arith.constant 0.000000e+00 : f32
      %broadcast_in_dim3A_1129 = vector.broadcast %jit3A_1127 : f32 to vector<16xf32>
      %broadcast_in_dim3A_1130 = vector.broadcast %jit3A_1128 : f32 to vector<16xf32>
      %select_n3A_1131 = arith.select %and3A_1126, %broadcast_in_dim3A_1129, %broadcast_in_dim3A_1130 : vector<16xi1>, vector<16xf32>
      %add3A_1132 = arith.addf %while3A_1116, %select_n3A_1131 : vector<16xf32>
      %jit3A_1133 = arith.constant 0.000000e+00 : f32
      %broadcast_in_dim3A_1134 = vector.broadcast %jit3A_1133 : f32 to vector<16xf32>
      %select_n3A_1135 = arith.select %and3A_1126, %get3A_1120, %broadcast_in_dim3A_1134 : vector<16xi1>, vector<16xf32>
      %add3A_1136 = arith.addf %while3A_1117, %select_n3A_1135 : vector<16xf32>
      scf.yield %add3A_1132, %add3A_1136 : vector<16xf32>, vector<16xf32>
    }
    %iota3A_419 = tpu.iota {dimensions = array<i32: 0>} : vector<16xi32>
    %xor3A_420 = arith.constant 1 : i32
    %xor3A_421 = vector.broadcast %xor3A_420 : i32 to vector<16xi32>
    %xor3A_422 = arith.xori %iota3A_419, %xor3A_421 : vector<16xi32>
    %lt3A_423 = arith.constant 0 : i32
    %lt3A_424 = vector.broadcast %lt3A_423 : i32 to vector<16xi32>
    %lt3A_425 = arith.cmpi slt, %xor3A_422, %lt3A_424 : vector<16xi32>
    %add3A_426 = arith.constant 16 : i32
    %add3A_427 = vector.broadcast %add3A_426 : i32 to vector<16xi32>
    %add3A_428 = arith.addi %xor3A_422, %add3A_427 : vector<16xi32>
    %select_n3A_429 = arith.select %lt3A_425, %add3A_428, %xor3A_422 : vector<16xi1>, vector<16xi32>
    %broadcast_in_dim3A_430 = vector.shape_cast %select_n3A_429 : vector<16xi32> to vector<16x1xi32>
    %gather3A_431 = vector.shape_cast %broadcast_in_dim3A_430 : vector<16x1xi32> to vector<16xi32>
    %gather3A_432 = tpu.dynamic_gather %while3A_418#0[%gather3A_431] in [0] : vector<16xf32>, vector<16xi32> -> vector<16xf32>
    %add3A_433 = arith.addf %while3A_418#0, %gather3A_432 : vector<16xf32>
    %xor3A_434 = arith.constant 2 : i32
    %xor3A_435 = vector.broadcast %xor3A_434 : i32 to vector<16xi32>
    %xor3A_436 = arith.xori %iota3A_419, %xor3A_435 : vector<16xi32>
    %lt3A_437 = arith.constant 0 : i32
    %lt3A_438 = vector.broadcast %lt3A_437 : i32 to vector<16xi32>
    %lt3A_439 = arith.cmpi slt, %xor3A_436, %lt3A_438 : vector<16xi32>
    %add3A_440 = arith.constant 16 : i32
    %add3A_441 = vector.broadcast %add3A_440 : i32 to vector<16xi32>
    %add3A_442 = arith.addi %xor3A_436, %add3A_441 : vector<16xi32>
    %select_n3A_443 = arith.select %lt3A_439, %add3A_442, %xor3A_436 : vector<16xi1>, vector<16xi32>
    %broadcast_in_dim3A_444 = vector.shape_cast %select_n3A_443 : vector<16xi32> to vector<16x1xi32>
    %gather3A_445 = vector.shape_cast %broadcast_in_dim3A_444 : vector<16x1xi32> to vector<16xi32>
    %gather3A_446 = tpu.dynamic_gather %add3A_433[%gather3A_445] in [0] : vector<16xf32>, vector<16xi32> -> vector<16xf32>
    %add3A_447 = arith.addf %add3A_433, %gather3A_446 : vector<16xf32>
    %xor3A_448 = arith.constant 4 : i32
    %xor3A_449 = vector.broadcast %xor3A_448 : i32 to vector<16xi32>
    %xor3A_450 = arith.xori %iota3A_419, %xor3A_449 : vector<16xi32>
    %lt3A_451 = arith.constant 0 : i32
    %lt3A_452 = vector.broadcast %lt3A_451 : i32 to vector<16xi32>
    %lt3A_453 = arith.cmpi slt, %xor3A_450, %lt3A_452 : vector<16xi32>
    %add3A_454 = arith.constant 16 : i32
    %add3A_455 = vector.broadcast %add3A_454 : i32 to vector<16xi32>
    %add3A_456 = arith.addi %xor3A_450, %add3A_455 : vector<16xi32>
    %select_n3A_457 = arith.select %lt3A_453, %add3A_456, %xor3A_450 : vector<16xi1>, vector<16xi32>
    %broadcast_in_dim3A_458 = vector.shape_cast %select_n3A_457 : vector<16xi32> to vector<16x1xi32>
    %gather3A_459 = vector.shape_cast %broadcast_in_dim3A_458 : vector<16x1xi32> to vector<16xi32>
    %gather3A_460 = tpu.dynamic_gather %add3A_447[%gather3A_459] in [0] : vector<16xf32>, vector<16xi32> -> vector<16xf32>
    %add3A_461 = arith.addf %add3A_447, %gather3A_460 : vector<16xf32>
    %xor3A_462 = arith.constant 8 : i32
    %xor3A_463 = vector.broadcast %xor3A_462 : i32 to vector<16xi32>
    %xor3A_464 = arith.xori %iota3A_419, %xor3A_463 : vector<16xi32>
    %lt3A_465 = arith.constant 0 : i32
    %lt3A_466 = vector.broadcast %lt3A_465 : i32 to vector<16xi32>
    %lt3A_467 = arith.cmpi slt, %xor3A_464, %lt3A_466 : vector<16xi32>
    %add3A_468 = arith.constant 16 : i32
    %add3A_469 = vector.broadcast %add3A_468 : i32 to vector<16xi32>
    %add3A_470 = arith.addi %xor3A_464, %add3A_469 : vector<16xi32>
    %select_n3A_471 = arith.select %lt3A_467, %add3A_470, %xor3A_464 : vector<16xi1>, vector<16xi32>
    %broadcast_in_dim3A_472 = vector.shape_cast %select_n3A_471 : vector<16xi32> to vector<16x1xi32>
    %gather3A_473 = vector.shape_cast %broadcast_in_dim3A_472 : vector<16x1xi32> to vector<16xi32>
    %gather3A_474 = tpu.dynamic_gather %add3A_461[%gather3A_473] in [0] : vector<16xf32>, vector<16xi32> -> vector<16xf32>
    %add3A_475 = arith.addf %add3A_461, %gather3A_474 : vector<16xf32>
    %max3A_476 = arith.constant 1.000000e+00 : f32
    %max3A_477 = vector.broadcast %max3A_476 : f32 to vector<16xf32>
    %max3A_478 = arith.maximumf %add3A_475, %max3A_477 : vector<16xf32>
    %iota3A_479 = tpu.iota {dimensions = array<i32: 0>} : vector<16xi32>
    %xor3A_480 = arith.constant 1 : i32
    %xor3A_481 = vector.broadcast %xor3A_480 : i32 to vector<16xi32>
    %xor3A_482 = arith.xori %iota3A_479, %xor3A_481 : vector<16xi32>
    %lt3A_483 = arith.constant 0 : i32
    %lt3A_484 = vector.broadcast %lt3A_483 : i32 to vector<16xi32>
    %lt3A_485 = arith.cmpi slt, %xor3A_482, %lt3A_484 : vector<16xi32>
    %add3A_486 = arith.constant 16 : i32
    %add3A_487 = vector.broadcast %add3A_486 : i32 to vector<16xi32>
    %add3A_488 = arith.addi %xor3A_482, %add3A_487 : vector<16xi32>
    %select_n3A_489 = arith.select %lt3A_485, %add3A_488, %xor3A_482 : vector<16xi1>, vector<16xi32>
    %broadcast_in_dim3A_490 = vector.shape_cast %select_n3A_489 : vector<16xi32> to vector<16x1xi32>
    %gather3A_491 = vector.shape_cast %broadcast_in_dim3A_490 : vector<16x1xi32> to vector<16xi32>
    %gather3A_492 = tpu.dynamic_gather %while3A_418#1[%gather3A_491] in [0] : vector<16xf32>, vector<16xi32> -> vector<16xf32>
    %add3A_493 = arith.addf %while3A_418#1, %gather3A_492 : vector<16xf32>
    %xor3A_494 = arith.constant 2 : i32
    %xor3A_495 = vector.broadcast %xor3A_494 : i32 to vector<16xi32>
    %xor3A_496 = arith.xori %iota3A_479, %xor3A_495 : vector<16xi32>
    %lt3A_497 = arith.constant 0 : i32
    %lt3A_498 = vector.broadcast %lt3A_497 : i32 to vector<16xi32>
    %lt3A_499 = arith.cmpi slt, %xor3A_496, %lt3A_498 : vector<16xi32>
    %add3A_500 = arith.constant 16 : i32
    %add3A_501 = vector.broadcast %add3A_500 : i32 to vector<16xi32>
    %add3A_502 = arith.addi %xor3A_496, %add3A_501 : vector<16xi32>
    %select_n3A_503 = arith.select %lt3A_499, %add3A_502, %xor3A_496 : vector<16xi1>, vector<16xi32>
    %broadcast_in_dim3A_504 = vector.shape_cast %select_n3A_503 : vector<16xi32> to vector<16x1xi32>
    %gather3A_505 = vector.shape_cast %broadcast_in_dim3A_504 : vector<16x1xi32> to vector<16xi32>
    %gather3A_506 = tpu.dynamic_gather %add3A_493[%gather3A_505] in [0] : vector<16xf32>, vector<16xi32> -> vector<16xf32>
    %add3A_507 = arith.addf %add3A_493, %gather3A_506 : vector<16xf32>
    %xor3A_508 = arith.constant 4 : i32
    %xor3A_509 = vector.broadcast %xor3A_508 : i32 to vector<16xi32>
    %xor3A_510 = arith.xori %iota3A_479, %xor3A_509 : vector<16xi32>
    %lt3A_511 = arith.constant 0 : i32
    %lt3A_512 = vector.broadcast %lt3A_511 : i32 to vector<16xi32>
    %lt3A_513 = arith.cmpi slt, %xor3A_510, %lt3A_512 : vector<16xi32>
    %add3A_514 = arith.constant 16 : i32
    %add3A_515 = vector.broadcast %add3A_514 : i32 to vector<16xi32>
    %add3A_516 = arith.addi %xor3A_510, %add3A_515 : vector<16xi32>
    %select_n3A_517 = arith.select %lt3A_513, %add3A_516, %xor3A_510 : vector<16xi1>, vector<16xi32>
    %broadcast_in_dim3A_518 = vector.shape_cast %select_n3A_517 : vector<16xi32> to vector<16x1xi32>
    %gather3A_519 = vector.shape_cast %broadcast_in_dim3A_518 : vector<16x1xi32> to vector<16xi32>
    %gather3A_520 = tpu.dynamic_gather %add3A_507[%gather3A_519] in [0] : vector<16xf32>, vector<16xi32> -> vector<16xf32>
    %add3A_521 = arith.addf %add3A_507, %gather3A_520 : vector<16xf32>
    %xor3A_522 = arith.constant 8 : i32
    %xor3A_523 = vector.broadcast %xor3A_522 : i32 to vector<16xi32>
    %xor3A_524 = arith.xori %iota3A_479, %xor3A_523 : vector<16xi32>
    %lt3A_525 = arith.constant 0 : i32
    %lt3A_526 = vector.broadcast %lt3A_525 : i32 to vector<16xi32>
    %lt3A_527 = arith.cmpi slt, %xor3A_524, %lt3A_526 : vector<16xi32>
    %add3A_528 = arith.constant 16 : i32
    %add3A_529 = vector.broadcast %add3A_528 : i32 to vector<16xi32>
    %add3A_530 = arith.addi %xor3A_524, %add3A_529 : vector<16xi32>
    %select_n3A_531 = arith.select %lt3A_527, %add3A_530, %xor3A_524 : vector<16xi1>, vector<16xi32>
    %broadcast_in_dim3A_532 = vector.shape_cast %select_n3A_531 : vector<16xi32> to vector<16x1xi32>
    %gather3A_533 = vector.shape_cast %broadcast_in_dim3A_532 : vector<16x1xi32> to vector<16xi32>
    %gather3A_534 = tpu.dynamic_gather %add3A_521[%gather3A_533] in [0] : vector<16xf32>, vector<16xi32> -> vector<16xf32>
    %add3A_535 = arith.addf %add3A_521, %gather3A_534 : vector<16xf32>
    %sub3A_536 = arith.constant 1.000000e+00 : f32
    %sub3A_537 = vector.broadcast %sub3A_536 : f32 to vector<16xf32>
    %sub3A_538 = arith.subf %add3A_535, %sub3A_537 : vector<16xf32>
    %div3A_539 = arith.divf %sub3A_538, %max3A_478 : vector<16xf32>
    %parallel_loop3A_540 = arith.constant 0 : i32
    %parallel_loop3A_541 = arith.constant 2048 : i32
    %parallel_loop3A_542 = arith.constant 1 : i32
    scf.for %parallel_loop3A_1115 = %parallel_loop3A_540 to %parallel_loop3A_541 step %parallel_loop3A_542  : i32 {
      %parallel_loop3A_1116 = arith.constant 16 : i32
      %parallel_loop3A_1117 = arith.muli %parallel_loop3A_1115, %parallel_loop3A_1116 : i32
      %parallel_loop3A_1118 = arith.index_cast %parallel_loop3A_1117 : i32 to index
      %parallel_loop3A_1119 = tpu.vector_load %arg5[%parallel_loop3A_1118] {strides = array<i32>} : memref<32768xf32, #tpu.memory_space<vmem>>, vector<16xf32>,
      %parallel_loop3A_1120 = arith.addf %parallel_loop3A_1119, %div3A_539 : vector<16xf32>
      %parallel_loop3A_1121 = arith.constant 0.000000e+00 : f32
      %parallel_loop3A_1122 = vector.broadcast %parallel_loop3A_1121 : f32 to vector<16xf32>
      %parallel_loop3A_1123 = arith.maximumf %parallel_loop3A_1120, %parallel_loop3A_1122 : vector<16xf32>
      %parallel_loop3A_1124 = arith.index_cast %parallel_loop3A_1117 : i32 to index
      %parallel_loop3A_1125 = tpu.vector_load %arg5[%parallel_loop3A_1124] {strides = array<i32>} : memref<32768xf32, #tpu.memory_space<vmem>>, vector<16xf32>,
      tpu.vector_store %arg5[%parallel_loop3A_1124], %parallel_loop3A_1123 {strides = array<i32>} : memref<32768xf32, #tpu.memory_space<vmem>>, vector<16xf32>,
    } {sc.loop_unroll_factor = 16 : i64, sc.parallel_access}
    %add3A_543 = arith.constant 1 : i32
    %add3A_544 = arith.addi %mul3A_2, %add3A_543 : i32
    %dma_start3A_545 = arith.constant 0 : i32
    %dma_start3A_546 = tpu.memref_slice %arg3[%add3A_544, %dma_start3A_545] : memref<128x32768xf32, #tpu.memory_space<hbm>> -> memref<1x32768xf32, #tpu.memory_space<hbm>>
    %dma_start3A_547 = tpu.memref_squeeze %dma_start3A_546 : memref<1x32768xf32, #tpu.memory_space<hbm>> -> memref<32768xf32, #tpu.memory_space<hbm>>
    %dma_start3A_548 = arith.constant 0 : i32
    %dma_start3A_549 = tpu.memref_slice %arg3[%add3A_544, %dma_start3A_548] : memref<128x32768xf32, #tpu.memory_space<hbm>> -> memref<1x32768xf32, #tpu.memory_space<hbm>>
    %dma_start3A_550 = tpu.memref_squeeze %dma_start3A_549 : memref<1x32768xf32, #tpu.memory_space<hbm>> -> memref<32768xf32, #tpu.memory_space<hbm>>
    tpu.enqueue_dma source(%arg5 : memref<32768xf32, #tpu.memory_space<vmem>>) target(%dma_start3A_550 : memref<32768xf32, #tpu.memory_space<hbm>>) target_semaphore(%arg10 : memref<!tpu.dma_semaphore, #tpu.memory_space<semaphore_mem>>)
    %dma_wait3A_551 = arith.constant 0 : i32
    %dma_wait3A_552 = tpu.memref_slice %arg3[%add3A_544, %dma_wait3A_551] : memref<128x32768xf32, #tpu.memory_space<hbm>> -> memref<1x32768xf32, #tpu.memory_space<hbm>>
    %dma_wait3A_553 = tpu.memref_squeeze %dma_wait3A_552 : memref<1x32768xf32, #tpu.memory_space<hbm>> -> memref<32768xf32, #tpu.memory_space<hbm>>
    %dma_wait3A_554 = arith.constant 0 : i32
    %dma_wait3A_555 = tpu.memref_slice %arg3[%add3A_544, %dma_wait3A_554] : memref<128x32768xf32, #tpu.memory_space<hbm>> -> memref<1x32768xf32, #tpu.memory_space<hbm>>
    %dma_wait3A_556 = tpu.memref_squeeze %dma_wait3A_555 : memref<1x32768xf32, #tpu.memory_space<hbm>> -> memref<32768xf32, #tpu.memory_space<hbm>>
    tpu.wait_dma2 semaphore(%arg10 : memref<!tpu.dma_semaphore, #tpu.memory_space<semaphore_mem>>) src(%arg5 : memref<32768xf32, #tpu.memory_space<vmem>>) dst(%dma_wait3A_556 : memref<32768xf32, #tpu.memory_space<hbm>>)
    %add3A_557 = arith.constant 2 : i32
    %add3A_558 = arith.addi %mul3A_2, %add3A_557 : i32
    %add3A_559 = arith.constant 1 : i32
    %add3A_560 = arith.addi %add3A_558, %add3A_559 : i32
    %dma_start3A_561 = arith.constant 0 : i32
    %dma_start3A_562 = tpu.memref_slice %arg2[%add3A_560, %dma_start3A_561] : memref<128x32768xf32, #tpu.memory_space<hbm>> -> memref<1x32768xf32, #tpu.memory_space<hbm>>
    %dma_start3A_563 = tpu.memref_squeeze %dma_start3A_562 : memref<1x32768xf32, #tpu.memory_space<hbm>> -> memref<32768xf32, #tpu.memory_space<hbm>>
    %dma_start3A_564 = arith.constant 0 : i32
    %dma_start3A_565 = tpu.memref_slice %arg2[%add3A_560, %dma_start3A_564] : memref<128x32768xf32, #tpu.memory_space<hbm>> -> memref<1x32768xf32, #tpu.memory_space<hbm>>
    %dma_start3A_566 = tpu.memref_squeeze %dma_start3A_565 : memref<1x32768xf32, #tpu.memory_space<hbm>> -> memref<32768xf32, #tpu.memory_space<hbm>>
    tpu.enqueue_dma source(%dma_start3A_566 : memref<32768xf32, #tpu.memory_space<hbm>>) target(%arg5 : memref<32768xf32, #tpu.memory_space<vmem>>) target_semaphore(%arg8 : memref<!tpu.dma_semaphore, #tpu.memory_space<semaphore_mem>>)
    %dma_wait3A_567 = arith.constant 0 : i32
    %dma_wait3A_568 = tpu.memref_slice %arg2[%add3A_276, %dma_wait3A_567] : memref<128x32768xf32, #tpu.memory_space<hbm>> -> memref<1x32768xf32, #tpu.memory_space<hbm>>
    %dma_wait3A_569 = tpu.memref_squeeze %dma_wait3A_568 : memref<1x32768xf32, #tpu.memory_space<hbm>> -> memref<32768xf32, #tpu.memory_space<hbm>>
    %dma_wait3A_570 = arith.constant 0 : i32
    %dma_wait3A_571 = tpu.memref_slice %arg2[%add3A_276, %dma_wait3A_570] : memref<128x32768xf32, #tpu.memory_space<hbm>> -> memref<1x32768xf32, #tpu.memory_space<hbm>>
    %dma_wait3A_572 = tpu.memref_squeeze %dma_wait3A_571 : memref<1x32768xf32, #tpu.memory_space<hbm>> -> memref<32768xf32, #tpu.memory_space<hbm>>
    tpu.wait_dma2 semaphore(%arg7 : memref<!tpu.dma_semaphore, #tpu.memory_space<semaphore_mem>>) src(%dma_wait3A_572 : memref<32768xf32, #tpu.memory_space<hbm>>) dst(%arg4 : memref<32768xf32, #tpu.memory_space<vmem>>)
    %iota3A_573 = tpu.iota {dimensions = array<i32: 0>} : vector<16xi32>
    %broadcast_in_dim3A_574 = arith.constant 0xFF800000 : f32
    %broadcast_in_dim3A_575 = vector.broadcast %broadcast_in_dim3A_574 : f32 to vector<16xf32>
    %parallel_loop3A_576 = arith.constant 0 : i32
    %parallel_loop3A_577 = arith.constant 2048 : i32
    %parallel_loop3A_578 = arith.constant 1 : i32
    %parallel_loop3A_579 = scf.for %parallel_loop3A_1115 = %parallel_loop3A_576 to %parallel_loop3A_577 step %parallel_loop3A_578 iter_args(%parallel_loop3A_1116 = %broadcast_in_dim3A_575) -> (vector<16xf32>)  : i32 {
      %parallel_loop3A_1117 = arith.constant 16 : i32
      %parallel_loop3A_1118 = arith.muli %parallel_loop3A_1115, %parallel_loop3A_1117 : i32
      %parallel_loop3A_1119 = arith.index_cast %parallel_loop3A_1118 : i32 to index
      %parallel_loop3A_1120 = tpu.vector_load %arg4[%parallel_loop3A_1119] {strides = array<i32>} : memref<32768xf32, #tpu.memory_space<vmem>>, vector<16xf32>,
      %parallel_loop3A_1121 = arith.maximumf %parallel_loop3A_1116, %parallel_loop3A_1120 : vector<16xf32>
      scf.yield %parallel_loop3A_1121 : vector<16xf32>
    } {sc.loop_unroll_factor = 16 : i64, sc.parallel_access}
    %iota3A_580 = tpu.iota {dimensions = array<i32: 0>} : vector<16xi32>
    %xor3A_581 = arith.constant 1 : i32
    %xor3A_582 = vector.broadcast %xor3A_581 : i32 to vector<16xi32>
    %xor3A_583 = arith.xori %iota3A_580, %xor3A_582 : vector<16xi32>
    %lt3A_584 = arith.constant 0 : i32
    %lt3A_585 = vector.broadcast %lt3A_584 : i32 to vector<16xi32>
    %lt3A_586 = arith.cmpi slt, %xor3A_583, %lt3A_585 : vector<16xi32>
    %add3A_587 = arith.constant 16 : i32
    %add3A_588 = vector.broadcast %add3A_587 : i32 to vector<16xi32>
    %add3A_589 = arith.addi %xor3A_583, %add3A_588 : vector<16xi32>
    %select_n3A_590 = arith.select %lt3A_586, %add3A_589, %xor3A_583 : vector<16xi1>, vector<16xi32>
    %broadcast_in_dim3A_591 = vector.shape_cast %select_n3A_590 : vector<16xi32> to vector<16x1xi32>
    %gather3A_592 = vector.shape_cast %broadcast_in_dim3A_591 : vector<16x1xi32> to vector<16xi32>
    %gather3A_593 = tpu.dynamic_gather %parallel_loop3A_579[%gather3A_592] in [0] : vector<16xf32>, vector<16xi32> -> vector<16xf32>
    %max3A_594 = arith.maximumf %parallel_loop3A_579, %gather3A_593 : vector<16xf32>
    %xor3A_595 = arith.constant 2 : i32
    %xor3A_596 = vector.broadcast %xor3A_595 : i32 to vector<16xi32>
    %xor3A_597 = arith.xori %iota3A_580, %xor3A_596 : vector<16xi32>
    %lt3A_598 = arith.constant 0 : i32
    %lt3A_599 = vector.broadcast %lt3A_598 : i32 to vector<16xi32>
    %lt3A_600 = arith.cmpi slt, %xor3A_597, %lt3A_599 : vector<16xi32>
    %add3A_601 = arith.constant 16 : i32
    %add3A_602 = vector.broadcast %add3A_601 : i32 to vector<16xi32>
    %add3A_603 = arith.addi %xor3A_597, %add3A_602 : vector<16xi32>
    %select_n3A_604 = arith.select %lt3A_600, %add3A_603, %xor3A_597 : vector<16xi1>, vector<16xi32>
    %broadcast_in_dim3A_605 = vector.shape_cast %select_n3A_604 : vector<16xi32> to vector<16x1xi32>
    %gather3A_606 = vector.shape_cast %broadcast_in_dim3A_605 : vector<16x1xi32> to vector<16xi32>
    %gather3A_607 = tpu.dynamic_gather %max3A_594[%gather3A_606] in [0] : vector<16xf32>, vector<16xi32> -> vector<16xf32>
    %max3A_608 = arith.maximumf %max3A_594, %gather3A_607 : vector<16xf32>
    %xor3A_609 = arith.constant 4 : i32
    %xor3A_610 = vector.broadcast %xor3A_609 : i32 to vector<16xi32>
    %xor3A_611 = arith.xori %iota3A_580, %xor3A_610 : vector<16xi32>
    %lt3A_612 = arith.constant 0 : i32
    %lt3A_613 = vector.broadcast %lt3A_612 : i32 to vector<16xi32>
    %lt3A_614 = arith.cmpi slt, %xor3A_611, %lt3A_613 : vector<16xi32>
    %add3A_615 = arith.constant 16 : i32
    %add3A_616 = vector.broadcast %add3A_615 : i32 to vector<16xi32>
    %add3A_617 = arith.addi %xor3A_611, %add3A_616 : vector<16xi32>
    %select_n3A_618 = arith.select %lt3A_614, %add3A_617, %xor3A_611 : vector<16xi1>, vector<16xi32>
    %broadcast_in_dim3A_619 = vector.shape_cast %select_n3A_618 : vector<16xi32> to vector<16x1xi32>
    %gather3A_620 = vector.shape_cast %broadcast_in_dim3A_619 : vector<16x1xi32> to vector<16xi32>
    %gather3A_621 = tpu.dynamic_gather %max3A_608[%gather3A_620] in [0] : vector<16xf32>, vector<16xi32> -> vector<16xf32>
    %max3A_622 = arith.maximumf %max3A_608, %gather3A_621 : vector<16xf32>
    %xor3A_623 = arith.constant 8 : i32
    %xor3A_624 = vector.broadcast %xor3A_623 : i32 to vector<16xi32>
    %xor3A_625 = arith.xori %iota3A_580, %xor3A_624 : vector<16xi32>
    %lt3A_626 = arith.constant 0 : i32
    %lt3A_627 = vector.broadcast %lt3A_626 : i32 to vector<16xi32>
    %lt3A_628 = arith.cmpi slt, %xor3A_625, %lt3A_627 : vector<16xi32>
    %add3A_629 = arith.constant 16 : i32
    %add3A_630 = vector.broadcast %add3A_629 : i32 to vector<16xi32>
    %add3A_631 = arith.addi %xor3A_625, %add3A_630 : vector<16xi32>
    %select_n3A_632 = arith.select %lt3A_628, %add3A_631, %xor3A_625 : vector<16xi1>, vector<16xi32>
    %broadcast_in_dim3A_633 = vector.shape_cast %select_n3A_632 : vector<16xi32> to vector<16x1xi32>
    %gather3A_634 = vector.shape_cast %broadcast_in_dim3A_633 : vector<16x1xi32> to vector<16xi32>
    %gather3A_635 = tpu.dynamic_gather %max3A_622[%gather3A_634] in [0] : vector<16xf32>, vector<16xi32> -> vector<16xf32>
    %max3A_636 = arith.maximumf %max3A_622, %gather3A_635 : vector<16xf32>
    %sub3A_637 = arith.constant 1.000000e+00 : f32
    %sub3A_638 = vector.broadcast %sub3A_637 : f32 to vector<16xf32>
    %sub3A_639 = arith.subf %max3A_636, %sub3A_638 : vector<16xf32>
    %broadcast_in_dim3A_640 = arith.constant 0 : i32
    %broadcast_in_dim3A_641 = vector.broadcast %broadcast_in_dim3A_640 : i32 to vector<16xi32>
    %parallel_loop3A_642 = arith.constant 0 : i32
    %parallel_loop3A_643 = arith.constant 2048 : i32
    %parallel_loop3A_644 = arith.constant 1 : i32
    %parallel_loop3A_645 = scf.for %parallel_loop3A_1115 = %parallel_loop3A_642 to %parallel_loop3A_643 step %parallel_loop3A_644 iter_args(%parallel_loop3A_1116 = %broadcast_in_dim3A_641) -> (vector<16xi32>)  : i32 {
      %parallel_loop3A_1117 = arith.constant 16 : i32
      %parallel_loop3A_1118 = arith.muli %parallel_loop3A_1115, %parallel_loop3A_1117 : i32
      %parallel_loop3A_1119 = arith.index_cast %parallel_loop3A_1118 : i32 to index
      %parallel_loop3A_1120 = tpu.vector_load %arg4[%parallel_loop3A_1119] {strides = array<i32>} : memref<32768xf32, #tpu.memory_space<vmem>>, vector<16xf32>,
      %parallel_loop3A_1121 = arith.cmpf oge, %parallel_loop3A_1120, %sub3A_639 : vector<16xf32>
      %parallel_loop3A_1122 = arith.constant 1 : i32
      %parallel_loop3A_1123 = arith.constant 0 : i32
      %parallel_loop3A_1124 = vector.broadcast %parallel_loop3A_1122 : i32 to vector<16xi32>
      %parallel_loop3A_1125 = vector.broadcast %parallel_loop3A_1123 : i32 to vector<16xi32>
      %parallel_loop3A_1126 = arith.select %parallel_loop3A_1121, %parallel_loop3A_1124, %parallel_loop3A_1125 : vector<16xi1>, vector<16xi32>
      %parallel_loop3A_1127 = arith.constant true
      %parallel_loop3A_1128 = vector.broadcast %parallel_loop3A_1127 : i1 to vector<16xi1>
      %parallel_loop3A_1129 = tpu.scan <sum>, %parallel_loop3A_1126 masked %parallel_loop3A_1128 : vector<16xi32>, vector<16xi1> -> vector<16xi32>
      %parallel_loop3A_1130 = arith.addi %parallel_loop3A_1116, %parallel_loop3A_1129 : vector<16xi32>
      %parallel_loop3A_1131 = arith.subi %parallel_loop3A_1130, %parallel_loop3A_1126 : vector<16xi32>
      tpu.vector_store_idx %arg6[%parallel_loop3A_1131], %parallel_loop3A_1120 masked %parallel_loop3A_1121 : memref<32768xf32, #tpu.memory_space<vmem>>[vector<16xi32>], vector<16xf32>, vector<16xi1>
      %parallel_loop3A_1132 = tpu.all_reduce %parallel_loop3A_1121 {dim = 0 : i64, kind = #tpu.reduction_kind<sum>} : vector<16xi1> -> vector<16xi32>
      %parallel_loop3A_1133 = arith.addi %parallel_loop3A_1116, %parallel_loop3A_1132 : vector<16xi32>
      scf.yield %parallel_loop3A_1133 : vector<16xi32>
    } {sc.loop_unroll_factor = 16 : i64, sc.parallel_access}
    %reduce_max3A_646 = arith.constant true
    %reduce_max3A_647 = vector.broadcast %reduce_max3A_646 : i1 to vector<16xi1>
    %reduce_max3A_648 = arith.constant -2147483648 : i32
    %reduce_max3A_649 = vector.broadcast %reduce_max3A_648 : i32 to vector<16xi32>
    %reduce_max3A_650 = arith.xori %parallel_loop3A_645, %reduce_max3A_649 : vector<16xi32>
    %reduce_max3A_651 = tpu.scan <max>, %reduce_max3A_650 masked %reduce_max3A_647 : vector<16xi32>, vector<16xi1> -> vector<16xi32>
    %reduce_max3A_652 = arith.xori %reduce_max3A_651, %reduce_max3A_649 : vector<16xi32>
    %reduce_max3A_653 = vector.extract %reduce_max3A_652[15] : i32 from vector<16xi32>
    %add3A_654 = arith.constant 15 : i32
    %add3A_655 = arith.addi %reduce_max3A_653, %add3A_654 : i32
    %jit3A_656 = arith.constant 16 : i32
    %div3A_657 = arith.divsi %add3A_655, %jit3A_656 : i32
    %sign3A_658 = arith.constant 0 : i32
    %sign3A_659 = arith.cmpi sgt, %add3A_655, %sign3A_658 : i32
    %sign3A_660 = arith.extui %sign3A_659 : i1 to i32
    %sign3A_661 = arith.constant 0 : i32
    %sign3A_662 = arith.cmpi slt, %add3A_655, %sign3A_661 : i32
    %sign3A_663 = arith.extui %sign3A_662 : i1 to i32
    %sign3A_664 = arith.subi %sign3A_660, %sign3A_663 : i32
    %sign3A_665 = arith.constant 0 : i32
    %sign3A_666 = arith.cmpi sgt, %jit3A_656, %sign3A_665 : i32
    %sign3A_667 = arith.extui %sign3A_666 : i1 to i32
    %sign3A_668 = arith.constant 0 : i32
    %sign3A_669 = arith.cmpi slt, %jit3A_656, %sign3A_668 : i32
    %sign3A_670 = arith.extui %sign3A_669 : i1 to i32
    %sign3A_671 = arith.subi %sign3A_667, %sign3A_670 : i32
    %ne3A_672 = arith.cmpi ne, %sign3A_664, %sign3A_671 : i32
    %rem3A_673 = arith.remsi %add3A_655, %jit3A_656 : i32
    %ne3A_674 = arith.constant 0 : i32
    %ne3A_675 = arith.cmpi ne, %rem3A_673, %ne3A_674 : i32
    %and3A_676 = arith.andi %ne3A_672, %ne3A_675 : i1
    %sub3A_677 = arith.constant 1 : i32
    %sub3A_678 = arith.subi %div3A_657, %sub3A_677 : i32
    %select_n3A_679 = arith.select %and3A_676, %sub3A_678, %div3A_657 : i32
    %scan3A_680 = arith.constant 0 : i32
    %scan3A_681 = arith.constant 14 : i32
    %scan3A_682 = arith.addi %scan3A_680, %scan3A_681 : i32
    %scan3A_683 = arith.constant 1 : i32
    %scan3A_684:2 = scf.for %scan3A_1115 = %scan3A_680 to %scan3A_682 step %scan3A_683 iter_args(%scan3A_1116 = %sub3A_639, %scan3A_1117 = %max3A_636) -> (vector<16xf32>, vector<16xf32>)  : i32 {
      %add3A_1118 = arith.addf %scan3A_1116, %scan3A_1117 : vector<16xf32>
      %mul3A_1119 = arith.constant 5.000000e-01 : f32
      %mul3A_1120 = vector.broadcast %mul3A_1119 : f32 to vector<16xf32>
      %mul3A_1121 = arith.mulf %mul3A_1120, %add3A_1118 : vector<16xf32>
      %broadcast_in_dim3A_1122 = arith.constant 0.000000e+00 : f32
      %broadcast_in_dim3A_1123 = vector.broadcast %broadcast_in_dim3A_1122 : f32 to vector<16xf32>
      %while3A_1124 = arith.constant 0 : i32
      %while3A_1125 = arith.subi %select_n3A_679, %while3A_1124 : i32
      %while3A_1126 = arith.addi %while3A_1124, %while3A_1125 : i32
      %while3A_1127 = arith.constant 1 : i32
      %while3A_1128 = arith.divsi %while3A_1125, %while3A_1127 : i32
      %while3A_1129 = arith.muli %while3A_1128, %while3A_1127 : i32
      %while3A_1130 = arith.addi %while3A_1124, %while3A_1129 : i32
      %while3A_1131 = arith.constant 1 : i32
      %while3A_1132 = scf.for %while3A_1196 = %while3A_1124 to %while3A_1130 step %while3A_1131 iter_args(%while3A_1197 = %broadcast_in_dim3A_1123) -> (vector<16xf32>)  : i32 {
        %mul3A_1198 = arith.constant 16 : i32
        %mul3A_1199 = arith.muli %while3A_1196, %mul3A_1198 : i32
        %get3A = arith.index_cast %mul3A_1199 : i32 to index
        %get3A_1200 = tpu.vector_load %arg6[%get3A] {strides = array<i32>} : memref<32768xf32, #tpu.memory_space<vmem>>, vector<16xf32>,
        %mul3A_1201 = arith.constant 16 : i32
        %mul3A_1202 = arith.muli %while3A_1196, %mul3A_1201 : i32
        %add3A_1203 = vector.broadcast %mul3A_1202 : i32 to vector<16xi32>
        %add3A_1204 = arith.addi %iota3A_573, %add3A_1203 : vector<16xi32>
        %lt3A_1205 = arith.cmpi slt, %add3A_1204, %parallel_loop3A_645 : vector<16xi32>
        %sub3A_1206 = arith.subf %get3A_1200, %mul3A_1121 : vector<16xf32>
        %max3A_1207 = arith.constant 0.000000e+00 : f32
        %max3A_1208 = vector.broadcast %max3A_1207 : f32 to vector<16xf32>
        %max3A_1209 = arith.maximumf %sub3A_1206, %max3A_1208 : vector<16xf32>
        %jit3A_1210 = arith.constant 0.000000e+00 : f32
        %broadcast_in_dim3A_1211 = vector.broadcast %jit3A_1210 : f32 to vector<16xf32>
        %select_n3A_1212 = arith.select %lt3A_1205, %max3A_1209, %broadcast_in_dim3A_1211 : vector<16xi1>, vector<16xf32>
        %add3A_1213 = arith.addf %while3A_1197, %select_n3A_1212 : vector<16xf32>
        scf.yield %add3A_1213 : vector<16xf32>
      }
      %while3A_1133 = arith.constant 1 : i32
      %while3A_1134 = scf.for %while3A_1196 = %while3A_1130 to %while3A_1126 step %while3A_1133 iter_args(%while3A_1197 = %while3A_1132) -> (vector<16xf32>)  : i32 {
        %mul3A_1198 = arith.constant 16 : i32
        %mul3A_1199 = arith.muli %while3A_1196, %mul3A_1198 : i32
        %get3A = arith.index_cast %mul3A_1199 : i32 to index
        %get3A_1200 = tpu.vector_load %arg6[%get3A] {strides = array<i32>} : memref<32768xf32, #tpu.memory_space<vmem>>, vector<16xf32>,
        %mul3A_1201 = arith.constant 16 : i32
        %mul3A_1202 = arith.muli %while3A_1196, %mul3A_1201 : i32
        %add3A_1203 = vector.broadcast %mul3A_1202 : i32 to vector<16xi32>
        %add3A_1204 = arith.addi %iota3A_573, %add3A_1203 : vector<16xi32>
        %lt3A_1205 = arith.cmpi slt, %add3A_1204, %parallel_loop3A_645 : vector<16xi32>
        %sub3A_1206 = arith.subf %get3A_1200, %mul3A_1121 : vector<16xf32>
        %max3A_1207 = arith.constant 0.000000e+00 : f32
        %max3A_1208 = vector.broadcast %max3A_1207 : f32 to vector<16xf32>
        %max3A_1209 = arith.maximumf %sub3A_1206, %max3A_1208 : vector<16xf32>
        %jit3A_1210 = arith.constant 0.000000e+00 : f32
        %broadcast_in_dim3A_1211 = vector.broadcast %jit3A_1210 : f32 to vector<16xf32>
        %select_n3A_1212 = arith.select %lt3A_1205, %max3A_1209, %broadcast_in_dim3A_1211 : vector<16xi1>, vector<16xf32>
        %add3A_1213 = arith.addf %while3A_1197, %select_n3A_1212 : vector<16xf32>
        scf.yield %add3A_1213 : vector<16xf32>
      }
      %iota3A_1135 = tpu.iota {dimensions = array<i32: 0>} : vector<16xi32>
      %xor3A_1136 = arith.constant 1 : i32
      %xor3A_1137 = vector.broadcast %xor3A_1136 : i32 to vector<16xi32>
      %xor3A_1138 = arith.xori %iota3A_1135, %xor3A_1137 : vector<16xi32>
      %lt3A_1139 = arith.constant 0 : i32
      %lt3A_1140 = vector.broadcast %lt3A_1139 : i32 to vector<16xi32>
      %lt3A_1141 = arith.cmpi slt, %xor3A_1138, %lt3A_1140 : vector<16xi32>
      %add3A_1142 = arith.constant 16 : i32
      %add3A_1143 = vector.broadcast %add3A_1142 : i32 to vector<16xi32>
      %add3A_1144 = arith.addi %xor3A_1138, %add3A_1143 : vector<16xi32>
      %select_n3A_1145 = arith.select %lt3A_1141, %add3A_1144, %xor3A_1138 : vector<16xi1>, vector<16xi32>
      %broadcast_in_dim3A_1146 = vector.shape_cast %select_n3A_1145 : vector<16xi32> to vector<16x1xi32>
      %gather3A_1147 = vector.shape_cast %broadcast_in_dim3A_1146 : vector<16x1xi32> to vector<16xi32>
      %gather3A_1148 = tpu.dynamic_gather %while3A_1134[%gather3A_1147] in [0] : vector<16xf32>, vector<16xi32> -> vector<16xf32>
      %add3A_1149 = arith.addf %while3A_1134, %gather3A_1148 : vector<16xf32>
      %xor3A_1150 = arith.constant 2 : i32
      %xor3A_1151 = vector.broadcast %xor3A_1150 : i32 to vector<16xi32>
      %xor3A_1152 = arith.xori %iota3A_1135, %xor3A_1151 : vector<16xi32>
      %lt3A_1153 = arith.constant 0 : i32
      %lt3A_1154 = vector.broadcast %lt3A_1153 : i32 to vector<16xi32>
      %lt3A_1155 = arith.cmpi slt, %xor3A_1152, %lt3A_1154 : vector<16xi32>
      %add3A_1156 = arith.constant 16 : i32
      %add3A_1157 = vector.broadcast %add3A_1156 : i32 to vector<16xi32>
      %add3A_1158 = arith.addi %xor3A_1152, %add3A_1157 : vector<16xi32>
      %select_n3A_1159 = arith.select %lt3A_1155, %add3A_1158, %xor3A_1152 : vector<16xi1>, vector<16xi32>
      %broadcast_in_dim3A_1160 = vector.shape_cast %select_n3A_1159 : vector<16xi32> to vector<16x1xi32>
      %gather3A_1161 = vector.shape_cast %broadcast_in_dim3A_1160 : vector<16x1xi32> to vector<16xi32>
      %gather3A_1162 = tpu.dynamic_gather %add3A_1149[%gather3A_1161] in [0] : vector<16xf32>, vector<16xi32> -> vector<16xf32>
      %add3A_1163 = arith.addf %add3A_1149, %gather3A_1162 : vector<16xf32>
      %xor3A_1164 = arith.constant 4 : i32
      %xor3A_1165 = vector.broadcast %xor3A_1164 : i32 to vector<16xi32>
      %xor3A_1166 = arith.xori %iota3A_1135, %xor3A_1165 : vector<16xi32>
      %lt3A_1167 = arith.constant 0 : i32
      %lt3A_1168 = vector.broadcast %lt3A_1167 : i32 to vector<16xi32>
      %lt3A_1169 = arith.cmpi slt, %xor3A_1166, %lt3A_1168 : vector<16xi32>
      %add3A_1170 = arith.constant 16 : i32
      %add3A_1171 = vector.broadcast %add3A_1170 : i32 to vector<16xi32>
      %add3A_1172 = arith.addi %xor3A_1166, %add3A_1171 : vector<16xi32>
      %select_n3A_1173 = arith.select %lt3A_1169, %add3A_1172, %xor3A_1166 : vector<16xi1>, vector<16xi32>
      %broadcast_in_dim3A_1174 = vector.shape_cast %select_n3A_1173 : vector<16xi32> to vector<16x1xi32>
      %gather3A_1175 = vector.shape_cast %broadcast_in_dim3A_1174 : vector<16x1xi32> to vector<16xi32>
      %gather3A_1176 = tpu.dynamic_gather %add3A_1163[%gather3A_1175] in [0] : vector<16xf32>, vector<16xi32> -> vector<16xf32>
      %add3A_1177 = arith.addf %add3A_1163, %gather3A_1176 : vector<16xf32>
      %xor3A_1178 = arith.constant 8 : i32
      %xor3A_1179 = vector.broadcast %xor3A_1178 : i32 to vector<16xi32>
      %xor3A_1180 = arith.xori %iota3A_1135, %xor3A_1179 : vector<16xi32>
      %lt3A_1181 = arith.constant 0 : i32
      %lt3A_1182 = vector.broadcast %lt3A_1181 : i32 to vector<16xi32>
      %lt3A_1183 = arith.cmpi slt, %xor3A_1180, %lt3A_1182 : vector<16xi32>
      %add3A_1184 = arith.constant 16 : i32
      %add3A_1185 = vector.broadcast %add3A_1184 : i32 to vector<16xi32>
      %add3A_1186 = arith.addi %xor3A_1180, %add3A_1185 : vector<16xi32>
      %select_n3A_1187 = arith.select %lt3A_1183, %add3A_1186, %xor3A_1180 : vector<16xi1>, vector<16xi32>
      %broadcast_in_dim3A_1188 = vector.shape_cast %select_n3A_1187 : vector<16xi32> to vector<16x1xi32>
      %gather3A_1189 = vector.shape_cast %broadcast_in_dim3A_1188 : vector<16x1xi32> to vector<16xi32>
      %gather3A_1190 = tpu.dynamic_gather %add3A_1177[%gather3A_1189] in [0] : vector<16xf32>, vector<16xi32> -> vector<16xf32>
      %add3A_1191 = arith.addf %add3A_1177, %gather3A_1190 : vector<16xf32>
      %gt3A = arith.constant 1.000000e+00 : f32
      %gt3A_1192 = vector.broadcast %gt3A : f32 to vector<16xf32>
      %gt3A_1193 = arith.cmpf ogt, %add3A_1191, %gt3A_1192 : vector<16xf32>
      %select_n3A_1194 = arith.select %gt3A_1193, %mul3A_1121, %scan3A_1116 : vector<16xi1>, vector<16xf32>
      %select_n3A_1195 = arith.select %gt3A_1193, %scan3A_1117, %mul3A_1121 : vector<16xi1>, vector<16xf32>
      scf.yield %select_n3A_1194, %select_n3A_1195 : vector<16xf32>, vector<16xf32>
    }
    %scan3A_685 = arith.constant 14 : i32
    %add3A_686 = arith.addf %scan3A_684#0, %scan3A_684#1 : vector<16xf32>
    %mul3A_687 = arith.constant 5.000000e-01 : f32
    %mul3A_688 = vector.broadcast %mul3A_687 : f32 to vector<16xf32>
    %mul3A_689 = arith.mulf %mul3A_688, %add3A_686 : vector<16xf32>
    %broadcast_in_dim3A_690 = arith.constant 0.000000e+00 : f32
    %broadcast_in_dim3A_691 = vector.broadcast %broadcast_in_dim3A_690 : f32 to vector<16xf32>
    %while3A_692 = arith.constant 0 : i32
    %while3A_693 = arith.subi %select_n3A_679, %while3A_692 : i32
    %while3A_694 = arith.addi %while3A_692, %while3A_693 : i32
    %while3A_695 = arith.constant 1 : i32
    %while3A_696 = arith.divsi %while3A_693, %while3A_695 : i32
    %while3A_697 = arith.muli %while3A_696, %while3A_695 : i32
    %while3A_698 = arith.addi %while3A_692, %while3A_697 : i32
    %while3A_699 = arith.constant 1 : i32
    %while3A_700:2 = scf.for %while3A_1115 = %while3A_692 to %while3A_698 step %while3A_699 iter_args(%while3A_1116 = %broadcast_in_dim3A_691, %while3A_1117 = %broadcast_in_dim3A_691) -> (vector<16xf32>, vector<16xf32>)  : i32 {
      %mul3A_1118 = arith.constant 16 : i32
      %mul3A_1119 = arith.muli %while3A_1115, %mul3A_1118 : i32
      %get3A = arith.index_cast %mul3A_1119 : i32 to index
      %get3A_1120 = tpu.vector_load %arg6[%get3A] {strides = array<i32>} : memref<32768xf32, #tpu.memory_space<vmem>>, vector<16xf32>,
      %mul3A_1121 = arith.constant 16 : i32
      %mul3A_1122 = arith.muli %while3A_1115, %mul3A_1121 : i32
      %add3A_1123 = vector.broadcast %mul3A_1122 : i32 to vector<16xi32>
      %add3A_1124 = arith.addi %iota3A_573, %add3A_1123 : vector<16xi32>
      %lt3A_1125 = arith.cmpi slt, %add3A_1124, %parallel_loop3A_645 : vector<16xi32>
      %gt3A = arith.cmpf ogt, %get3A_1120, %mul3A_689 : vector<16xf32>
      %and3A_1126 = arith.andi %lt3A_1125, %gt3A : vector<16xi1>
      %jit3A_1127 = arith.constant 1.000000e+00 : f32
      %jit3A_1128 = arith.constant 0.000000e+00 : f32
      %broadcast_in_dim3A_1129 = vector.broadcast %jit3A_1127 : f32 to vector<16xf32>
      %broadcast_in_dim3A_1130 = vector.broadcast %jit3A_1128 : f32 to vector<16xf32>
      %select_n3A_1131 = arith.select %and3A_1126, %broadcast_in_dim3A_1129, %broadcast_in_dim3A_1130 : vector<16xi1>, vector<16xf32>
      %add3A_1132 = arith.addf %while3A_1116, %select_n3A_1131 : vector<16xf32>
      %jit3A_1133 = arith.constant 0.000000e+00 : f32
      %broadcast_in_dim3A_1134 = vector.broadcast %jit3A_1133 : f32 to vector<16xf32>
      %select_n3A_1135 = arith.select %and3A_1126, %get3A_1120, %broadcast_in_dim3A_1134 : vector<16xi1>, vector<16xf32>
      %add3A_1136 = arith.addf %while3A_1117, %select_n3A_1135 : vector<16xf32>
      scf.yield %add3A_1132, %add3A_1136 : vector<16xf32>, vector<16xf32>
    }
    %while3A_701 = arith.constant 1 : i32
    %while3A_702:2 = scf.for %while3A_1115 = %while3A_698 to %while3A_694 step %while3A_701 iter_args(%while3A_1116 = %while3A_700#0, %while3A_1117 = %while3A_700#1) -> (vector<16xf32>, vector<16xf32>)  : i32 {
      %mul3A_1118 = arith.constant 16 : i32
      %mul3A_1119 = arith.muli %while3A_1115, %mul3A_1118 : i32
      %get3A = arith.index_cast %mul3A_1119 : i32 to index
      %get3A_1120 = tpu.vector_load %arg6[%get3A] {strides = array<i32>} : memref<32768xf32, #tpu.memory_space<vmem>>, vector<16xf32>,
      %mul3A_1121 = arith.constant 16 : i32
      %mul3A_1122 = arith.muli %while3A_1115, %mul3A_1121 : i32
      %add3A_1123 = vector.broadcast %mul3A_1122 : i32 to vector<16xi32>
      %add3A_1124 = arith.addi %iota3A_573, %add3A_1123 : vector<16xi32>
      %lt3A_1125 = arith.cmpi slt, %add3A_1124, %parallel_loop3A_645 : vector<16xi32>
      %gt3A = arith.cmpf ogt, %get3A_1120, %mul3A_689 : vector<16xf32>
      %and3A_1126 = arith.andi %lt3A_1125, %gt3A : vector<16xi1>
      %jit3A_1127 = arith.constant 1.000000e+00 : f32
      %jit3A_1128 = arith.constant 0.000000e+00 : f32
      %broadcast_in_dim3A_1129 = vector.broadcast %jit3A_1127 : f32 to vector<16xf32>
      %broadcast_in_dim3A_1130 = vector.broadcast %jit3A_1128 : f32 to vector<16xf32>
      %select_n3A_1131 = arith.select %and3A_1126, %broadcast_in_dim3A_1129, %broadcast_in_dim3A_1130 : vector<16xi1>, vector<16xf32>
      %add3A_1132 = arith.addf %while3A_1116, %select_n3A_1131 : vector<16xf32>
      %jit3A_1133 = arith.constant 0.000000e+00 : f32
      %broadcast_in_dim3A_1134 = vector.broadcast %jit3A_1133 : f32 to vector<16xf32>
      %select_n3A_1135 = arith.select %and3A_1126, %get3A_1120, %broadcast_in_dim3A_1134 : vector<16xi1>, vector<16xf32>
      %add3A_1136 = arith.addf %while3A_1117, %select_n3A_1135 : vector<16xf32>
      scf.yield %add3A_1132, %add3A_1136 : vector<16xf32>, vector<16xf32>
    }
    %iota3A_703 = tpu.iota {dimensions = array<i32: 0>} : vector<16xi32>
    %xor3A_704 = arith.constant 1 : i32
    %xor3A_705 = vector.broadcast %xor3A_704 : i32 to vector<16xi32>
    %xor3A_706 = arith.xori %iota3A_703, %xor3A_705 : vector<16xi32>
    %lt3A_707 = arith.constant 0 : i32
    %lt3A_708 = vector.broadcast %lt3A_707 : i32 to vector<16xi32>
    %lt3A_709 = arith.cmpi slt, %xor3A_706, %lt3A_708 : vector<16xi32>
    %add3A_710 = arith.constant 16 : i32
    %add3A_711 = vector.broadcast %add3A_710 : i32 to vector<16xi32>
    %add3A_712 = arith.addi %xor3A_706, %add3A_711 : vector<16xi32>
    %select_n3A_713 = arith.select %lt3A_709, %add3A_712, %xor3A_706 : vector<16xi1>, vector<16xi32>
    %broadcast_in_dim3A_714 = vector.shape_cast %select_n3A_713 : vector<16xi32> to vector<16x1xi32>
    %gather3A_715 = vector.shape_cast %broadcast_in_dim3A_714 : vector<16x1xi32> to vector<16xi32>
    %gather3A_716 = tpu.dynamic_gather %while3A_702#0[%gather3A_715] in [0] : vector<16xf32>, vector<16xi32> -> vector<16xf32>
    %add3A_717 = arith.addf %while3A_702#0, %gather3A_716 : vector<16xf32>
    %xor3A_718 = arith.constant 2 : i32
    %xor3A_719 = vector.broadcast %xor3A_718 : i32 to vector<16xi32>
    %xor3A_720 = arith.xori %iota3A_703, %xor3A_719 : vector<16xi32>
    %lt3A_721 = arith.constant 0 : i32
    %lt3A_722 = vector.broadcast %lt3A_721 : i32 to vector<16xi32>
    %lt3A_723 = arith.cmpi slt, %xor3A_720, %lt3A_722 : vector<16xi32>
    %add3A_724 = arith.constant 16 : i32
    %add3A_725 = vector.broadcast %add3A_724 : i32 to vector<16xi32>
    %add3A_726 = arith.addi %xor3A_720, %add3A_725 : vector<16xi32>
    %select_n3A_727 = arith.select %lt3A_723, %add3A_726, %xor3A_720 : vector<16xi1>, vector<16xi32>
    %broadcast_in_dim3A_728 = vector.shape_cast %select_n3A_727 : vector<16xi32> to vector<16x1xi32>
    %gather3A_729 = vector.shape_cast %broadcast_in_dim3A_728 : vector<16x1xi32> to vector<16xi32>
    %gather3A_730 = tpu.dynamic_gather %add3A_717[%gather3A_729] in [0] : vector<16xf32>, vector<16xi32> -> vector<16xf32>
    %add3A_731 = arith.addf %add3A_717, %gather3A_730 : vector<16xf32>
    %xor3A_732 = arith.constant 4 : i32
    %xor3A_733 = vector.broadcast %xor3A_732 : i32 to vector<16xi32>
    %xor3A_734 = arith.xori %iota3A_703, %xor3A_733 : vector<16xi32>
    %lt3A_735 = arith.constant 0 : i32
    %lt3A_736 = vector.broadcast %lt3A_735 : i32 to vector<16xi32>
    %lt3A_737 = arith.cmpi slt, %xor3A_734, %lt3A_736 : vector<16xi32>
    %add3A_738 = arith.constant 16 : i32
    %add3A_739 = vector.broadcast %add3A_738 : i32 to vector<16xi32>
    %add3A_740 = arith.addi %xor3A_734, %add3A_739 : vector<16xi32>
    %select_n3A_741 = arith.select %lt3A_737, %add3A_740, %xor3A_734 : vector<16xi1>, vector<16xi32>
    %broadcast_in_dim3A_742 = vector.shape_cast %select_n3A_741 : vector<16xi32> to vector<16x1xi32>
    %gather3A_743 = vector.shape_cast %broadcast_in_dim3A_742 : vector<16x1xi32> to vector<16xi32>
    %gather3A_744 = tpu.dynamic_gather %add3A_731[%gather3A_743] in [0] : vector<16xf32>, vector<16xi32> -> vector<16xf32>
    %add3A_745 = arith.addf %add3A_731, %gather3A_744 : vector<16xf32>
    %xor3A_746 = arith.constant 8 : i32
    %xor3A_747 = vector.broadcast %xor3A_746 : i32 to vector<16xi32>
    %xor3A_748 = arith.xori %iota3A_703, %xor3A_747 : vector<16xi32>
    %lt3A_749 = arith.constant 0 : i32
    %lt3A_750 = vector.broadcast %lt3A_749 : i32 to vector<16xi32>
    %lt3A_751 = arith.cmpi slt, %xor3A_748, %lt3A_750 : vector<16xi32>
    %add3A_752 = arith.constant 16 : i32
    %add3A_753 = vector.broadcast %add3A_752 : i32 to vector<16xi32>
    %add3A_754 = arith.addi %xor3A_748, %add3A_753 : vector<16xi32>
    %select_n3A_755 = arith.select %lt3A_751, %add3A_754, %xor3A_748 : vector<16xi1>, vector<16xi32>
    %broadcast_in_dim3A_756 = vector.shape_cast %select_n3A_755 : vector<16xi32> to vector<16x1xi32>
    %gather3A_757 = vector.shape_cast %broadcast_in_dim3A_756 : vector<16x1xi32> to vector<16xi32>
    %gather3A_758 = tpu.dynamic_gather %add3A_745[%gather3A_757] in [0] : vector<16xf32>, vector<16xi32> -> vector<16xf32>
    %add3A_759 = arith.addf %add3A_745, %gather3A_758 : vector<16xf32>
    %max3A_760 = arith.constant 1.000000e+00 : f32
    %max3A_761 = vector.broadcast %max3A_760 : f32 to vector<16xf32>
    %max3A_762 = arith.maximumf %add3A_759, %max3A_761 : vector<16xf32>
    %iota3A_763 = tpu.iota {dimensions = array<i32: 0>} : vector<16xi32>
    %xor3A_764 = arith.constant 1 : i32
    %xor3A_765 = vector.broadcast %xor3A_764 : i32 to vector<16xi32>
    %xor3A_766 = arith.xori %iota3A_763, %xor3A_765 : vector<16xi32>
    %lt3A_767 = arith.constant 0 : i32
    %lt3A_768 = vector.broadcast %lt3A_767 : i32 to vector<16xi32>
    %lt3A_769 = arith.cmpi slt, %xor3A_766, %lt3A_768 : vector<16xi32>
    %add3A_770 = arith.constant 16 : i32
    %add3A_771 = vector.broadcast %add3A_770 : i32 to vector<16xi32>
    %add3A_772 = arith.addi %xor3A_766, %add3A_771 : vector<16xi32>
    %select_n3A_773 = arith.select %lt3A_769, %add3A_772, %xor3A_766 : vector<16xi1>, vector<16xi32>
    %broadcast_in_dim3A_774 = vector.shape_cast %select_n3A_773 : vector<16xi32> to vector<16x1xi32>
    %gather3A_775 = vector.shape_cast %broadcast_in_dim3A_774 : vector<16x1xi32> to vector<16xi32>
    %gather3A_776 = tpu.dynamic_gather %while3A_702#1[%gather3A_775] in [0] : vector<16xf32>, vector<16xi32> -> vector<16xf32>
    %add3A_777 = arith.addf %while3A_702#1, %gather3A_776 : vector<16xf32>
    %xor3A_778 = arith.constant 2 : i32
    %xor3A_779 = vector.broadcast %xor3A_778 : i32 to vector<16xi32>
    %xor3A_780 = arith.xori %iota3A_763, %xor3A_779 : vector<16xi32>
    %lt3A_781 = arith.constant 0 : i32
    %lt3A_782 = vector.broadcast %lt3A_781 : i32 to vector<16xi32>
    %lt3A_783 = arith.cmpi slt, %xor3A_780, %lt3A_782 : vector<16xi32>
    %add3A_784 = arith.constant 16 : i32
    %add3A_785 = vector.broadcast %add3A_784 : i32 to vector<16xi32>
    %add3A_786 = arith.addi %xor3A_780, %add3A_785 : vector<16xi32>
    %select_n3A_787 = arith.select %lt3A_783, %add3A_786, %xor3A_780 : vector<16xi1>, vector<16xi32>
    %broadcast_in_dim3A_788 = vector.shape_cast %select_n3A_787 : vector<16xi32> to vector<16x1xi32>
    %gather3A_789 = vector.shape_cast %broadcast_in_dim3A_788 : vector<16x1xi32> to vector<16xi32>
    %gather3A_790 = tpu.dynamic_gather %add3A_777[%gather3A_789] in [0] : vector<16xf32>, vector<16xi32> -> vector<16xf32>
    %add3A_791 = arith.addf %add3A_777, %gather3A_790 : vector<16xf32>
    %xor3A_792 = arith.constant 4 : i32
    %xor3A_793 = vector.broadcast %xor3A_792 : i32 to vector<16xi32>
    %xor3A_794 = arith.xori %iota3A_763, %xor3A_793 : vector<16xi32>
    %lt3A_795 = arith.constant 0 : i32
    %lt3A_796 = vector.broadcast %lt3A_795 : i32 to vector<16xi32>
    %lt3A_797 = arith.cmpi slt, %xor3A_794, %lt3A_796 : vector<16xi32>
    %add3A_798 = arith.constant 16 : i32
    %add3A_799 = vector.broadcast %add3A_798 : i32 to vector<16xi32>
    %add3A_800 = arith.addi %xor3A_794, %add3A_799 : vector<16xi32>
    %select_n3A_801 = arith.select %lt3A_797, %add3A_800, %xor3A_794 : vector<16xi1>, vector<16xi32>
    %broadcast_in_dim3A_802 = vector.shape_cast %select_n3A_801 : vector<16xi32> to vector<16x1xi32>
    %gather3A_803 = vector.shape_cast %broadcast_in_dim3A_802 : vector<16x1xi32> to vector<16xi32>
    %gather3A_804 = tpu.dynamic_gather %add3A_791[%gather3A_803] in [0] : vector<16xf32>, vector<16xi32> -> vector<16xf32>
    %add3A_805 = arith.addf %add3A_791, %gather3A_804 : vector<16xf32>
    %xor3A_806 = arith.constant 8 : i32
    %xor3A_807 = vector.broadcast %xor3A_806 : i32 to vector<16xi32>
    %xor3A_808 = arith.xori %iota3A_763, %xor3A_807 : vector<16xi32>
    %lt3A_809 = arith.constant 0 : i32
    %lt3A_810 = vector.broadcast %lt3A_809 : i32 to vector<16xi32>
    %lt3A_811 = arith.cmpi slt, %xor3A_808, %lt3A_810 : vector<16xi32>
    %add3A_812 = arith.constant 16 : i32
    %add3A_813 = vector.broadcast %add3A_812 : i32 to vector<16xi32>
    %add3A_814 = arith.addi %xor3A_808, %add3A_813 : vector<16xi32>
    %select_n3A_815 = arith.select %lt3A_811, %add3A_814, %xor3A_808 : vector<16xi1>, vector<16xi32>
    %broadcast_in_dim3A_816 = vector.shape_cast %select_n3A_815 : vector<16xi32> to vector<16x1xi32>
    %gather3A_817 = vector.shape_cast %broadcast_in_dim3A_816 : vector<16x1xi32> to vector<16xi32>
    %gather3A_818 = tpu.dynamic_gather %add3A_805[%gather3A_817] in [0] : vector<16xf32>, vector<16xi32> -> vector<16xf32>
    %add3A_819 = arith.addf %add3A_805, %gather3A_818 : vector<16xf32>
    %sub3A_820 = arith.constant 1.000000e+00 : f32
    %sub3A_821 = vector.broadcast %sub3A_820 : f32 to vector<16xf32>
    %sub3A_822 = arith.subf %add3A_819, %sub3A_821 : vector<16xf32>
    %div3A_823 = arith.divf %sub3A_822, %max3A_762 : vector<16xf32>
    %parallel_loop3A_824 = arith.constant 0 : i32
    %parallel_loop3A_825 = arith.constant 2048 : i32
    %parallel_loop3A_826 = arith.constant 1 : i32
    scf.for %parallel_loop3A_1115 = %parallel_loop3A_824 to %parallel_loop3A_825 step %parallel_loop3A_826  : i32 {
      %parallel_loop3A_1116 = arith.constant 16 : i32
      %parallel_loop3A_1117 = arith.muli %parallel_loop3A_1115, %parallel_loop3A_1116 : i32
      %parallel_loop3A_1118 = arith.index_cast %parallel_loop3A_1117 : i32 to index
      %parallel_loop3A_1119 = tpu.vector_load %arg4[%parallel_loop3A_1118] {strides = array<i32>} : memref<32768xf32, #tpu.memory_space<vmem>>, vector<16xf32>,
      %parallel_loop3A_1120 = arith.addf %parallel_loop3A_1119, %div3A_823 : vector<16xf32>
      %parallel_loop3A_1121 = arith.constant 0.000000e+00 : f32
      %parallel_loop3A_1122 = vector.broadcast %parallel_loop3A_1121 : f32 to vector<16xf32>
      %parallel_loop3A_1123 = arith.maximumf %parallel_loop3A_1120, %parallel_loop3A_1122 : vector<16xf32>
      %parallel_loop3A_1124 = arith.index_cast %parallel_loop3A_1117 : i32 to index
      %parallel_loop3A_1125 = tpu.vector_load %arg4[%parallel_loop3A_1124] {strides = array<i32>} : memref<32768xf32, #tpu.memory_space<vmem>>, vector<16xf32>,
      tpu.vector_store %arg4[%parallel_loop3A_1124], %parallel_loop3A_1123 {strides = array<i32>} : memref<32768xf32, #tpu.memory_space<vmem>>, vector<16xf32>,
    } {sc.loop_unroll_factor = 16 : i64, sc.parallel_access}
    %add3A_827 = arith.constant 2 : i32
    %add3A_828 = arith.addi %mul3A_2, %add3A_827 : i32
    %dma_start3A_829 = arith.constant 0 : i32
    %dma_start3A_830 = tpu.memref_slice %arg3[%add3A_828, %dma_start3A_829] : memref<128x32768xf32, #tpu.memory_space<hbm>> -> memref<1x32768xf32, #tpu.memory_space<hbm>>
    %dma_start3A_831 = tpu.memref_squeeze %dma_start3A_830 : memref<1x32768xf32, #tpu.memory_space<hbm>> -> memref<32768xf32, #tpu.memory_space<hbm>>
    %dma_start3A_832 = arith.constant 0 : i32
    %dma_start3A_833 = tpu.memref_slice %arg3[%add3A_828, %dma_start3A_832] : memref<128x32768xf32, #tpu.memory_space<hbm>> -> memref<1x32768xf32, #tpu.memory_space<hbm>>
    %dma_start3A_834 = tpu.memref_squeeze %dma_start3A_833 : memref<1x32768xf32, #tpu.memory_space<hbm>> -> memref<32768xf32, #tpu.memory_space<hbm>>
    tpu.enqueue_dma source(%arg4 : memref<32768xf32, #tpu.memory_space<vmem>>) target(%dma_start3A_834 : memref<32768xf32, #tpu.memory_space<hbm>>) target_semaphore(%arg9 : memref<!tpu.dma_semaphore, #tpu.memory_space<semaphore_mem>>)
    %dma_wait3A_835 = arith.constant 0 : i32
    %dma_wait3A_836 = tpu.memref_slice %arg2[%add3A_560, %dma_wait3A_835] : memref<128x32768xf32, #tpu.memory_space<hbm>> -> memref<1x32768xf32, #tpu.memory_space<hbm>>
    %dma_wait3A_837 = tpu.memref_squeeze %dma_wait3A_836 : memref<1x32768xf32, #tpu.memory_space<hbm>> -> memref<32768xf32, #tpu.memory_space<hbm>>
    %dma_wait3A_838 = arith.constant 0 : i32
    %dma_wait3A_839 = tpu.memref_slice %arg2[%add3A_560, %dma_wait3A_838] : memref<128x32768xf32, #tpu.memory_space<hbm>> -> memref<1x32768xf32, #tpu.memory_space<hbm>>
    %dma_wait3A_840 = tpu.memref_squeeze %dma_wait3A_839 : memref<1x32768xf32, #tpu.memory_space<hbm>> -> memref<32768xf32, #tpu.memory_space<hbm>>
    tpu.wait_dma2 semaphore(%arg8 : memref<!tpu.dma_semaphore, #tpu.memory_space<semaphore_mem>>) src(%dma_wait3A_840 : memref<32768xf32, #tpu.memory_space<hbm>>) dst(%arg5 : memref<32768xf32, #tpu.memory_space<vmem>>)
    %iota3A_841 = tpu.iota {dimensions = array<i32: 0>} : vector<16xi32>
    %broadcast_in_dim3A_842 = arith.constant 0xFF800000 : f32
    %broadcast_in_dim3A_843 = vector.broadcast %broadcast_in_dim3A_842 : f32 to vector<16xf32>
    %parallel_loop3A_844 = arith.constant 0 : i32
    %parallel_loop3A_845 = arith.constant 2048 : i32
    %parallel_loop3A_846 = arith.constant 1 : i32
    %parallel_loop3A_847 = scf.for %parallel_loop3A_1115 = %parallel_loop3A_844 to %parallel_loop3A_845 step %parallel_loop3A_846 iter_args(%parallel_loop3A_1116 = %broadcast_in_dim3A_843) -> (vector<16xf32>)  : i32 {
      %parallel_loop3A_1117 = arith.constant 16 : i32
      %parallel_loop3A_1118 = arith.muli %parallel_loop3A_1115, %parallel_loop3A_1117 : i32
      %parallel_loop3A_1119 = arith.index_cast %parallel_loop3A_1118 : i32 to index
      %parallel_loop3A_1120 = tpu.vector_load %arg5[%parallel_loop3A_1119] {strides = array<i32>} : memref<32768xf32, #tpu.memory_space<vmem>>, vector<16xf32>,
      %parallel_loop3A_1121 = arith.maximumf %parallel_loop3A_1116, %parallel_loop3A_1120 : vector<16xf32>
      scf.yield %parallel_loop3A_1121 : vector<16xf32>
    } {sc.loop_unroll_factor = 16 : i64, sc.parallel_access}
    %iota3A_848 = tpu.iota {dimensions = array<i32: 0>} : vector<16xi32>
    %xor3A_849 = arith.constant 1 : i32
    %xor3A_850 = vector.broadcast %xor3A_849 : i32 to vector<16xi32>
    %xor3A_851 = arith.xori %iota3A_848, %xor3A_850 : vector<16xi32>
    %lt3A_852 = arith.constant 0 : i32
    %lt3A_853 = vector.broadcast %lt3A_852 : i32 to vector<16xi32>
    %lt3A_854 = arith.cmpi slt, %xor3A_851, %lt3A_853 : vector<16xi32>
    %add3A_855 = arith.constant 16 : i32
    %add3A_856 = vector.broadcast %add3A_855 : i32 to vector<16xi32>
    %add3A_857 = arith.addi %xor3A_851, %add3A_856 : vector<16xi32>
    %select_n3A_858 = arith.select %lt3A_854, %add3A_857, %xor3A_851 : vector<16xi1>, vector<16xi32>
    %broadcast_in_dim3A_859 = vector.shape_cast %select_n3A_858 : vector<16xi32> to vector<16x1xi32>
    %gather3A_860 = vector.shape_cast %broadcast_in_dim3A_859 : vector<16x1xi32> to vector<16xi32>
    %gather3A_861 = tpu.dynamic_gather %parallel_loop3A_847[%gather3A_860] in [0] : vector<16xf32>, vector<16xi32> -> vector<16xf32>
    %max3A_862 = arith.maximumf %parallel_loop3A_847, %gather3A_861 : vector<16xf32>
    %xor3A_863 = arith.constant 2 : i32
    %xor3A_864 = vector.broadcast %xor3A_863 : i32 to vector<16xi32>
    %xor3A_865 = arith.xori %iota3A_848, %xor3A_864 : vector<16xi32>
    %lt3A_866 = arith.constant 0 : i32
    %lt3A_867 = vector.broadcast %lt3A_866 : i32 to vector<16xi32>
    %lt3A_868 = arith.cmpi slt, %xor3A_865, %lt3A_867 : vector<16xi32>
    %add3A_869 = arith.constant 16 : i32
    %add3A_870 = vector.broadcast %add3A_869 : i32 to vector<16xi32>
    %add3A_871 = arith.addi %xor3A_865, %add3A_870 : vector<16xi32>
    %select_n3A_872 = arith.select %lt3A_868, %add3A_871, %xor3A_865 : vector<16xi1>, vector<16xi32>
    %broadcast_in_dim3A_873 = vector.shape_cast %select_n3A_872 : vector<16xi32> to vector<16x1xi32>
    %gather3A_874 = vector.shape_cast %broadcast_in_dim3A_873 : vector<16x1xi32> to vector<16xi32>
    %gather3A_875 = tpu.dynamic_gather %max3A_862[%gather3A_874] in [0] : vector<16xf32>, vector<16xi32> -> vector<16xf32>
    %max3A_876 = arith.maximumf %max3A_862, %gather3A_875 : vector<16xf32>
    %xor3A_877 = arith.constant 4 : i32
    %xor3A_878 = vector.broadcast %xor3A_877 : i32 to vector<16xi32>
    %xor3A_879 = arith.xori %iota3A_848, %xor3A_878 : vector<16xi32>
    %lt3A_880 = arith.constant 0 : i32
    %lt3A_881 = vector.broadcast %lt3A_880 : i32 to vector<16xi32>
    %lt3A_882 = arith.cmpi slt, %xor3A_879, %lt3A_881 : vector<16xi32>
    %add3A_883 = arith.constant 16 : i32
    %add3A_884 = vector.broadcast %add3A_883 : i32 to vector<16xi32>
    %add3A_885 = arith.addi %xor3A_879, %add3A_884 : vector<16xi32>
    %select_n3A_886 = arith.select %lt3A_882, %add3A_885, %xor3A_879 : vector<16xi1>, vector<16xi32>
    %broadcast_in_dim3A_887 = vector.shape_cast %select_n3A_886 : vector<16xi32> to vector<16x1xi32>
    %gather3A_888 = vector.shape_cast %broadcast_in_dim3A_887 : vector<16x1xi32> to vector<16xi32>
    %gather3A_889 = tpu.dynamic_gather %max3A_876[%gather3A_888] in [0] : vector<16xf32>, vector<16xi32> -> vector<16xf32>
    %max3A_890 = arith.maximumf %max3A_876, %gather3A_889 : vector<16xf32>
    %xor3A_891 = arith.constant 8 : i32
    %xor3A_892 = vector.broadcast %xor3A_891 : i32 to vector<16xi32>
    %xor3A_893 = arith.xori %iota3A_848, %xor3A_892 : vector<16xi32>
    %lt3A_894 = arith.constant 0 : i32
    %lt3A_895 = vector.broadcast %lt3A_894 : i32 to vector<16xi32>
    %lt3A_896 = arith.cmpi slt, %xor3A_893, %lt3A_895 : vector<16xi32>
    %add3A_897 = arith.constant 16 : i32
    %add3A_898 = vector.broadcast %add3A_897 : i32 to vector<16xi32>
    %add3A_899 = arith.addi %xor3A_893, %add3A_898 : vector<16xi32>
    %select_n3A_900 = arith.select %lt3A_896, %add3A_899, %xor3A_893 : vector<16xi1>, vector<16xi32>
    %broadcast_in_dim3A_901 = vector.shape_cast %select_n3A_900 : vector<16xi32> to vector<16x1xi32>
    %gather3A_902 = vector.shape_cast %broadcast_in_dim3A_901 : vector<16x1xi32> to vector<16xi32>
    %gather3A_903 = tpu.dynamic_gather %max3A_890[%gather3A_902] in [0] : vector<16xf32>, vector<16xi32> -> vector<16xf32>
    %max3A_904 = arith.maximumf %max3A_890, %gather3A_903 : vector<16xf32>
    %sub3A_905 = arith.constant 1.000000e+00 : f32
    %sub3A_906 = vector.broadcast %sub3A_905 : f32 to vector<16xf32>
    %sub3A_907 = arith.subf %max3A_904, %sub3A_906 : vector<16xf32>
    %broadcast_in_dim3A_908 = arith.constant 0 : i32
    %broadcast_in_dim3A_909 = vector.broadcast %broadcast_in_dim3A_908 : i32 to vector<16xi32>
    %parallel_loop3A_910 = arith.constant 0 : i32
    %parallel_loop3A_911 = arith.constant 2048 : i32
    %parallel_loop3A_912 = arith.constant 1 : i32
    %parallel_loop3A_913 = scf.for %parallel_loop3A_1115 = %parallel_loop3A_910 to %parallel_loop3A_911 step %parallel_loop3A_912 iter_args(%parallel_loop3A_1116 = %broadcast_in_dim3A_909) -> (vector<16xi32>)  : i32 {
      %parallel_loop3A_1117 = arith.constant 16 : i32
      %parallel_loop3A_1118 = arith.muli %parallel_loop3A_1115, %parallel_loop3A_1117 : i32
      %parallel_loop3A_1119 = arith.index_cast %parallel_loop3A_1118 : i32 to index
      %parallel_loop3A_1120 = tpu.vector_load %arg5[%parallel_loop3A_1119] {strides = array<i32>} : memref<32768xf32, #tpu.memory_space<vmem>>, vector<16xf32>,
      %parallel_loop3A_1121 = arith.cmpf oge, %parallel_loop3A_1120, %sub3A_907 : vector<16xf32>
      %parallel_loop3A_1122 = arith.constant 1 : i32
      %parallel_loop3A_1123 = arith.constant 0 : i32
      %parallel_loop3A_1124 = vector.broadcast %parallel_loop3A_1122 : i32 to vector<16xi32>
      %parallel_loop3A_1125 = vector.broadcast %parallel_loop3A_1123 : i32 to vector<16xi32>
      %parallel_loop3A_1126 = arith.select %parallel_loop3A_1121, %parallel_loop3A_1124, %parallel_loop3A_1125 : vector<16xi1>, vector<16xi32>
      %parallel_loop3A_1127 = arith.constant true
      %parallel_loop3A_1128 = vector.broadcast %parallel_loop3A_1127 : i1 to vector<16xi1>
      %parallel_loop3A_1129 = tpu.scan <sum>, %parallel_loop3A_1126 masked %parallel_loop3A_1128 : vector<16xi32>, vector<16xi1> -> vector<16xi32>
      %parallel_loop3A_1130 = arith.addi %parallel_loop3A_1116, %parallel_loop3A_1129 : vector<16xi32>
      %parallel_loop3A_1131 = arith.subi %parallel_loop3A_1130, %parallel_loop3A_1126 : vector<16xi32>
      tpu.vector_store_idx %arg6[%parallel_loop3A_1131], %parallel_loop3A_1120 masked %parallel_loop3A_1121 : memref<32768xf32, #tpu.memory_space<vmem>>[vector<16xi32>], vector<16xf32>, vector<16xi1>
      %parallel_loop3A_1132 = tpu.all_reduce %parallel_loop3A_1121 {dim = 0 : i64, kind = #tpu.reduction_kind<sum>} : vector<16xi1> -> vector<16xi32>
      %parallel_loop3A_1133 = arith.addi %parallel_loop3A_1116, %parallel_loop3A_1132 : vector<16xi32>
      scf.yield %parallel_loop3A_1133 : vector<16xi32>
    } {sc.loop_unroll_factor = 16 : i64, sc.parallel_access}
    %reduce_max3A_914 = arith.constant true
    %reduce_max3A_915 = vector.broadcast %reduce_max3A_914 : i1 to vector<16xi1>
    %reduce_max3A_916 = arith.constant -2147483648 : i32
    %reduce_max3A_917 = vector.broadcast %reduce_max3A_916 : i32 to vector<16xi32>
    %reduce_max3A_918 = arith.xori %parallel_loop3A_913, %reduce_max3A_917 : vector<16xi32>
    %reduce_max3A_919 = tpu.scan <max>, %reduce_max3A_918 masked %reduce_max3A_915 : vector<16xi32>, vector<16xi1> -> vector<16xi32>
    %reduce_max3A_920 = arith.xori %reduce_max3A_919, %reduce_max3A_917 : vector<16xi32>
    %reduce_max3A_921 = vector.extract %reduce_max3A_920[15] : i32 from vector<16xi32>
    %add3A_922 = arith.constant 15 : i32
    %add3A_923 = arith.addi %reduce_max3A_921, %add3A_922 : i32
    %jit3A_924 = arith.constant 16 : i32
    %div3A_925 = arith.divsi %add3A_923, %jit3A_924 : i32
    %sign3A_926 = arith.constant 0 : i32
    %sign3A_927 = arith.cmpi sgt, %add3A_923, %sign3A_926 : i32
    %sign3A_928 = arith.extui %sign3A_927 : i1 to i32
    %sign3A_929 = arith.constant 0 : i32
    %sign3A_930 = arith.cmpi slt, %add3A_923, %sign3A_929 : i32
    %sign3A_931 = arith.extui %sign3A_930 : i1 to i32
    %sign3A_932 = arith.subi %sign3A_928, %sign3A_931 : i32
    %sign3A_933 = arith.constant 0 : i32
    %sign3A_934 = arith.cmpi sgt, %jit3A_924, %sign3A_933 : i32
    %sign3A_935 = arith.extui %sign3A_934 : i1 to i32
    %sign3A_936 = arith.constant 0 : i32
    %sign3A_937 = arith.cmpi slt, %jit3A_924, %sign3A_936 : i32
    %sign3A_938 = arith.extui %sign3A_937 : i1 to i32
    %sign3A_939 = arith.subi %sign3A_935, %sign3A_938 : i32
    %ne3A_940 = arith.cmpi ne, %sign3A_932, %sign3A_939 : i32
    %rem3A_941 = arith.remsi %add3A_923, %jit3A_924 : i32
    %ne3A_942 = arith.constant 0 : i32
    %ne3A_943 = arith.cmpi ne, %rem3A_941, %ne3A_942 : i32
    %and3A_944 = arith.andi %ne3A_940, %ne3A_943 : i1
    %sub3A_945 = arith.constant 1 : i32
    %sub3A_946 = arith.subi %div3A_925, %sub3A_945 : i32
    %select_n3A_947 = arith.select %and3A_944, %sub3A_946, %div3A_925 : i32
    %scan3A_948 = arith.constant 0 : i32
    %scan3A_949 = arith.constant 14 : i32
    %scan3A_950 = arith.addi %scan3A_948, %scan3A_949 : i32
    %scan3A_951 = arith.constant 1 : i32
    %scan3A_952:2 = scf.for %scan3A_1115 = %scan3A_948 to %scan3A_950 step %scan3A_951 iter_args(%scan3A_1116 = %sub3A_907, %scan3A_1117 = %max3A_904) -> (vector<16xf32>, vector<16xf32>)  : i32 {
      %add3A_1118 = arith.addf %scan3A_1116, %scan3A_1117 : vector<16xf32>
      %mul3A_1119 = arith.constant 5.000000e-01 : f32
      %mul3A_1120 = vector.broadcast %mul3A_1119 : f32 to vector<16xf32>
      %mul3A_1121 = arith.mulf %mul3A_1120, %add3A_1118 : vector<16xf32>
      %broadcast_in_dim3A_1122 = arith.constant 0.000000e+00 : f32
      %broadcast_in_dim3A_1123 = vector.broadcast %broadcast_in_dim3A_1122 : f32 to vector<16xf32>
      %while3A_1124 = arith.constant 0 : i32
      %while3A_1125 = arith.subi %select_n3A_947, %while3A_1124 : i32
      %while3A_1126 = arith.addi %while3A_1124, %while3A_1125 : i32
      %while3A_1127 = arith.constant 1 : i32
      %while3A_1128 = arith.divsi %while3A_1125, %while3A_1127 : i32
      %while3A_1129 = arith.muli %while3A_1128, %while3A_1127 : i32
      %while3A_1130 = arith.addi %while3A_1124, %while3A_1129 : i32
      %while3A_1131 = arith.constant 1 : i32
      %while3A_1132 = scf.for %while3A_1196 = %while3A_1124 to %while3A_1130 step %while3A_1131 iter_args(%while3A_1197 = %broadcast_in_dim3A_1123) -> (vector<16xf32>)  : i32 {
        %mul3A_1198 = arith.constant 16 : i32
        %mul3A_1199 = arith.muli %while3A_1196, %mul3A_1198 : i32
        %get3A = arith.index_cast %mul3A_1199 : i32 to index
        %get3A_1200 = tpu.vector_load %arg6[%get3A] {strides = array<i32>} : memref<32768xf32, #tpu.memory_space<vmem>>, vector<16xf32>,
        %mul3A_1201 = arith.constant 16 : i32
        %mul3A_1202 = arith.muli %while3A_1196, %mul3A_1201 : i32
        %add3A_1203 = vector.broadcast %mul3A_1202 : i32 to vector<16xi32>
        %add3A_1204 = arith.addi %iota3A_841, %add3A_1203 : vector<16xi32>
        %lt3A_1205 = arith.cmpi slt, %add3A_1204, %parallel_loop3A_913 : vector<16xi32>
        %sub3A_1206 = arith.subf %get3A_1200, %mul3A_1121 : vector<16xf32>
        %max3A_1207 = arith.constant 0.000000e+00 : f32
        %max3A_1208 = vector.broadcast %max3A_1207 : f32 to vector<16xf32>
        %max3A_1209 = arith.maximumf %sub3A_1206, %max3A_1208 : vector<16xf32>
        %jit3A_1210 = arith.constant 0.000000e+00 : f32
        %broadcast_in_dim3A_1211 = vector.broadcast %jit3A_1210 : f32 to vector<16xf32>
        %select_n3A_1212 = arith.select %lt3A_1205, %max3A_1209, %broadcast_in_dim3A_1211 : vector<16xi1>, vector<16xf32>
        %add3A_1213 = arith.addf %while3A_1197, %select_n3A_1212 : vector<16xf32>
        scf.yield %add3A_1213 : vector<16xf32>
      }
      %while3A_1133 = arith.constant 1 : i32
      %while3A_1134 = scf.for %while3A_1196 = %while3A_1130 to %while3A_1126 step %while3A_1133 iter_args(%while3A_1197 = %while3A_1132) -> (vector<16xf32>)  : i32 {
        %mul3A_1198 = arith.constant 16 : i32
        %mul3A_1199 = arith.muli %while3A_1196, %mul3A_1198 : i32
        %get3A = arith.index_cast %mul3A_1199 : i32 to index
        %get3A_1200 = tpu.vector_load %arg6[%get3A] {strides = array<i32>} : memref<32768xf32, #tpu.memory_space<vmem>>, vector<16xf32>,
        %mul3A_1201 = arith.constant 16 : i32
        %mul3A_1202 = arith.muli %while3A_1196, %mul3A_1201 : i32
        %add3A_1203 = vector.broadcast %mul3A_1202 : i32 to vector<16xi32>
        %add3A_1204 = arith.addi %iota3A_841, %add3A_1203 : vector<16xi32>
        %lt3A_1205 = arith.cmpi slt, %add3A_1204, %parallel_loop3A_913 : vector<16xi32>
        %sub3A_1206 = arith.subf %get3A_1200, %mul3A_1121 : vector<16xf32>
        %max3A_1207 = arith.constant 0.000000e+00 : f32
        %max3A_1208 = vector.broadcast %max3A_1207 : f32 to vector<16xf32>
        %max3A_1209 = arith.maximumf %sub3A_1206, %max3A_1208 : vector<16xf32>
        %jit3A_1210 = arith.constant 0.000000e+00 : f32
        %broadcast_in_dim3A_1211 = vector.broadcast %jit3A_1210 : f32 to vector<16xf32>
        %select_n3A_1212 = arith.select %lt3A_1205, %max3A_1209, %broadcast_in_dim3A_1211 : vector<16xi1>, vector<16xf32>
        %add3A_1213 = arith.addf %while3A_1197, %select_n3A_1212 : vector<16xf32>
        scf.yield %add3A_1213 : vector<16xf32>
      }
      %iota3A_1135 = tpu.iota {dimensions = array<i32: 0>} : vector<16xi32>
      %xor3A_1136 = arith.constant 1 : i32
      %xor3A_1137 = vector.broadcast %xor3A_1136 : i32 to vector<16xi32>
      %xor3A_1138 = arith.xori %iota3A_1135, %xor3A_1137 : vector<16xi32>
      %lt3A_1139 = arith.constant 0 : i32
      %lt3A_1140 = vector.broadcast %lt3A_1139 : i32 to vector<16xi32>
      %lt3A_1141 = arith.cmpi slt, %xor3A_1138, %lt3A_1140 : vector<16xi32>
      %add3A_1142 = arith.constant 16 : i32
      %add3A_1143 = vector.broadcast %add3A_1142 : i32 to vector<16xi32>
      %add3A_1144 = arith.addi %xor3A_1138, %add3A_1143 : vector<16xi32>
      %select_n3A_1145 = arith.select %lt3A_1141, %add3A_1144, %xor3A_1138 : vector<16xi1>, vector<16xi32>
      %broadcast_in_dim3A_1146 = vector.shape_cast %select_n3A_1145 : vector<16xi32> to vector<16x1xi32>
      %gather3A_1147 = vector.shape_cast %broadcast_in_dim3A_1146 : vector<16x1xi32> to vector<16xi32>
      %gather3A_1148 = tpu.dynamic_gather %while3A_1134[%gather3A_1147] in [0] : vector<16xf32>, vector<16xi32> -> vector<16xf32>
      %add3A_1149 = arith.addf %while3A_1134, %gather3A_1148 : vector<16xf32>
      %xor3A_1150 = arith.constant 2 : i32
      %xor3A_1151 = vector.broadcast %xor3A_1150 : i32 to vector<16xi32>
      %xor3A_1152 = arith.xori %iota3A_1135, %xor3A_1151 : vector<16xi32>
      %lt3A_1153 = arith.constant 0 : i32
      %lt3A_1154 = vector.broadcast %lt3A_1153 : i32 to vector<16xi32>
      %lt3A_1155 = arith.cmpi slt, %xor3A_1152, %lt3A_1154 : vector<16xi32>
      %add3A_1156 = arith.constant 16 : i32
      %add3A_1157 = vector.broadcast %add3A_1156 : i32 to vector<16xi32>
      %add3A_1158 = arith.addi %xor3A_1152, %add3A_1157 : vector<16xi32>
      %select_n3A_1159 = arith.select %lt3A_1155, %add3A_1158, %xor3A_1152 : vector<16xi1>, vector<16xi32>
      %broadcast_in_dim3A_1160 = vector.shape_cast %select_n3A_1159 : vector<16xi32> to vector<16x1xi32>
      %gather3A_1161 = vector.shape_cast %broadcast_in_dim3A_1160 : vector<16x1xi32> to vector<16xi32>
      %gather3A_1162 = tpu.dynamic_gather %add3A_1149[%gather3A_1161] in [0] : vector<16xf32>, vector<16xi32> -> vector<16xf32>
      %add3A_1163 = arith.addf %add3A_1149, %gather3A_1162 : vector<16xf32>
      %xor3A_1164 = arith.constant 4 : i32
      %xor3A_1165 = vector.broadcast %xor3A_1164 : i32 to vector<16xi32>
      %xor3A_1166 = arith.xori %iota3A_1135, %xor3A_1165 : vector<16xi32>
      %lt3A_1167 = arith.constant 0 : i32
      %lt3A_1168 = vector.broadcast %lt3A_1167 : i32 to vector<16xi32>
      %lt3A_1169 = arith.cmpi slt, %xor3A_1166, %lt3A_1168 : vector<16xi32>
      %add3A_1170 = arith.constant 16 : i32
      %add3A_1171 = vector.broadcast %add3A_1170 : i32 to vector<16xi32>
      %add3A_1172 = arith.addi %xor3A_1166, %add3A_1171 : vector<16xi32>
      %select_n3A_1173 = arith.select %lt3A_1169, %add3A_1172, %xor3A_1166 : vector<16xi1>, vector<16xi32>
      %broadcast_in_dim3A_1174 = vector.shape_cast %select_n3A_1173 : vector<16xi32> to vector<16x1xi32>
      %gather3A_1175 = vector.shape_cast %broadcast_in_dim3A_1174 : vector<16x1xi32> to vector<16xi32>
      %gather3A_1176 = tpu.dynamic_gather %add3A_1163[%gather3A_1175] in [0] : vector<16xf32>, vector<16xi32> -> vector<16xf32>
      %add3A_1177 = arith.addf %add3A_1163, %gather3A_1176 : vector<16xf32>
      %xor3A_1178 = arith.constant 8 : i32
      %xor3A_1179 = vector.broadcast %xor3A_1178 : i32 to vector<16xi32>
      %xor3A_1180 = arith.xori %iota3A_1135, %xor3A_1179 : vector<16xi32>
      %lt3A_1181 = arith.constant 0 : i32
      %lt3A_1182 = vector.broadcast %lt3A_1181 : i32 to vector<16xi32>
      %lt3A_1183 = arith.cmpi slt, %xor3A_1180, %lt3A_1182 : vector<16xi32>
      %add3A_1184 = arith.constant 16 : i32
      %add3A_1185 = vector.broadcast %add3A_1184 : i32 to vector<16xi32>
      %add3A_1186 = arith.addi %xor3A_1180, %add3A_1185 : vector<16xi32>
      %select_n3A_1187 = arith.select %lt3A_1183, %add3A_1186, %xor3A_1180 : vector<16xi1>, vector<16xi32>
      %broadcast_in_dim3A_1188 = vector.shape_cast %select_n3A_1187 : vector<16xi32> to vector<16x1xi32>
      %gather3A_1189 = vector.shape_cast %broadcast_in_dim3A_1188 : vector<16x1xi32> to vector<16xi32>
      %gather3A_1190 = tpu.dynamic_gather %add3A_1177[%gather3A_1189] in [0] : vector<16xf32>, vector<16xi32> -> vector<16xf32>
      %add3A_1191 = arith.addf %add3A_1177, %gather3A_1190 : vector<16xf32>
      %gt3A = arith.constant 1.000000e+00 : f32
      %gt3A_1192 = vector.broadcast %gt3A : f32 to vector<16xf32>
      %gt3A_1193 = arith.cmpf ogt, %add3A_1191, %gt3A_1192 : vector<16xf32>
      %select_n3A_1194 = arith.select %gt3A_1193, %mul3A_1121, %scan3A_1116 : vector<16xi1>, vector<16xf32>
      %select_n3A_1195 = arith.select %gt3A_1193, %scan3A_1117, %mul3A_1121 : vector<16xi1>, vector<16xf32>
      scf.yield %select_n3A_1194, %select_n3A_1195 : vector<16xf32>, vector<16xf32>
    }
    %scan3A_953 = arith.constant 14 : i32
    %add3A_954 = arith.addf %scan3A_952#0, %scan3A_952#1 : vector<16xf32>
    %mul3A_955 = arith.constant 5.000000e-01 : f32
    %mul3A_956 = vector.broadcast %mul3A_955 : f32 to vector<16xf32>
    %mul3A_957 = arith.mulf %mul3A_956, %add3A_954 : vector<16xf32>
    %broadcast_in_dim3A_958 = arith.constant 0.000000e+00 : f32
    %broadcast_in_dim3A_959 = vector.broadcast %broadcast_in_dim3A_958 : f32 to vector<16xf32>
    %while3A_960 = arith.constant 0 : i32
    %while3A_961 = arith.subi %select_n3A_947, %while3A_960 : i32
    %while3A_962 = arith.addi %while3A_960, %while3A_961 : i32
    %while3A_963 = arith.constant 1 : i32
    %while3A_964 = arith.divsi %while3A_961, %while3A_963 : i32
    %while3A_965 = arith.muli %while3A_964, %while3A_963 : i32
    %while3A_966 = arith.addi %while3A_960, %while3A_965 : i32
    %while3A_967 = arith.constant 1 : i32
    %while3A_968:2 = scf.for %while3A_1115 = %while3A_960 to %while3A_966 step %while3A_967 iter_args(%while3A_1116 = %broadcast_in_dim3A_959, %while3A_1117 = %broadcast_in_dim3A_959) -> (vector<16xf32>, vector<16xf32>)  : i32 {
      %mul3A_1118 = arith.constant 16 : i32
      %mul3A_1119 = arith.muli %while3A_1115, %mul3A_1118 : i32
      %get3A = arith.index_cast %mul3A_1119 : i32 to index
      %get3A_1120 = tpu.vector_load %arg6[%get3A] {strides = array<i32>} : memref<32768xf32, #tpu.memory_space<vmem>>, vector<16xf32>,
      %mul3A_1121 = arith.constant 16 : i32
      %mul3A_1122 = arith.muli %while3A_1115, %mul3A_1121 : i32
      %add3A_1123 = vector.broadcast %mul3A_1122 : i32 to vector<16xi32>
      %add3A_1124 = arith.addi %iota3A_841, %add3A_1123 : vector<16xi32>
      %lt3A_1125 = arith.cmpi slt, %add3A_1124, %parallel_loop3A_913 : vector<16xi32>
      %gt3A = arith.cmpf ogt, %get3A_1120, %mul3A_957 : vector<16xf32>
      %and3A_1126 = arith.andi %lt3A_1125, %gt3A : vector<16xi1>
      %jit3A_1127 = arith.constant 1.000000e+00 : f32
      %jit3A_1128 = arith.constant 0.000000e+00 : f32
      %broadcast_in_dim3A_1129 = vector.broadcast %jit3A_1127 : f32 to vector<16xf32>
      %broadcast_in_dim3A_1130 = vector.broadcast %jit3A_1128 : f32 to vector<16xf32>
      %select_n3A_1131 = arith.select %and3A_1126, %broadcast_in_dim3A_1129, %broadcast_in_dim3A_1130 : vector<16xi1>, vector<16xf32>
      %add3A_1132 = arith.addf %while3A_1116, %select_n3A_1131 : vector<16xf32>
      %jit3A_1133 = arith.constant 0.000000e+00 : f32
      %broadcast_in_dim3A_1134 = vector.broadcast %jit3A_1133 : f32 to vector<16xf32>
      %select_n3A_1135 = arith.select %and3A_1126, %get3A_1120, %broadcast_in_dim3A_1134 : vector<16xi1>, vector<16xf32>
      %add3A_1136 = arith.addf %while3A_1117, %select_n3A_1135 : vector<16xf32>
      scf.yield %add3A_1132, %add3A_1136 : vector<16xf32>, vector<16xf32>
    }
    %while3A_969 = arith.constant 1 : i32
    %while3A_970:2 = scf.for %while3A_1115 = %while3A_966 to %while3A_962 step %while3A_969 iter_args(%while3A_1116 = %while3A_968#0, %while3A_1117 = %while3A_968#1) -> (vector<16xf32>, vector<16xf32>)  : i32 {
      %mul3A_1118 = arith.constant 16 : i32
      %mul3A_1119 = arith.muli %while3A_1115, %mul3A_1118 : i32
      %get3A = arith.index_cast %mul3A_1119 : i32 to index
      %get3A_1120 = tpu.vector_load %arg6[%get3A] {strides = array<i32>} : memref<32768xf32, #tpu.memory_space<vmem>>, vector<16xf32>,
      %mul3A_1121 = arith.constant 16 : i32
      %mul3A_1122 = arith.muli %while3A_1115, %mul3A_1121 : i32
      %add3A_1123 = vector.broadcast %mul3A_1122 : i32 to vector<16xi32>
      %add3A_1124 = arith.addi %iota3A_841, %add3A_1123 : vector<16xi32>
      %lt3A_1125 = arith.cmpi slt, %add3A_1124, %parallel_loop3A_913 : vector<16xi32>
      %gt3A = arith.cmpf ogt, %get3A_1120, %mul3A_957 : vector<16xf32>
      %and3A_1126 = arith.andi %lt3A_1125, %gt3A : vector<16xi1>
      %jit3A_1127 = arith.constant 1.000000e+00 : f32
      %jit3A_1128 = arith.constant 0.000000e+00 : f32
      %broadcast_in_dim3A_1129 = vector.broadcast %jit3A_1127 : f32 to vector<16xf32>
      %broadcast_in_dim3A_1130 = vector.broadcast %jit3A_1128 : f32 to vector<16xf32>
      %select_n3A_1131 = arith.select %and3A_1126, %broadcast_in_dim3A_1129, %broadcast_in_dim3A_1130 : vector<16xi1>, vector<16xf32>
      %add3A_1132 = arith.addf %while3A_1116, %select_n3A_1131 : vector<16xf32>
      %jit3A_1133 = arith.constant 0.000000e+00 : f32
      %broadcast_in_dim3A_1134 = vector.broadcast %jit3A_1133 : f32 to vector<16xf32>
      %select_n3A_1135 = arith.select %and3A_1126, %get3A_1120, %broadcast_in_dim3A_1134 : vector<16xi1>, vector<16xf32>
      %add3A_1136 = arith.addf %while3A_1117, %select_n3A_1135 : vector<16xf32>
      scf.yield %add3A_1132, %add3A_1136 : vector<16xf32>, vector<16xf32>
    }
    %iota3A_971 = tpu.iota {dimensions = array<i32: 0>} : vector<16xi32>
    %xor3A_972 = arith.constant 1 : i32
    %xor3A_973 = vector.broadcast %xor3A_972 : i32 to vector<16xi32>
    %xor3A_974 = arith.xori %iota3A_971, %xor3A_973 : vector<16xi32>
    %lt3A_975 = arith.constant 0 : i32
    %lt3A_976 = vector.broadcast %lt3A_975 : i32 to vector<16xi32>
    %lt3A_977 = arith.cmpi slt, %xor3A_974, %lt3A_976 : vector<16xi32>
    %add3A_978 = arith.constant 16 : i32
    %add3A_979 = vector.broadcast %add3A_978 : i32 to vector<16xi32>
    %add3A_980 = arith.addi %xor3A_974, %add3A_979 : vector<16xi32>
    %select_n3A_981 = arith.select %lt3A_977, %add3A_980, %xor3A_974 : vector<16xi1>, vector<16xi32>
    %broadcast_in_dim3A_982 = vector.shape_cast %select_n3A_981 : vector<16xi32> to vector<16x1xi32>
    %gather3A_983 = vector.shape_cast %broadcast_in_dim3A_982 : vector<16x1xi32> to vector<16xi32>
    %gather3A_984 = tpu.dynamic_gather %while3A_970#0[%gather3A_983] in [0] : vector<16xf32>, vector<16xi32> -> vector<16xf32>
    %add3A_985 = arith.addf %while3A_970#0, %gather3A_984 : vector<16xf32>
    %xor3A_986 = arith.constant 2 : i32
    %xor3A_987 = vector.broadcast %xor3A_986 : i32 to vector<16xi32>
    %xor3A_988 = arith.xori %iota3A_971, %xor3A_987 : vector<16xi32>
    %lt3A_989 = arith.constant 0 : i32
    %lt3A_990 = vector.broadcast %lt3A_989 : i32 to vector<16xi32>
    %lt3A_991 = arith.cmpi slt, %xor3A_988, %lt3A_990 : vector<16xi32>
    %add3A_992 = arith.constant 16 : i32
    %add3A_993 = vector.broadcast %add3A_992 : i32 to vector<16xi32>
    %add3A_994 = arith.addi %xor3A_988, %add3A_993 : vector<16xi32>
    %select_n3A_995 = arith.select %lt3A_991, %add3A_994, %xor3A_988 : vector<16xi1>, vector<16xi32>
    %broadcast_in_dim3A_996 = vector.shape_cast %select_n3A_995 : vector<16xi32> to vector<16x1xi32>
    %gather3A_997 = vector.shape_cast %broadcast_in_dim3A_996 : vector<16x1xi32> to vector<16xi32>
    %gather3A_998 = tpu.dynamic_gather %add3A_985[%gather3A_997] in [0] : vector<16xf32>, vector<16xi32> -> vector<16xf32>
    %add3A_999 = arith.addf %add3A_985, %gather3A_998 : vector<16xf32>
    %xor3A_1000 = arith.constant 4 : i32
    %xor3A_1001 = vector.broadcast %xor3A_1000 : i32 to vector<16xi32>
    %xor3A_1002 = arith.xori %iota3A_971, %xor3A_1001 : vector<16xi32>
    %lt3A_1003 = arith.constant 0 : i32
    %lt3A_1004 = vector.broadcast %lt3A_1003 : i32 to vector<16xi32>
    %lt3A_1005 = arith.cmpi slt, %xor3A_1002, %lt3A_1004 : vector<16xi32>
    %add3A_1006 = arith.constant 16 : i32
    %add3A_1007 = vector.broadcast %add3A_1006 : i32 to vector<16xi32>
    %add3A_1008 = arith.addi %xor3A_1002, %add3A_1007 : vector<16xi32>
    %select_n3A_1009 = arith.select %lt3A_1005, %add3A_1008, %xor3A_1002 : vector<16xi1>, vector<16xi32>
    %broadcast_in_dim3A_1010 = vector.shape_cast %select_n3A_1009 : vector<16xi32> to vector<16x1xi32>
    %gather3A_1011 = vector.shape_cast %broadcast_in_dim3A_1010 : vector<16x1xi32> to vector<16xi32>
    %gather3A_1012 = tpu.dynamic_gather %add3A_999[%gather3A_1011] in [0] : vector<16xf32>, vector<16xi32> -> vector<16xf32>
    %add3A_1013 = arith.addf %add3A_999, %gather3A_1012 : vector<16xf32>
    %xor3A_1014 = arith.constant 8 : i32
    %xor3A_1015 = vector.broadcast %xor3A_1014 : i32 to vector<16xi32>
    %xor3A_1016 = arith.xori %iota3A_971, %xor3A_1015 : vector<16xi32>
    %lt3A_1017 = arith.constant 0 : i32
    %lt3A_1018 = vector.broadcast %lt3A_1017 : i32 to vector<16xi32>
    %lt3A_1019 = arith.cmpi slt, %xor3A_1016, %lt3A_1018 : vector<16xi32>
    %add3A_1020 = arith.constant 16 : i32
    %add3A_1021 = vector.broadcast %add3A_1020 : i32 to vector<16xi32>
    %add3A_1022 = arith.addi %xor3A_1016, %add3A_1021 : vector<16xi32>
    %select_n3A_1023 = arith.select %lt3A_1019, %add3A_1022, %xor3A_1016 : vector<16xi1>, vector<16xi32>
    %broadcast_in_dim3A_1024 = vector.shape_cast %select_n3A_1023 : vector<16xi32> to vector<16x1xi32>
    %gather3A_1025 = vector.shape_cast %broadcast_in_dim3A_1024 : vector<16x1xi32> to vector<16xi32>
    %gather3A_1026 = tpu.dynamic_gather %add3A_1013[%gather3A_1025] in [0] : vector<16xf32>, vector<16xi32> -> vector<16xf32>
    %add3A_1027 = arith.addf %add3A_1013, %gather3A_1026 : vector<16xf32>
    %max3A_1028 = arith.constant 1.000000e+00 : f32
    %max3A_1029 = vector.broadcast %max3A_1028 : f32 to vector<16xf32>
    %max3A_1030 = arith.maximumf %add3A_1027, %max3A_1029 : vector<16xf32>
    %iota3A_1031 = tpu.iota {dimensions = array<i32: 0>} : vector<16xi32>
    %xor3A_1032 = arith.constant 1 : i32
    %xor3A_1033 = vector.broadcast %xor3A_1032 : i32 to vector<16xi32>
    %xor3A_1034 = arith.xori %iota3A_1031, %xor3A_1033 : vector<16xi32>
    %lt3A_1035 = arith.constant 0 : i32
    %lt3A_1036 = vector.broadcast %lt3A_1035 : i32 to vector<16xi32>
    %lt3A_1037 = arith.cmpi slt, %xor3A_1034, %lt3A_1036 : vector<16xi32>
    %add3A_1038 = arith.constant 16 : i32
    %add3A_1039 = vector.broadcast %add3A_1038 : i32 to vector<16xi32>
    %add3A_1040 = arith.addi %xor3A_1034, %add3A_1039 : vector<16xi32>
    %select_n3A_1041 = arith.select %lt3A_1037, %add3A_1040, %xor3A_1034 : vector<16xi1>, vector<16xi32>
    %broadcast_in_dim3A_1042 = vector.shape_cast %select_n3A_1041 : vector<16xi32> to vector<16x1xi32>
    %gather3A_1043 = vector.shape_cast %broadcast_in_dim3A_1042 : vector<16x1xi32> to vector<16xi32>
    %gather3A_1044 = tpu.dynamic_gather %while3A_970#1[%gather3A_1043] in [0] : vector<16xf32>, vector<16xi32> -> vector<16xf32>
    %add3A_1045 = arith.addf %while3A_970#1, %gather3A_1044 : vector<16xf32>
    %xor3A_1046 = arith.constant 2 : i32
    %xor3A_1047 = vector.broadcast %xor3A_1046 : i32 to vector<16xi32>
    %xor3A_1048 = arith.xori %iota3A_1031, %xor3A_1047 : vector<16xi32>
    %lt3A_1049 = arith.constant 0 : i32
    %lt3A_1050 = vector.broadcast %lt3A_1049 : i32 to vector<16xi32>
    %lt3A_1051 = arith.cmpi slt, %xor3A_1048, %lt3A_1050 : vector<16xi32>
    %add3A_1052 = arith.constant 16 : i32
    %add3A_1053 = vector.broadcast %add3A_1052 : i32 to vector<16xi32>
    %add3A_1054 = arith.addi %xor3A_1048, %add3A_1053 : vector<16xi32>
    %select_n3A_1055 = arith.select %lt3A_1051, %add3A_1054, %xor3A_1048 : vector<16xi1>, vector<16xi32>
    %broadcast_in_dim3A_1056 = vector.shape_cast %select_n3A_1055 : vector<16xi32> to vector<16x1xi32>
    %gather3A_1057 = vector.shape_cast %broadcast_in_dim3A_1056 : vector<16x1xi32> to vector<16xi32>
    %gather3A_1058 = tpu.dynamic_gather %add3A_1045[%gather3A_1057] in [0] : vector<16xf32>, vector<16xi32> -> vector<16xf32>
    %add3A_1059 = arith.addf %add3A_1045, %gather3A_1058 : vector<16xf32>
    %xor3A_1060 = arith.constant 4 : i32
    %xor3A_1061 = vector.broadcast %xor3A_1060 : i32 to vector<16xi32>
    %xor3A_1062 = arith.xori %iota3A_1031, %xor3A_1061 : vector<16xi32>
    %lt3A_1063 = arith.constant 0 : i32
    %lt3A_1064 = vector.broadcast %lt3A_1063 : i32 to vector<16xi32>
    %lt3A_1065 = arith.cmpi slt, %xor3A_1062, %lt3A_1064 : vector<16xi32>
    %add3A_1066 = arith.constant 16 : i32
    %add3A_1067 = vector.broadcast %add3A_1066 : i32 to vector<16xi32>
    %add3A_1068 = arith.addi %xor3A_1062, %add3A_1067 : vector<16xi32>
    %select_n3A_1069 = arith.select %lt3A_1065, %add3A_1068, %xor3A_1062 : vector<16xi1>, vector<16xi32>
    %broadcast_in_dim3A_1070 = vector.shape_cast %select_n3A_1069 : vector<16xi32> to vector<16x1xi32>
    %gather3A_1071 = vector.shape_cast %broadcast_in_dim3A_1070 : vector<16x1xi32> to vector<16xi32>
    %gather3A_1072 = tpu.dynamic_gather %add3A_1059[%gather3A_1071] in [0] : vector<16xf32>, vector<16xi32> -> vector<16xf32>
    %add3A_1073 = arith.addf %add3A_1059, %gather3A_1072 : vector<16xf32>
    %xor3A_1074 = arith.constant 8 : i32
    %xor3A_1075 = vector.broadcast %xor3A_1074 : i32 to vector<16xi32>
    %xor3A_1076 = arith.xori %iota3A_1031, %xor3A_1075 : vector<16xi32>
    %lt3A_1077 = arith.constant 0 : i32
    %lt3A_1078 = vector.broadcast %lt3A_1077 : i32 to vector<16xi32>
    %lt3A_1079 = arith.cmpi slt, %xor3A_1076, %lt3A_1078 : vector<16xi32>
    %add3A_1080 = arith.constant 16 : i32
    %add3A_1081 = vector.broadcast %add3A_1080 : i32 to vector<16xi32>
    %add3A_1082 = arith.addi %xor3A_1076, %add3A_1081 : vector<16xi32>
    %select_n3A_1083 = arith.select %lt3A_1079, %add3A_1082, %xor3A_1076 : vector<16xi1>, vector<16xi32>
    %broadcast_in_dim3A_1084 = vector.shape_cast %select_n3A_1083 : vector<16xi32> to vector<16x1xi32>
    %gather3A_1085 = vector.shape_cast %broadcast_in_dim3A_1084 : vector<16x1xi32> to vector<16xi32>
    %gather3A_1086 = tpu.dynamic_gather %add3A_1073[%gather3A_1085] in [0] : vector<16xf32>, vector<16xi32> -> vector<16xf32>
    %add3A_1087 = arith.addf %add3A_1073, %gather3A_1086 : vector<16xf32>
    %sub3A_1088 = arith.constant 1.000000e+00 : f32
    %sub3A_1089 = vector.broadcast %sub3A_1088 : f32 to vector<16xf32>
    %sub3A_1090 = arith.subf %add3A_1087, %sub3A_1089 : vector<16xf32>
    %div3A_1091 = arith.divf %sub3A_1090, %max3A_1030 : vector<16xf32>
    %parallel_loop3A_1092 = arith.constant 0 : i32
    %parallel_loop3A_1093 = arith.constant 2048 : i32
    %parallel_loop3A_1094 = arith.constant 1 : i32
    scf.for %parallel_loop3A_1115 = %parallel_loop3A_1092 to %parallel_loop3A_1093 step %parallel_loop3A_1094  : i32 {
      %parallel_loop3A_1116 = arith.constant 16 : i32
      %parallel_loop3A_1117 = arith.muli %parallel_loop3A_1115, %parallel_loop3A_1116 : i32
      %parallel_loop3A_1118 = arith.index_cast %parallel_loop3A_1117 : i32 to index
      %parallel_loop3A_1119 = tpu.vector_load %arg5[%parallel_loop3A_1118] {strides = array<i32>} : memref<32768xf32, #tpu.memory_space<vmem>>, vector<16xf32>,
      %parallel_loop3A_1120 = arith.addf %parallel_loop3A_1119, %div3A_1091 : vector<16xf32>
      %parallel_loop3A_1121 = arith.constant 0.000000e+00 : f32
      %parallel_loop3A_1122 = vector.broadcast %parallel_loop3A_1121 : f32 to vector<16xf32>
      %parallel_loop3A_1123 = arith.maximumf %parallel_loop3A_1120, %parallel_loop3A_1122 : vector<16xf32>
      %parallel_loop3A_1124 = arith.index_cast %parallel_loop3A_1117 : i32 to index
      %parallel_loop3A_1125 = tpu.vector_load %arg5[%parallel_loop3A_1124] {strides = array<i32>} : memref<32768xf32, #tpu.memory_space<vmem>>, vector<16xf32>,
      tpu.vector_store %arg5[%parallel_loop3A_1124], %parallel_loop3A_1123 {strides = array<i32>} : memref<32768xf32, #tpu.memory_space<vmem>>, vector<16xf32>,
    } {sc.loop_unroll_factor = 16 : i64, sc.parallel_access}
    %add3A_1095 = arith.constant 3 : i32
    %add3A_1096 = arith.addi %mul3A_2, %add3A_1095 : i32
    %dma_start3A_1097 = arith.constant 0 : i32
    %dma_start3A_1098 = tpu.memref_slice %arg3[%add3A_1096, %dma_start3A_1097] : memref<128x32768xf32, #tpu.memory_space<hbm>> -> memref<1x32768xf32, #tpu.memory_space<hbm>>
    %dma_start3A_1099 = tpu.memref_squeeze %dma_start3A_1098 : memref<1x32768xf32, #tpu.memory_space<hbm>> -> memref<32768xf32, #tpu.memory_space<hbm>>
    %dma_start3A_1100 = arith.constant 0 : i32
    %dma_start3A_1101 = tpu.memref_slice %arg3[%add3A_1096, %dma_start3A_1100] : memref<128x32768xf32, #tpu.memory_space<hbm>> -> memref<1x32768xf32, #tpu.memory_space<hbm>>
    %dma_start3A_1102 = tpu.memref_squeeze %dma_start3A_1101 : memref<1x32768xf32, #tpu.memory_space<hbm>> -> memref<32768xf32, #tpu.memory_space<hbm>>
    tpu.enqueue_dma source(%arg5 : memref<32768xf32, #tpu.memory_space<vmem>>) target(%dma_start3A_1102 : memref<32768xf32, #tpu.memory_space<hbm>>) target_semaphore(%arg10 : memref<!tpu.dma_semaphore, #tpu.memory_space<semaphore_mem>>)
    %dma_wait3A_1103 = arith.constant 0 : i32
    %dma_wait3A_1104 = tpu.memref_slice %arg3[%add3A_828, %dma_wait3A_1103] : memref<128x32768xf32, #tpu.memory_space<hbm>> -> memref<1x32768xf32, #tpu.memory_space<hbm>>
    %dma_wait3A_1105 = tpu.memref_squeeze %dma_wait3A_1104 : memref<1x32768xf32, #tpu.memory_space<hbm>> -> memref<32768xf32, #tpu.memory_space<hbm>>
    %dma_wait3A_1106 = arith.constant 0 : i32
    %dma_wait3A_1107 = tpu.memref_slice %arg3[%add3A_828, %dma_wait3A_1106] : memref<128x32768xf32, #tpu.memory_space<hbm>> -> memref<1x32768xf32, #tpu.memory_space<hbm>>
    %dma_wait3A_1108 = tpu.memref_squeeze %dma_wait3A_1107 : memref<1x32768xf32, #tpu.memory_space<hbm>> -> memref<32768xf32, #tpu.memory_space<hbm>>
    tpu.wait_dma2 semaphore(%arg9 : memref<!tpu.dma_semaphore, #tpu.memory_space<semaphore_mem>>) src(%arg4 : memref<32768xf32, #tpu.memory_space<vmem>>) dst(%dma_wait3A_1108 : memref<32768xf32, #tpu.memory_space<hbm>>)
    %dma_wait3A_1109 = arith.constant 0 : i32
    %dma_wait3A_1110 = tpu.memref_slice %arg3[%add3A_1096, %dma_wait3A_1109] : memref<128x32768xf32, #tpu.memory_space<hbm>> -> memref<1x32768xf32, #tpu.memory_space<hbm>>
    %dma_wait3A_1111 = tpu.memref_squeeze %dma_wait3A_1110 : memref<1x32768xf32, #tpu.memory_space<hbm>> -> memref<32768xf32, #tpu.memory_space<hbm>>
    %dma_wait3A_1112 = arith.constant 0 : i32
    %dma_wait3A_1113 = tpu.memref_slice %arg3[%add3A_1096, %dma_wait3A_1112] : memref<128x32768xf32, #tpu.memory_space<hbm>> -> memref<1x32768xf32, #tpu.memory_space<hbm>>
    %dma_wait3A_1114 = tpu.memref_squeeze %dma_wait3A_1113 : memref<1x32768xf32, #tpu.memory_space<hbm>> -> memref<32768xf32, #tpu.memory_space<hbm>>
    tpu.wait_dma2 semaphore(%arg10 : memref<!tpu.dma_semaphore, #tpu.memory_space<semaphore_mem>>) src(%arg5 : memref<32768xf32, #tpu.memory_space<vmem>>) dst(%dma_wait3A_1114 : memref<32768xf32, #tpu.memory_space<hbm>>)
    return
  }
}

</mosaic_0001>

<sc_bundles>
// kernel: kernel.3.cloned.1.call-start
scs
__scs_entry_jumppad:
0x0: {  	(pc) =	sbr.rel $0x88, $3  }
0x1: {  	(tag) =	ssettag $0x0;
	lr =	simm.s32 $0x1  }
0x2: {  	[smem:$0x3FA0] =	sst lr;
	_ =	strace $0xD0000000  }
0x3: {  	_ = 	snop  }
0x4: {  	_ = 	snop  }
0x5: {  	_ = 	snop  }
0x6: {  	_ = 	snop  }
0x7: {  	_ = 	snop  }
__scs_overlays_trampoline_lowered:
0x8: {  	[smem:$0x3FAF] =	sst s0  }
0x9: {  	[smem:$0x3FB0] =	sst s1  }
0xa: {  	[smem:$0x3FB1] =	sst s2  }
0xb: {  	[smem:$0x3FB2] =	sst s3  }
0xc: {  	[smem:$0x3FB3] =	sst s4  }
0xd: {  	[smem:$0x3FB4] =	sst s5  }
0xe: {  	[smem:$0x3FB5] =	sst s6  }
0xf: {  	[smem:$0x3FB6] =	sst s7  }
0x10: {  	[smem:$0x3FB7] =	sst s8  }
0x11: {  	[smem:$0x3FB8] =	sst s9;
	s0 =	simm.s32 @!p0 $0x0  }
0x12: {  	s1 =	sld [smem:$0x3F9E];
	s0 =	simm.s32 @p0 $0x1  }
0x13: {  	[smem:$0x3FB9] =	sst s0;
	s0 =	simm.s32 @!p1 $0x0  }
0x14: {  	s2 =	sld [smem:$0x3F9D];
	s0 =	simm.s32 @p1 $0x1  }
0x15: {  	[smem:$0x3FBA] =	sst s0;
	s0 =	simm.s32 @!p2 $0x0  }
0x16: {  	s3 =	sld [smem:$0x3FDB];
	s0 =	simm.s32 @p2 $0x1  }
0x17: {  	s4 =	simm.s32 $0x1BF5;
	[smem:$0x3FBC] =	sst s0  }
0x18: {  	s0 =	sld [smem:$0x3F9F];
	_ =	swait.ge [sflag:s4], $0x0  }
0x19: {  	s7 =	sld [smem:$0x3FA0]  }
0x1a: {  	s8 =	sadd.s32 $0xFFFFE003, lr  }
0x1b: {  	s9 =	sadd.s32 $0xFFFFFEF7, lr;
	s5 =	simm.s32 $0xFFFFFFFF;
	p2 =	slt.u32 s8, $0xFFFFF086  }
0x1c: {  	p1 =	slt.u32 s9, $0xF7A;
	s5 =	simm.s32 @!p2 $0x0  }
0x1d: {  	s5 =	simm.s32 @p1 $0x1;
	p0 =	seq.s32 s7, s2  }
0x1e: {  	s7 =	smul.u32 @!p0 $0xF7A, s2;
	p2 =	seq.s32 @!p0 s5, $0x0  }
0x1f: {  	s9 =	smul.u32 $0xF7A, s1;
	s8 =	simm.s32 @!p0 $0x1BF5;
	p2 =	por !p2, p0  }
0x20: {  	[sflag:s8] =	ssyncset.s32 @!p0 $0xFFFFF086;
	s6 =	sadd.s32 @!p0 s3, s7;
	s7 =	simm.s32 @!p0 $0x108  }
0x21: {  	s3 =	sadd.s32 s3, s9;
	s6 =	sadd.s32 @!p0 $0x88, s6;
	s7 =	simm.s32 @p2 $0x1082  }
0x22: {  	[simem:s7], [sflag:s8] =	dma.local @!p0 [hbm:s6], $0xF7A  }
0x23: {  	s9 =	sor.u32 $0xD0000000, s2;
	s6 =	simm.s32 $0x108;
	_ =	swait.ge @!p0 [sflag:s8], $0x0  }
0x24: {  	s3 =	sadd.s32 $0x88, s3;
	s6 =	simm.s32 @!p1 $0x1082;
	[sflag:s4] =	ssyncset.s32 $0xFFFFF086  }
0x25: {  	[simem:s6], [sflag:s4] =	dma.local [hbm:s3], $0xF7A  }
0x26: {  	[smem:$0x3FA0] =	sst s1;
	(tag) =	ssettag s2;
	_ =	strace s9  }
0x27: {  	s1 =	sld [smem:$0x3FB0]  }
0x28: {  	s2 =	sld [smem:$0x3FB1]  }
0x29: {  	s4 =	sld [smem:$0x3FB3]  }
0x2a: {  	p0 =	seq.s32 s5, $0x0;
	s5 =	sld [smem:$0x3FB4]  }
0x2b: {  	s6 =	sld [smem:$0x3FB5]  }
0x2c: {  	s7 =	sld [smem:$0x3FB6]  }
0x2d: {  	s3 =	simm.s32 $0x108;
	s8 =	sld [smem:$0x3FB7]  }
0x2e: {  	s3 =	simm.s32 @!p0 $0x1082;
	s9 =	sld [smem:$0x3FB8]  }
0x2f: {  	lr =	sadd.s32 s0, s3;
	s0 =	sld [smem:$0x3FAF]  }
0x30: {  	s3 =	sld [smem:$0x3FB2]  }
0x31: {  	[smem:$0x3FBB] =	sst s10  }
0x32: {  	s10 =	sld [smem:$0x3FB9];
	_ =	sdelay $0x3  }
0x33: {  	p0 =	seq.s32 s10, $0x1;
	s10 =	sld [smem:$0x3FBB];
	_ =	sdelay $0x3  }
0x34: {  	[smem:$0x3FBB] =	sst s10  }
0x35: {  	s10 =	sld [smem:$0x3FBA];
	_ =	sdelay $0x3  }
0x36: {  	p1 =	seq.s32 s10, $0x1;
	s10 =	sld [smem:$0x3FBB];
	_ =	sdelay $0x3  }
0x37: {  	[smem:$0x3FBB] =	sst s10  }
0x38: {  	s10 =	sld [smem:$0x3FBC]  }
0x39: {  	_ = 	snop;
	(pc) =	sbr.ind lr, $3  }
0x3a: {  	_ = 	snop  }
0x3b: {  	_ = 	snop  }
0x3c: {  	p2 =	seq.s32 s10, $0x1;
	s10 =	sld [smem:$0x3FBB]  }
0x3d: {  	_ =	shalt  }
0x3e: {  	_ =	shalt  }
0x3f: {  	_ =	shalt  }
0x40: {  	_ =	shalt  }
0x41: {  	_ =	shalt  }
0x42: {  	_ =	shalt  }
0x43: {  	_ =	shalt  }
0x44: {  	_ =	shalt  }
0x45: {  	_ =	shalt  }
0x46: {  	_ =	shalt  }
0x47: {  	_ =	shalt  }
0x48: {  	_ =	shalt  }
0x49: {  	_ =	shalt  }
0x4a: {  	_ =	shalt  }
0x4b: {  	_ =	shalt  }
0x4c: {  	_ =	shalt  }
0x4d: {  	_ =	shalt  }
0x4e: {  	_ =	shalt  }
0x4f: {  	_ =	shalt  }
0x50: {  	_ =	shalt  }
0x51: {  	_ =	shalt  }
0x52: {  	_ =	shalt  }
0x53: {  	_ =	shalt  }
0x54: {  	_ =	shalt  }
0x55: {  	_ =	shalt  }
0x56: {  	_ =	shalt  }
0x57: {  	_ =	shalt  }
0x58: {  	_ =	shalt  }
0x59: {  	_ =	shalt  }
0x5a: {  	_ =	shalt  }
0x5b: {  	_ =	shalt  }
0x5c: {  	_ =	shalt  }
0x5d: {  	_ =	shalt  }
0x5e: {  	_ =	shalt  }
0x5f: {  	_ =	shalt  }
0x60: {  	_ =	shalt  }
0x61: {  	_ =	shalt  }
0x62: {  	_ =	shalt  }
0x63: {  	_ =	shalt  }
0x64: {  	_ =	shalt  }
0x65: {  	_ =	shalt  }
0x66: {  	_ =	shalt  }
0x67: {  	_ =	shalt  }
0x68: {  	_ =	shalt  }
0x69: {  	_ =	shalt  }
0x6a: {  	_ =	shalt  }
0x6b: {  	_ =	shalt  }
0x6c: {  	_ =	shalt  }
0x6d: {  	_ =	shalt  }
0x6e: {  	_ =	shalt  }
0x6f: {  	_ =	shalt  }
0x70: {  	_ =	shalt  }
0x71: {  	_ =	shalt  }
0x72: {  	_ =	shalt  }
0x73: {  	_ =	shalt  }
0x74: {  	_ =	shalt  }
0x75: {  	_ =	shalt  }
0x76: {  	_ =	shalt  }
0x77: {  	_ =	shalt  }
0x78: {  	_ =	shalt  }
0x79: {  	_ =	shalt  }
0x7a: {  	_ =	shalt  }
0x7b: {  	_ =	shalt  }
0x7c: {  	_ =	shalt  }
0x7d: {  	_ =	shalt  }
0x7e: {  	_ =	shalt  }
0x7f: {  	_ =	shalt  }
0x80: {  	_ =	shalt  }
0x81: {  	_ =	shalt  }
0x82: {  	_ =	shalt  }
0x83: {  	_ =	shalt  }
0x84: {  	_ =	shalt  }
0x85: {  	_ =	shalt  }
0x86: {  	_ =	shalt  }
0x87: {  	_ =	shalt  }
.Lfunc_end0:
.L_simem_size_0:
called_computation_lowered:
.L_overlay_start_0:
0x88: {  	s2 =	sld [smem:$0x3FD9]  }
0x89: {  	s3 =	sld [smem:$0x3FFE];
	_ =	sdelay $0x1  }
0x8a: {  	s1 =	srdreg.scid  }
0x8b: {  	s0 =	sand.u32 $0x1, s1  }
0x8c: {  	s18 =	sshll.u32 s0, $0xA;
	s2 =	sadd.s32 s3, s2  }
0x8d: {  	s2 =	sadd.s32 s2, s18  }
0x8e: {  	[smem:$0x3FC7] =	sst s2  }
0x8f: {  	_ = 	snop  }
0x90: {  	s2 =	sld [smem:$0x3FC9]  }
0x91: {  	s19 =	sld [smem:$0x3FD0];
	(tm) =	ssettm $0x1  }
0x92: {  	s4 =	sld [smem:$0x3FFB];
	_ =	sdelay $0x3  }
0x93: {  	_ =	strace s4  }
0x94: {  	s4 =	sld [smem:$0x3FFC];
	_ =	sdelay $0x3  }
0x95: {  	_ =	strace s4  }
0x96: {  	s4 =	sld [smem:$0x3FFD];
	_ =	sdelay $0x3  }
0x97: {  	_ =	strace s4  }
0x98: {  	_ =	strace $0x8FFFFFFF  }
0x99: {  	s20 =	sld [smem:$0x3FDB];
	_ =	sdelay $0x1  }
0x9a: {  	s5 =	simm.s32 $_scs_section_size  }
0x9b: {  	s6 =	simm.s32 $_size__tile_overlayer_lowered;
	s7 =	simm.s32 $_tile_overlayer_lowered  }
0x9c: {  	s23 =	simm.s32 $0x1BFF;
	s22 =	sshll.u32 s7, $0x1;
	s4 =	sadd.s32 s5, s20  }
0x9d: {  	s8 =	simm.s32 $0x0;
	s21 =	sshll.u32 s6, $0x1;
	s6 =	sadd.s32 s22, s4  }
0x9e: {  	[timem:s8], [sflag:s23] =	dma.local [hbm:s6], s21  }
0x9f: {  	_ =	swait.ge [sflag:s23], s21  }
0xa0: {  	s5 =	ssub.s32 $0x0, s21;
	[sflag:s23] =	ssyncset.done $0x0  }
0xa1: {  	[sflag:s23] =	ssyncadd.s32 s5;
	_ =	sdelay $0x1  }
0xa2: {  	s24 =	simm.s32 $0x1B8B  }
0xa3: {  	_ =	swait.ge [sflag:s24], $0x1  }
0xa4: {  	[sflag:s24] =	ssyncset.done $0x0  }
0xa5: {  	s25 =	simm.s32 $0x1B8E;
	[sflag:s24] =	ssyncadd.s32 $0xFFFFFFFF  }
0xa6: {  	s26 =	simm.s32 $execute0_lowered;
	[smem:$0x3FD2] =	sst s25  }
0xa7: {  	s5 =	sshll.u32 s26, $0x1;
	_ =	strace $0x80000046;
	[dreg:$0x1] =	wrdreg $0xFFFFFFFF  }
0xa8: {  	s28 =	simm.s32 $_size_execute0_lowered;
	s4 =	sadd.s32 s4, s5;
	[dreg:$0x0] =	wrdreg $0x0  }
0xa9: {  	s5 =	sshll.u32 s28, $0x1;
	[dreg:$0x2] =	wrdreg s4  }
0xaa: {  	[dreg:$0x3] =	wrdreg s5  }
0xab: {  	[dreg:$0x4] =	wrdreg $0xC0  }
0xac: {  	_ =	task [dreg:s8], $0x5FFFF  }
0xad: {  	[dreg:$0x1] =	wrdreg $0xFFFFFFFF  }
0xae: {  	[dreg:$0x0] =	wrdreg $0x60  }
0xaf: {  	[dreg:$0x2] =	wrdreg s2  }
0xb0: {  	[dreg:$0x3] =	wrdreg s19  }
0xb1: {  	[dreg:$0x4] =	wrdreg $0x9  }
0xb2: {  	_ =	task.clear_ibuf [dreg:s8], $0x5FFFF;
	_ =	strace $0x90000046  }
0xb3: {  	s29 =	simm.s32 $0x9;
	_ =	strace $0x80000048  }
0xb4: {  	_ =	swait.ge [sflag:s29], $0x1  }
0xb5: {  	[sflag:s29] =	ssyncadd.s32 $0xFFFFFFFF  }
0xb6: {  	_ =	strace $0x90000048  }
0xb7: {  	_ =	sfence  }
0xb8: {  	s30 =	sld [smem:$0x0];
	_ =	sdelay $0x2  }
0xb9: {  	s31 =	sshll.u32 s1, $0xD;
	s1 =	sshrl.u32 s1, $0x2  }
0xba: {  	s3 =	sand.u32 $0x4000, s31;
	s1 =	sadd.s32 s1, s30  }
0xbb: {  	s0 =	sor.u32 s3, s0;
	s1 =	sshll.u32 s1, $0x11  }
0xbc: {  	s0 =	sor.u32 s1, s0  }
0xbd: {  	s0 =	sadd.s32 $0x8F2B, s0  }
0xbe: {  	[sflag:s0] =	ssyncadd.remote.s32 $0x1  }
0xbf: {  	_ =	sfence.sel $0xFFFF  }
0xc0: {  	[dreg:$0x0] =	wrdreg $0xFFFFFFFF;
	(pc) =	sbr.abs _section_cstart, $3  }
0xc1: {  	[dreg:$0x1] =	wrdreg $0xFFFFFFFF  }
0xc2: {  	_ =	task.clear_ibuf [dreg:s8], $0x2FFFF;
	_ =	strace $0x9FFFFFFF  }
0xc3: {  	(tm) =	ssettm $0x7FFFFFFF  }
tec
execute0_lowered:
.L_overlay_start_1:
0x0: {  	(tag) =	ssettag $0x1  }
0x1: {  	s8 =	rddreg [dreg:$0x0]  }
0x2: {  	v0 =	vimm.s32 $0xEFCDAB89;
	s10 =	rddreg [dreg:$0x1];
	s2 =	srdreg.scid  }
0x3: {  	v1 =	vimm.s32 $0x67452301;
	s0 =	rddreg [dreg:$0x2];
	s1 =	stileid.u32;
	v2 =	vimm.s32 $0xDCFE98BA;
	s13 =	simm.s32 $0x8000  }
0x4: {  	v3 =	vimm.s32 $0x54761032;
	v4 =	vimm.s32 $0xBA98FEDC;
	s14 =	simm.s32 $0x1;
	s15 =	simm.s32 $0x10000;
	s16 =	simm.s32 $0x80  }
0x5: {  	v5 =	vimm.s32 $0xFEDCBA98;
	v6 =	vimm.s32 $0x32107654;
	v7 =	vimm.s32 $0x76543210;
	s17 =	simm.s32 $0x3;
	s18 =	simm.s32 $0x2;
	s19 =	simm.s32 $0x4  }
0x6: {  	s20 =	simm.s32 $0x0;
	v0 =	vunpack.c.l.s4.s8 v0;
	s3 =	sand.u32 $0x1, s2;
	v1 =	vunpack.c.l.s4.s8 v1;
	s2 =	simm.s32 $0x0;
	v2 =	vunpack.c.l.s4.s8 v2  }
0x7: {  	s4 =	sshll.u32 s1, $0xF;
	v3 =	vunpack.c.l.s4.s8 v3;
	v5 =	vunpack.c.l.s4.s8 v5;
	v4 =	vunpack.c.l.s4.s8 v4;
	s5 =	sshll.u32 s3, $0x6;
	s3 =	ssub.s32 $0x2, s3  }
0x8: {  	v6 =	vunpack.c.l.s4.s8 v6;
	v7 =	vunpack.c.l.s4.s8 v7;
	[smem:$0x7FF] =	sst s2;
	v0 =	vunpack.c.0.s8.s32 v0;
	s6 =	sor.u32 s5, s4;
	s31 =	sshrl.u32 s3, $0x1  }
0x9: {  	v1 =	vunpack.c.0.s8.s32 v1;
	_ =	strace $0x80000047;
	v2 =	vunpack.c.0.s8.s32 v2;
	v3 =	vunpack.c.0.s8.s32 v3;
	s7 =	sor.u32 $0x10, s6;
	s11 =	ssub.s32 s3, s31  }
0xa: {  	v5 =	vunpack.c.0.s8.s32 v5;
	v4 =	vunpack.c.0.s8.s32 v4;
	v6 =	vunpack.c.0.s8.s32 v6;
	s3 =	sadd.s32 s8, s6;
	s5 =	sadd.s32 s10, s6;
	s9 =	sor.u32 $0x20, s6  }
0xb: {  	v7 =	vunpack.c.0.s8.s32 v7;
	s12 =	sor.u32 $0x30, s6;
	s4 =	sadd.s32 s8, s7;
	s6 =	sadd.s32 s8, s9;
	v0 =	vcombine.low v1, v0;
	v1 =	vcombine.low v3, v2  }
0xc: {  	s7 =	sadd.s32 s10, s7;
	s8 =	sadd.s32 s8, s12;
	s9 =	sadd.s32 s10, s9;
	v3 =	vand.u32 $0xF, v5;
	v2 =	vcombine.low v6, v4;
	v4 =	vimm.s32 $0x0  }
0xd: {  	s10 =	sadd.s32 s10, s12;
	s11 =	smax.u32 s11, $0x1;
	s12 =	simm.s32 $0x400;
	v5 =	vlaneseq.u32;
	v6 =	vimm.f32 $0.0e+00;
	v3 =	vcombine.low v3, v7  }
.LBB2_1:
0xe: {  	[tilespmem:s2], [sflag:$0x1] =	stream.strided.gather [hbm4b:s3+s16], $0x8000, s12, s16, $0x38;
	[tilespmem:$0x18000] =	vst v63  }
0xf: {  	_ = 	snop  }
0x10: {  	[tilespmem:s13], [sflag:$0x2] =	stream.strided.gather [hbm4b:s4+s16], $0x8000, s12, s16, $0x38;
	[tilespmem:$0x18000] =	vst v63  }
0x11: {  	_ =	swait.ge [sflag:s14], $0x8000  }
0x12: {  	[sflag:s14] =	ssyncset.done $0x0  }
0x13: {  	[sflag:s14] =	ssyncadd.s32 $0xFFFF8000  }
0x14: {  	v7 =	vld [tilespmem:s16+$0xFFFFFF80]  }
0x15: {  	v8 =	vld [tilespmem:s16+$0xFFFFFF90]  }
0x16: {  	v9 =	vld [tilespmem:s16+$0xFFFFFFA0]  }
0x17: {  	v10 =	vld [tilespmem:s16+$0xFFFFFFB0]  }
0x18: {  	v11 =	vimm.f32 $-Inf;
	v12 =	vld [tilespmem:s16+$0xFFFFFFC0]  }
0x19: {  	v7 =	vmax.f32 v11, v7;
	v11 =	vld [tilespmem:s16+$0xFFFFFFD0]  }
0x1a: {  	v7 =	vmax.f32 v7, v8;
	v8 =	vld [tilespmem:s16+$0xFFFFFFE0]  }
0x1b: {  	v7 =	vmax.f32 v7, v9;
	v9 =	vld [tilespmem:s16+$0xFFFFFFF0]  }
0x1c: {  	v7 =	vmax.f32 v7, v10;
	v10 =	vld [tilespmem:s16+$0x0]  }
0x1d: {  	v7 =	vmax.f32 v7, v12;
	v12 =	vld [tilespmem:s16+$0x10]  }
0x1e: {  	v7 =	vmax.f32 v7, v11;
	v11 =	vld [tilespmem:s16+$0x20]  }
0x1f: {  	v8 =	vmax.f32 v7, v8;
	v7 =	vld [tilespmem:s16+$0x30]  }
0x20: {  	v9 =	vmax.f32 v8, v9;
	v8 =	vld [tilespmem:s16+$0x40]  }
0x21: {  	v10 =	vmax.f32 v9, v10;
	v9 =	vld [tilespmem:s16+$0x50]  }
0x22: {  	v12 =	vmax.f32 v10, v12;
	v10 =	vld [tilespmem:s16+$0x60]  }
0x23: {  	s21 =	simm.s32 $0x0;
	s22 =	simm.s32 $0x180;
	v12 =	vmax.f32 v12, v11;
	v11 =	vld [tilespmem:s16+$0x70]  }
.LBB2_2:
0x24: {  	v13 =	vld [tilespmem:s22+$0xFFFFFF80];
	s21 =	sadd.s32 $0x10, s21;
	v7 =	vmax.f32 v12, v7  }
0x25: {  	v12 =	vld [tilespmem:s22+$0xFFFFFF90];
	p0 =	slt.u32 s21, $0x7F0;
	v7 =	vmax.f32 v7, v8  }
0x26: {  	v8 =	vld [tilespmem:s22+$0xFFFFFFA0];
	v7 =	vmax.f32 v7, v9  }
0x27: {  	v9 =	vld [tilespmem:s22+$0xFFFFFFB0];
	v7 =	vmax.f32 v7, v10  }
0x28: {  	v10 =	vld [tilespmem:s22+$0xFFFFFFC0];
	v7 =	vmax.f32 v7, v11  }
0x29: {  	v7 =	vmax.f32 v7, v13;
	v11 =	vld [tilespmem:s22+$0xFFFFFFD0]  }
0x2a: {  	v7 =	vmax.f32 v7, v12;
	v12 =	vld [tilespmem:s22+$0xFFFFFFE0]  }
0x2b: {  	v7 =	vmax.f32 v7, v8;
	v8 =	vld [tilespmem:s22+$0xFFFFFFF0]  }
0x2c: {  	v7 =	vmax.f32 v7, v9;
	v9 =	vld [tilespmem:s22+$0x0]  }
0x2d: {  	v7 =	vmax.f32 v7, v10;
	v10 =	vld [tilespmem:s22+$0x10]  }
0x2e: {  	v7 =	vmax.f32 v7, v11;
	v11 =	vld [tilespmem:s22+$0x20]  }
.Ltmp0:
0x2f: {  	v12 =	vmax.f32 v7, v12;
	v7 =	vld [tilespmem:s22+$0x30];
	(pc) =	sbr.rel @p0 .LBB2_2-.Ltmp0, $4  }
0x30: {  	v12 =	vmax.f32 v12, v8;
	v8 =	vld [tilespmem:s22+$0x40]  }
0x31: {  	v12 =	vmax.f32 v12, v9;
	v9 =	vld [tilespmem:s22+$0x50]  }
0x32: {  	v12 =	vmax.f32 v12, v10;
	v10 =	vld [tilespmem:s22+$0x60]  }
0x33: {  	v12 =	vmax.f32 v12, v11;
	v11 =	vld [tilespmem:s22+$0x70];
	s22 =	sadd.s32 $0x100, s22  }
0x34: {  	v7 =	vmax.f32 v12, v7  }
0x35: {  	v7 =	vmax.f32 v7, v8  }
0x36: {  	v7 =	vmax.f32 v7, v9  }
0x37: {  	v7 =	vmax.f32 v7, v10  }
0x38: {  	v7 =	vmax.f32 v7, v11  }
0x39: {  	v8 =	vperm.xlane v7, v0  }
0x3a: {  	s21 =	simm.s32 $0x80  }
0x3b: {  	v25 =	vld [tilespmem:s21+$0xFFFFFF80];
	v7 =	vmax.f32 v7, v8  }
0x3c: {  	v14 =	vld [tilespmem:s21+$0xFFFFFFF0];
	v8 =	vperm.xlane v7, v1  }
0x3d: {  	v12 =	vld [tilespmem:s21+$0x50]  }
0x3e: {  	v17 =	vld [tilespmem:s21+$0xFFFFFFC0];
	v7 =	vmax.f32 v7, v8  }
0x3f: {  	v13 =	vld [tilespmem:s21+$0xFFFFFFD0];
	v8 =	vperm.xlane v7, v2  }
0x40: {  	v18 =	vld [tilespmem:s21+$0xFFFFFFE0]  }
0x41: {  	v9 =	vld [tilespmem:s21+$0x0];
	v7 =	vmax.f32 v7, v8  }
0x42: {  	v10 =	vld [tilespmem:s21+$0x20];
	v8 =	vperm.xlane v7, v3  }
0x43: {  	v11 =	vld [tilespmem:s21+$0x70]  }
0x44: {  	v22 =	vld [tilespmem:s21+$0x30];
	v7 =	vmax.f32 v7, v8  }
0x45: {  	v21 =	vld [tilespmem:s21+$0x10];
	v8 =	vadd.f32 $-1.000000000e+00, v7  }
0x46: {  	v16 =	vimm.s32 $0x0  }
0x47: {  	vm7 =	vge.f32 v25, v8;
	vm10 =	vge.f32 v10, v8;
	vm2 =	vge.f32 v9, v8  }
0x48: {  	vm13 =	vge.f32 v12, v8;
	vm0 =	vge.f32 v14, v8;
	vm15 =	vge.f32 v11, v8  }
0x49: {  	vm5 =	vge.f32 v13, v8;
	vm6 =	vge.f32 v18, v8;
	vm8 =	vge.f32 v17, v8  }
0x4a: {  	vm1 =	vge.f32 v22, v8;
	vm11 =	vge.f32 v21, v8;
	v15 =	vmpcnt.ones.xlane vm7  }
0x4b: {  	v19 =	vsel vm7, $0x1, v4;
	v20 =	vsel vm10, $0x1, v4;
	v27 =	vsel vm2, $0x1, v4  }
0x4c: {  	v32 =	vmpcnt.ones.xlane vm2;
	v33 =	vsel vm10, $0xFFFFFFFF, v4;
	v34 =	vmpcnt.ones.xlane vm10  }
0x4d: {  	v24 =	vsel vm7, $0xFFFFFFFF, v4;
	v35 =	vsel vm0, $0x1, v4;
	v39 =	vmpcnt.ones.xlane vm0;
	(xrf0) =	vadd.scan.msk.s32 $0xffff, v19  }
0x4e: {  	v37 =	vmpcnt.ones.xlane vm5;
	v26 =	vsel vm8, $0x1, v4;
	v36 =	vmpcnt.ones.xlane vm8;
	v19 =	vld [tilespmem:s21+$0xFFFFFFA0]  }
0x4f: {  	v42 =	vsel vm2, $0xFFFFFFFF, v4;
	v29 =	vsel vm5, $0x1, v4;
	v23 =	vadd.s32 v16, v15;
	v15 =	vld [tilespmem:s21+$0xFFFFFF90]  }
0x50: {  	v44 =	vsel vm1, $0xFFFFFFFF, v4;
	v38 =	vsel vm5, $0xFFFFFFFF, v4;
	v24 =	vadd.s32 v24, v16;
	v16 =	vld [tilespmem:s21+$0x40]  }
0x51: {  	v40 =	vsel vm1, $0x1, v4;
	v45 =	vsel vm0, $0xFFFFFFFF, v4;
	v47 =	vmpcnt.ones.xlane vm1  }
0x52: {  	v41 =	vsel vm8, $0xFFFFFFFF, v4;
	v46 =	vsel vm6, $0x1, v4;
	v49 =	vsel vm11, $0xFFFFFFFF, v4;
	(xrf0) =	vadd.scan.msk.s32 $0xffff, v20;
	v20 =	vld [tilespmem:s21+$0x60]  }
0x53: {  	v50 =	vmpcnt.ones.xlane vm11;
	v53 =	vsel vm11, $0x1, v4;
	v62 =	vsel vm6, $0xFFFFFFFF, v4;
	v28, _, _ =	vpop (xrf0)  }
0x54: {  	v56 =	vmpcnt.ones.xlane vm6;
	vm9 =	vge.f32 v19, v8;
	v43 =	vadd.s32 v28, v24;
	v24 =	vld [tilespmem:s21+$0xFFFFFFB0]  }
0x55: {  	(xrf0) =	vadd.scan.msk.s32 $0xffff, v26;
	vm3 =	vge.f32 v15, v8;
	v48 =	vsel vm9, $0x1, v4;
	vm4 =	vge.f32 v16, v8  }
0x56: {  	(xrf0) =	vadd.scan.msk.s32 $0xffff, v29;
	v51 =	vmpcnt.ones.xlane vm9;
	v30 =	vsel vm3, $0x1, v4;
	v28 =	vmpcnt.ones.xlane vm3  }
0x57: {  	v52 =	vsel vm9, $0xFFFFFFFF, v4;
	vm12 =	vge.f32 v20, v8;
	v31 =	vsel vm3, $0xFFFFFFFF, v4;
	(xrf0) =	vadd.scan.msk.s32 $0xffff, v30  }
0x58: {  	v26 =	vsel vm4, $0xFFFFFFFF, v4;
	v30 =	vadd.s32 v31, v23;
	v29 =	vadd.s32 v23, v28;
	(xrf0) =	vadd.scan.msk.s32 $0xffff, v27  }
0x59: {  	v28 =	vmpcnt.ones.xlane vm4;
	v31 =	vadd.s32 v52, v29;
	(xrf0) =	vadd.scan.msk.s32 $0xffff, v53;
	vm14 =	vge.f32 v24, v8  }
0x5a: {  	v27, _, _ =	vpop (xrf0);
	v29 =	vadd.s32 v29, v51;
	(xrf0) =	vadd.scan.msk.s32 $0xffff, v40;
	v23 =	vmpcnt.ones.xlane vm14;
	v59 =	vsel vm14, $0x1, v4  }
0x5b: {  	v61, _, _ =	vpop (xrf0);
	[tilespmem:v43+s15+$0x0] =	vst.idx.msk vm7, v25;
	vm7 =	vmmov vm13;
	v60 =	vsel vm14, $0xFFFFFFFF, v4;
	(xrf0) =	vadd.scan.msk.s32 $0xffff, v59  }
0x5c: {  	v54, _, _ =	vpop (xrf0);
	v63 =	vadd.s32 v60, v29;
	v60 =	vsel vm4, $0x1, v4;
	v23 =	vadd.s32 v29, v23;
	(xrf0) =	vadd.scan.msk.s32 $0xffff, v48  }
0x5d: {  	v29 =	vsel vm13, $0x1, v4;
	vm13 =	vmmov vm10;
	v57 =	vadd.s32 v23, v36;
	(xrf0) =	vadd.scan.msk.s32 $0xffff, v46;
	v36, _, _ =	vpop (xrf0)  }
0x5e: {  	v23 =	vadd.s32 v41, v23;
	v41 =	vsel vm12, $0x1, v4;
	v58 =	vadd.s32 v57, v37;
	(xrf0) =	vadd.scan.msk.s32 $0xffff, v35;
	v59, _, _ =	vpop (xrf0)  }
0x5f: {  	v38 =	vadd.s32 v38, v57;
	v37 =	vadd.s32 v61, v23;
	v61 =	vadd.s32 v58, v56;
	v40, _, _ =	vpop (xrf0)  }
0x60: {  	v53 =	vadd.s32 v62, v58;
	v23 =	vadd.s32 v54, v38;
	v35 =	vadd.s32 v61, v39;
	v39, _, _ =	vpop (xrf0)  }
0x61: {  	v38 =	vadd.s32 v45, v61;
	v25 =	vadd.s32 v42, v35;
	v32 =	vadd.s32 v35, v32;
	v62, _, _ =	vpop (xrf0)  }
0x62: {  	v35 =	vadd.s32 v62, v63;
	v42 =	vadd.s32 v49, v32;
	v32 =	vadd.s32 v32, v50;
	v46, _, _ =	vpop (xrf0)  }
0x63: {  	v25 =	vadd.s32 v59, v25;
	v43 =	vadd.s32 v33, v32;
	v32 =	vadd.s32 v32, v34;
	v63, _, _ =	vpop (xrf0)  }
0x64: {  	s22 =	simm.s32 $0x180;
	s21 =	simm.s32 $0x0;
	(xrf0) =	vadd.scan.msk.s32 $0xffff, v60;
	v33 =	vadd.s32 v63, v53;
	v44 =	vadd.s32 v44, v32;
	v34 =	vadd.s32 v32, v47;
	v45, _, _ =	vpop (xrf0)  }
.LBB2_4:
0x65: {  	_ =	sdelay $0x4  }
0x66: {  	v31 =	vadd.s32 v46, v31;
	vm10 =	vmmov vm2;
	v61, _, _ =	vpop (xrf0);
	(xrf0) =	vadd.scan.msk.s32 $0xffff, v41  }
0x67: {  	v47 =	vimm.s32 $0x0;
	v49 =	vadd.s32 v40, v42;
	vm2 =	vmmov vm5  }
0x68: {  	[tilespmem:v37+s15+$0x0] =	vst.idx.msk vm8, v17;
	v50 =	vimm.s32 $0x0;
	v41 =	vsel vm10, $0xFFFFFFFF, v47;
	vm10 =	vmmov vm7  }
0x69: {  	[tilespmem:v33+s15+$0x0] =	vst.idx.msk vm6, v18;
	v40 =	vsel vm2, $0xFFFFFFFF, v50;
	vm7 =	vmmov vm15;
	v51 =	vmpcnt.ones.xlane vm10  }
0x6a: {  	v18 =	vadd.s32 v34, v28;
	[tilespmem:$0x1FFE0] =	vst v40;
	v17 =	vsel vm7, $0x1, v4  }
0x6b: {  	v32 =	vld [tilespmem:s22+$0xFFFFFF80];
	v53 =	vsel vm12, $0xFFFFFFFF, v4;
	[tilespmem:v31+s15+$0x0] =	vst.idx.msk vm9, v19;
	(xrf0) =	vadd.scan.msk.s32 $0xffff, v17;
	v19 =	vadd.s32 v18, v51  }
0x6c: {  	v40 =	vld [tilespmem:s22+$0x20];
	[tilespmem:v49+s15+$0x0] =	vst.idx.msk vm11, v21;
	v21 =	vadd.s32 v53, v19;
	v28, _, _ =	vpop (xrf0);
	(xrf0) =	vadd.scan.msk.s32 $0xffff, v29  }
0x6d: {  	v48 =	vld [tilespmem:s22+$0xFFFFFFF0];
	v21 =	vadd.s32 v28, v21  }
0x6e: {  	v27 =	vadd.s32 v27, v43;
	v43 =	vld [tilespmem:s22+$0x0]  }
0x6f: {  	v30 =	vadd.s32 v36, v30;
	v39 =	vadd.s32 v39, v44;
	v63 =	vld [tilespmem:s22+$0x50]  }
0x70: {  	[tilespmem:v35+s15+$0x0] =	vst.idx.msk vm14, v24;
	v38 =	vadd.s32 v45, v38;
	v58 =	vld [tilespmem:s22+$0x70];
	vm14 =	vge.f32 v32, v8  }
0x71: {  	v57 =	vld [tilespmem:s22+$0xFFFFFFD0];
	v24 =	vsel vm10, $0xFFFFFFFF, v4;
	v56 =	vsel vm14, $0x1, v4;
	vm15 =	vge.f32 v40, v8;
	v59, _, _ =	vpop (xrf0)  }
0x72: {  	v54 =	vld [tilespmem:s22+$0x60];
	v24 =	vadd.s32 v24, v18;
	v29 =	vsel vm15, $0x1, v4;
	(xrf0) =	vadd.scan.msk.s32 $0xffff, v56;
	[tilespmem:v21+s15+$0x0] =	vst.idx.msk vm12, v20;
	v20, _, _ =	vpop (xrf0)  }
0x73: {  	(xrf0) =	vadd.scan.msk.s32 $0xffff, v29;
	v29 =	vadd.s32 v20, v24  }
0x74: {  	v26 =	vadd.s32 v26, v34;
	v62 =	vmpcnt.ones.xlane vm12;
	vm2 =	vge.f32 v43, v8;
	v47 =	vld [tilespmem:s22+$0x30];
	[tilespmem:v39+s15+$0x0] =	vst.idx.msk vm1, v22  }
0x75: {  	vm11 =	vge.f32 v63, v8;
	[tilespmem:v30+s15+$0x0] =	vst.idx.msk vm3, v15;
	vm1 =	vge.f32 v58, v8;
	v30 =	vimm.s32 $0x0  }
0x76: {  	[tilespmem:v38+s15+$0x0] =	vst.idx.msk vm0, v14;
	vm5 =	vge.f32 v57, v8;
	v52 =	vsel vm7, $0xFFFFFFFF, v4;
	v31 =	vmpcnt.ones.xlane vm7  }
0x77: {  	v14 =	vmovc v48;
	[tilespmem:$0x1FFD0] =	vst v41;
	v55 =	vmpcnt.ones.xlane vm14;
	v26 =	vadd.s32 v61, v26;
	v61 =	vsel vm2, $0x1, v4  }
0x78: {  	v35 =	vmpcnt.ones.xlane vm2;
	v22 =	vsel vm14, $0xFFFFFFFF, v4;
	vm0 =	vge.f32 v14, v8;
	[tilespmem:v29+s15+$0x0] =	vst.idx.msk vm10, v12;
	v12 =	vld [tilespmem:$0x1FFD0]  }
0x79: {  	v30 =	vsel vm1, $0xFFFFFFFF, v30;
	v49 =	vmpcnt.ones.xlane vm5;
	v50 =	vsel vm2, $0xFFFFFFFF, v4  }
0x7a: {  	[tilespmem:v27+s15+$0x0] =	vst.idx.msk vm13, v10;
	v15 =	vld [tilespmem:s22+$0xFFFFFF90];
	v39 =	vsel vm0, $0x1, v4;
	v48 =	vmpcnt.ones.xlane vm0;
	v10 =	vmovc v40;
	v40 =	vsel vm5, $0xFFFFFFFF, v4  }
0x7b: {  	v17 =	vld [tilespmem:s22+$0xFFFFFFC0];
	v44 =	vsel vm0, $0xFFFFFFFF, v4;
	v33 =	vsel vm15, $0xFFFFFFFF, v4;
	v19 =	vadd.s32 v19, v62  }
0x7c: {  	v18 =	vld [tilespmem:s22+$0xFFFFFFE0];
	v34 =	vmpcnt.ones.xlane vm15;
	vm13 =	vmmov vm15;
	v31 =	vadd.s32 v19, v31  }
0x7d: {  	vm1 =	vge.f32 v47, v8;
	v60 =	vadd.s32 v31, v55;
	[tilespmem:v26+s15+$0x0] =	vst.idx.msk vm4, v16;
	vm4 =	vnez.u8 v12;
	v12 =	vld [tilespmem:$0x1FFE0]  }
0x7e: {  	v22 =	vadd.s32 v22, v31;
	v26 =	vsel vm5, $0x1, v4;
	v28 =	vadd.s32 v52, v19;
	v19 =	vld [tilespmem:s22+$0xFFFFFFA0]  }
0x7f: {  	v51 =	vsel vm1, $0xFFFFFFFF, v4;
	vm3 =	vge.f32 v15, v8;
	v28 =	vadd.s32 v59, v28  }
0x80: {  	v62 =	vsel vm1, $0x1, v4;
	v45 =	vmpcnt.ones.xlane vm1;
	vm8 =	vge.f32 v17, v8;
	v21 =	vld [tilespmem:s22+$0x10];
	v24, _, _ =	vpop (xrf0)  }
0x81: {  	[tilespmem:$0x1FFF0] =	vst v30;
	v30 =	vsel vm3, $0x1, v4;
	v20 =	vsel vm8, $0x1, v4;
	v22 =	vadd.s32 v24, v22  }
0x82: {  	vm6 =	vge.f32 v18, v8;
	v36 =	vmpcnt.ones.xlane vm8;
	(xrf0) =	vadd.scan.msk.s32 $0xffff, v20;
	v24 =	vld [tilespmem:s22+$0xFFFFFFB0];
	vm10 =	vnez.u8 v12  }
0x83: {  	v52 =	vsel vm8, $0xFFFFFFFF, v4;
	v53 =	vsel vm6, $0x1, v4;
	vm9 =	vge.f32 v19, v8;
	(xrf0) =	vadd.scan.msk.s32 $0xffff, v26  }
0x84: {  	v31 =	vsel vm9, $0xFFFFFFFF, v4;
	[tilespmem:v28+s15+$0x0] =	vst.idx.msk vm7, v11;
	vm7 =	vmmov vm11;
	v26 =	vmpcnt.ones.xlane vm3;
	v20 =	vmovc v54  }
0x85: {  	v16 =	vld [tilespmem:s22+$0x40];
	vm11 =	vge.f32 v21, v8;
	vm12 =	vge.f32 v20, v8;
	v29 =	vsel vm3, $0xFFFFFFFF, v4  }
0x86: {  	v11 =	vmovc v58;
	v55 =	vsel vm11, $0x1, v4;
	v41 =	vsel vm12, $0x1, v4;
	[tilespmem:v22+s15+$0x0] =	vst.idx.msk vm14, v32;
	v22 =	vadd.s32 v60, v26  }
0x87: {  	v27, _, _ =	vpop (xrf0);
	v32 =	vmpcnt.ones.xlane vm11;
	vm14 =	vge.f32 v24, v8;
	v31 =	vadd.s32 v31, v22  }
0x88: {  	v58 =	vsel vm14, $0x1, v4;
	v59 =	vmpcnt.ones.xlane vm14;
	[tilespmem:v23+s15+$0x0] =	vst.idx.msk vm10, v13;
	v23, _, _ =	vpop (xrf0);
	(xrf0) =	vadd.scan.msk.s32 $0xffff, v30  }
0x89: {  	v12 =	vmov v63;
	v63 =	vmpcnt.ones.xlane vm9;
	[tilespmem:v25+s15+$0x0] =	vst.idx.msk vm4, v9;
	v54, _, _ =	vpop (xrf0);
	(xrf0) =	vadd.scan.msk.s32 $0xffff, v61  }
0x8a: {  	v9 =	vmovc v43;
	v25 =	vsel vm9, $0x1, v4;
	v43 =	vsel vm11, $0xFFFFFFFF, v4;
	vm4 =	vge.f32 v16, v8;
	(xrf0) =	vadd.scan.msk.s32 $0xffff, v55  }
0x8b: {  	v26 =	vsel vm4, $0xFFFFFFFF, v4;
	v28 =	vmpcnt.ones.xlane vm4;
	v13 =	vmovc v57;
	v57 =	vadd.s32 v22, v63;
	(xrf0) =	vadd.scan.msk.s32 $0xffff, v62  }
0x8c: {  	v30 =	vadd.s32 v29, v60;
	v60 =	vsel vm6, $0xFFFFFFFF, v4;
	v37 =	vadd.s32 v57, v59;
	(xrf0) =	vadd.scan.msk.s32 $0xffff, v58  }
0x8d: {  	v22 =	vmovc v47;
	v62 =	vmpcnt.ones.xlane vm6;
	(xrf0) =	vadd.scan.msk.s32 $0xffff, v25;
	v25 =	vadd.s32 v52, v37;
	v37 =	vadd.s32 v37, v36  }
0x8e: {  	v29 =	vsel vm7, $0x1, v4;
	v61 =	vsel vm14, $0xFFFFFFFF, v4;
	v36, _, _ =	vpop (xrf0);
	(xrf0) =	vadd.scan.msk.s32 $0xffff, v53;
	v56 =	vadd.s32 v37, v49  }
0x8f: {  	s21 =	sadd.s32 $0x10, s21;
	v63 =	vadd.s32 v40, v37;
	v37 =	vadd.s32 v23, v25;
	(xrf0) =	vadd.scan.msk.s32 $0xffff, v39;
	v58, _, _ =	vpop (xrf0);
	v25 =	vadd.s32 v56, v62;
	v62 =	vld [tilespmem:$0x1FFF0]  }
0x90: {  	p0 =	slt.u32 s21, $0x7F0;
	v55 =	vadd.s32 v61, v57;
	v40, _, _ =	vpop (xrf0);
	v38 =	vadd.s32 v44, v25;
	v25 =	vadd.s32 v25, v48  }
.Ltmp1:
0x91: {  	v59 =	vadd.s32 v60, v56;
	v39, _, _ =	vpop (xrf0);
	v60 =	vadd.s32 v50, v25;
	v25 =	vadd.s32 v25, v35;
	(pc) =	sbr.rel @p0 .LBB2_4-.Ltmp1, $4  }
0x92: {  	v57 =	vsel vm4, $0x1, v4;
	v23 =	vadd.s32 v54, v63;
	v61, _, _ =	vpop (xrf0);
	v42 =	vadd.s32 v43, v25  }
0x93: {  	v32 =	vadd.s32 v25, v32;
	v25 =	vadd.s32 v58, v60;
	v35 =	vadd.s32 v61, v55;
	v46, _, _ =	vpop (xrf0)  }
0x94: {  	v43 =	vadd.s32 v33, v32;
	v32 =	vadd.s32 v32, v34;
	vm15 =	vnez.u8 v62;
	v63, _, _ =	vpop (xrf0)  }
0x95: {  	s22 =	sadd.s32 $0x100, s22;
	(xrf0) =	vadd.scan.msk.s32 $0xffff, v57;
	v44 =	vadd.s32 v51, v32;
	v34 =	vadd.s32 v32, v45;
	v33 =	vadd.s32 v63, v59;
	v45, _, _ =	vpop (xrf0)  }
0x96: {  	vm7 =	vmmov vm7  }
0x97: {  	v32 =	vmpcnt.ones.xlane vm7  }
0x98: {  	vm10 =	vmmov vm15;
	v47 =	vadd.s32 v34, v28;
	v28 =	vmpcnt.ones.xlane vm12  }
0x99: {  	v48 =	vmpcnt.ones.xlane vm10;
	v32 =	vadd.s32 v47, v32  }
0x9a: {  	(xrf0) =	vadd.scan.msk.s32 $0xffff, v41;
	v61 =	vsel vm10, $0x1, v4;
	v49 =	vadd.s32 v32, v28  }
0x9b: {  	(xrf0) =	vadd.scan.msk.s32 $0xffff, v61;
	v28 =	vadd.s32 v49, v48  }
0x9c: {  	(xrf0) =	vadd.scan.msk.s32 $0xffff, v29;
	v29 =	vxor.u32 $0x80000000, v28  }
0x9d: {  	(xrf0) =	vmax.scan.msk.u32 $0xffff, v29;
	_ =	sdelay $0x1  }
0x9e: {  	v29, _, _ =	vpop (xrf0)  }
0x9f: {  	v62, _, _ =	vpop (xrf0)  }
0xa0: {  	v63, _, _ =	vpop (xrf0)  }
0xa1: {  	v50, _, _ =	vpop (xrf0)  }
0xa2: {  	v51, _, _ =	vpop (xrf0)  }
0xa3: {  	(v2sf) =	vpush v51, $0xF;
	_ =	sdelay $0x8  }
0xa4: {  	v31 =	vadd.s32 v46, v31;
	[tilespmem:v37+s15+$0x0] =	vst.idx.msk vm8, v17  }
0xa5: {  	v40 =	vadd.s32 v40, v42;
	[tilespmem:v35+s15+$0x0] =	vst.idx.msk vm14, v24  }
0xa6: {  	v54 =	vadd.s32 v45, v38;
	[tilespmem:v33+s15+$0x0] =	vst.idx.msk vm6, v18  }
0xa7: {  	v55 =	vadd.s32 v39, v44;
	[tilespmem:v25+s15+$0x0] =	vst.idx.msk vm2, v9  }
0xa8: {  	v30 =	vadd.s32 v36, v30;
	[tilespmem:v23+s15+$0x0] =	vst.idx.msk vm5, v13  }
0xa9: {  	v56 =	vsel vm12, $0xFFFFFFFF, v4;
	v26 =	vadd.s32 v26, v34;
	v60 =	vadd.s32 v27, v43;
	[tilespmem:v31+s15+$0x0] =	vst.idx.msk vm9, v19  }
0xaa: {  	v58 =	vsel vm10, $0xFFFFFFFF, v4;
	v57 =	vadd.s32 v56, v32;
	[tilespmem:v40+s15+$0x0] =	vst.idx.msk vm11, v21;
	v59 =	vadd.s32 v29, v26;
	s21 =	spop (v2sf)  }
0xab: {  	v27 =	vsel vm7, $0xFFFFFFFF, v4;
	[tilespmem:v54+s15+$0x0] =	vst.idx.msk vm0, v14;
	v61 =	vadd.s32 v58, v49;
	v18 =	vadd.s32 v62, v57;
	s21 =	sadd.s32 $0x8000000F, s21  }
0xac: {  	[tilespmem:v55+s15+$0x0] =	vst.idx.msk vm1, v22;
	v62 =	vadd.s32 v27, v47;
	v14 =	vadd.s32 v63, v61;
	s22 =	sand.u32 $0xF, s21  }
0xad: {  	[tilespmem:v30+s15+$0x0] =	vst.idx.msk vm3, v15;
	v63 =	vadd.s32 v50, v62;
	s31 =	sshra.s32 s21, $0x1F;
	p1 =	slt.s32 s21, $0x1;
	p0 =	sne.s32 s22, $0x0  }
.Ltmp2:
0xae: {  	[tilespmem:v60+s15+$0x0] =	vst.idx.msk vm13, v10;
	s22 =	sshrl.u32 s31, $0x1C;
	p0 =	por !p1, !p0;
	(pc) =	sbr.rel .LBB2_6-.Ltmp2, $4  }
0xaf: {  	[tilespmem:v59+s15+$0x0] =	vst.idx.msk vm4, v16;
	s21 =	sadd.s32 s22, s21;
	s22 =	simm.s32 $0x1;
	p0 =	por !p0, !p0  }
0xb0: {  	[tilespmem:v18+s15+$0x0] =	vst.idx.msk vm12, v20;
	s21 =	sshra.s32 s21, $0x4;
	s22 =	simm.s32 @!p0 $0x0  }
0xb1: {  	[tilespmem:v14+s15+$0x0] =	vst.idx.msk vm10, v11;
	s21 =	ssub.s32 s21, s22  }
0xb2: {  	vm14 =	vmmov vm2;
	vm15 =	vmmov vm5;
	[tilespmem:v63+s15+$0x0] =	vst.idx.msk vm7, v12;
	s22 =	simm.s32 $0x0;
	p0 =	slt.s32 s21, $0x1  }
.LBB2_9:
0xb3: {  	v12 =	vor.u32 s24, v5  }
0xb4: {  	v11 =	vmax.f32 v11, $0.0e+00;
	vm0 =	vlt.s32 v12, v28  }
0xb5: {  	v11 =	vnsel vm0, $0x0, v11  }
0xb6: {  	v10 =	vadd.f32 v11, v10  }
.LBB2_10:
0xb7: {  	_ = 	snop  }
0xb8: {  	v11 =	vperm.xlane v10, v0;
	_ =	sdelay $0x1  }
0xb9: {  	v10 =	vadd.f32 v11, v10;
	_ =	sdelay $0x1  }
0xba: {  	v11 =	vperm.xlane v10, v1;
	_ =	sdelay $0x1  }
0xbb: {  	v10 =	vadd.f32 v11, v10;
	_ =	sdelay $0x1  }
0xbc: {  	v11 =	vperm.xlane v10, v2;
	_ =	sdelay $0x1  }
0xbd: {  	v10 =	vadd.f32 v11, v10  }
0xbe: {  	s22 =	sadd.s32 $0x1, s22  }
0xbf: {  	p1 =	sne.s32 s22, $0xE;
	v11 =	vperm.xlane v10, v3  }
.Ltmp3:
0xc0: {  	_ = 	snop;
	(pc) =	sbr.rel @!p1 .LBB2_11-.Ltmp3, $3  }
0xc1: {  	v10 =	vadd.f32 v11, v10;
	_ =	sdelay $0x1  }
0xc2: {  	vm0 =	vgt.f32 v10, $1.000000000e+00  }
0xc3: {  	v8 =	vsel vm0, v9, v8;
	v7 =	vsel vm0, v7, v9  }
.LBB2_6:
.Ltmp4:
0xc4: {  	(pc) =	sbr.rel @p0 .LBB2_10-.Ltmp4, $3  }
0xc5: {  	_ = 	snop  }
0xc6: {  	v9 =	vadd.f32 v7, v8;
	_ =	sdelay $0x1  }
0xc7: {  	v10 =	vimm.f32 $0.0e+00;
	s24 =	simm.s32 $0x10000;
	v9 =	vmul.f32 $5.000000000e-01, v9  }
0xc8: {  	v11 =	vld [tilespmem:s24+$0x0];
	p1 =	sne.s32 s21, $0x1  }
.Ltmp5:
0xc9: {  	_ = 	snop;
	(pc) =	sbr.rel @!p1 .LBB2_9-.Ltmp5, $2  }
0xca: {  	_ =	sdelay $0x2  }
0xcb: {  	s23 =	sadd.s32 $0xFFFFFFFF, s21;
	s25 =	sadd.s32 $0x10, s24;
	s24 =	simm.s32 $0x0;
	v11 =	vsub.f32 v11, v9  }
.LBB2_8:
0xcc: {  	v12 =	vld [tilespmem:s25+$0x0];
	p1 =	sne.s32 s23, $0x1;
	s23 =	sadd.s32 $0xFFFFFFFF, s23;
	v13 =	vor.u32 s24, v5  }
.Ltmp6:
0xcd: {  	v11 =	vmax.f32 v11, $0.0e+00;
	vm0 =	vlt.s32 v13, v28;
	(pc) =	sbr.rel @p1 .LBB2_8-.Ltmp6, $3  }
0xce: {  	v11 =	vnsel vm0, $0x0, v11  }
0xcf: {  	v10 =	vadd.f32 v11, v10;
	_ =	sdelay $0x1  }
0xd0: {  	s25 =	sadd.s32 $0x10, s25;
	s24 =	sadd.s32 $0x10, s24;
	v11 =	vsub.f32 v12, v9  }
.Ltmp7:
0xd1: {  	_ = 	snop;
	(pc) =	sbr.rel .LBB2_9-.Ltmp7, $1  }
0xd2: {  	_ =	sdelay $0x3  }
.LBB2_11:
.Ltmp8:
0xd3: {  	(pc) =	sbr.rel @p0 .LBB2_12-.Ltmp8, $2  }
0xd4: {  	_ =	sdelay $0x2  }
0xd5: {  	v10 =	vimm.f32 $0.0e+00  }
0xd6: {  	s22 =	simm.s32 $0x10000  }
0xd7: {  	p0 =	sne.s32 s21, $0x1;
	v9 =	vld [tilespmem:s22+$0x0]  }
.Ltmp9:
0xd8: {  	v7 =	vadd.f32 v7, v8;
	(pc) =	sbr.rel @!p0 .LBB2_15-.Ltmp9, $4  }
0xd9: {  	_ = 	snop  }
0xda: {  	s22 =	simm.s32 $0x0;
	v7 =	vmul.f32 $5.000000000e-01, v7  }
0xdb: {  	v8 =	vor.u32 s22, v5  }
0xdc: {  	s21 =	sadd.s32 $0xFFFFFFFF, s21;
	s23 =	simm.s32 $0x10010;
	vm0 =	vlt.s32 v8, v28;
	v8 =	vimm.f32 $0.0e+00;
	vm1 =	vgt.f32 v9, v7  }
.LBB2_14:
0xdd: {  	v11 =	vld [tilespmem:s23+$0x0];
	p0 =	sne.s32 s21, $0x1;
	s21 =	sadd.s32 $0xFFFFFFFF, s21;
	vm0 =	vmand vm0, vm1  }
.Ltmp10:
0xde: {  	v12 =	vsel vm0, $0x3F800000, v6;
	v9 =	vnsel vm0, $0x0, v9;
	(pc) =	sbr.rel @p0 .LBB2_14-.Ltmp10, $4  }
0xdf: {  	v10 =	vadd.f32 v12, v10;
	v8 =	vadd.f32 v9, v8  }
0xe0: {  	s22 =	sadd.s32 $0x10, s22  }
0xe1: {  	v12 =	vor.u32 s22, v5  }
0xe2: {  	s23 =	sadd.s32 $0x10, s23;
	vm0 =	vlt.s32 v12, v28;
	vm1 =	vgt.f32 v11, v7;
	v9 =	vmov v11  }
.LBB2_15:
.Ltmp11:
0xe3: {  	(pc) =	sbr.rel .LBB2_16-.Ltmp11, $4  }
0xe4: {  	_ = 	snop  }
0xe5: {  	vm0 =	vmand vm0, vm1  }
0xe6: {  	v7 =	vsel vm0, $0x3F800000, v6;
	v9 =	vnsel vm0, $0x0, v9  }
0xe7: {  	v10 =	vadd.f32 v7, v10;
	v11 =	vadd.f32 v9, v8  }
.LBB2_12:
0xe8: {  	v11 =	vimm.f32 $0.0e+00  }
.LBB2_16:
0xe9: {  	v9 =	vand.u32 $0xF, v0  }
0xea: {  	v7 =	vperm.xlane v10, v9;
	_ =	sdelay $0x1  }
0xeb: {  	v7 =	vadd.f32 v7, v10  }
0xec: {  	v8 =	vand.u32 $0xF, v1  }
0xed: {  	v10 =	vperm.xlane v7, v8;
	_ =	sdelay $0x1  }
0xee: {  	v10 =	vadd.f32 v10, v7  }
0xef: {  	v7 =	vand.u32 $0xF, v2  }
0xf0: {  	v12 =	vperm.xlane v10, v7  }
0xf1: {  	v13 =	vperm.xlane v11, v9  }
0xf2: {  	v10 =	vadd.f32 v12, v10  }
0xf3: {  	v11 =	vadd.f32 v13, v11  }
0xf4: {  	v12 =	vperm.xlane v10, v3  }
0xf5: {  	v13 =	vperm.xlane v11, v8  }
0xf6: {  	v10 =	vadd.f32 v12, v10  }
0xf7: {  	v11 =	vadd.f32 v13, v11  }
0xf8: {  	v10 =	vmax.f32 v10, $1.000000000e+00  }
0xf9: {  	v12 =	vperm.xlane v11, v7;
	(erf) = vrcp.f32 v10;
	_ =	sdelay $0x1  }
0xfa: {  	v10 =	vadd.f32 v12, v11;
	_ =	sdelay $0x1  }
0xfb: {  	v11 =	vperm.xlane v10, v3;
	_ =	sdelay $0x1  }
0xfc: {  	s21 =	simm.s32 $0x80;
	v10 =	vadd.f32 v11, v10  }
0xfd: {  	v11 =	vld [tilespmem:s21+$0x70]  }
0xfe: {  	v12 =	vld [tilespmem:s21+$0xFFFFFF90];
	v10 =	vadd.f32 $-1.000000000e+00, v10  }
0xff: {  	v14 =	vld [tilespmem:s21+$0xFFFFFFA0];
	v13 =	vpop (erf)  }
0x100: {  	v10 =	vmul.f32 v10, v13;
	v13 =	vld [tilespmem:s21+$0xFFFFFFB0]  }
0x101: {  	v15 =	vld [tilespmem:s21+$0xFFFFFFC0]  }
0x102: {  	v16 =	vld [tilespmem:s21+$0xFFFFFFD0];
	v11 =	vadd.f32 v11, v10  }
0x103: {  	v17 =	vld [tilespmem:s21+$0xFFFFFFE0];
	v12 =	vadd.f32 v12, v10  }
0x104: {  	v18 =	vld [tilespmem:s21+$0xFFFFFFF0];
	v14 =	vadd.f32 v14, v10;
	v11 =	vmax.f32 v11, $0.0e+00  }
0x105: {  	v19 =	vld [tilespmem:s21+$0x0];
	v12 =	vmax.f32 v12, $0.0e+00;
	v13 =	vadd.f32 v13, v10;
	[tilespmem:s21+$0x70] =	vst v11  }
0x106: {  	[tilespmem:s21+$0xFFFFFF90] =	vst v12;
	v11 =	vmax.f32 v14, $0.0e+00;
	v12 =	vadd.f32 v15, v10;
	v15 =	vld [tilespmem:s21+$0x10]  }
0x107: {  	v20 =	vld [tilespmem:s21+$0x20];
	[tilespmem:s21+$0xFFFFFFA0] =	vst v11;
	v11 =	vmax.f32 v13, $0.0e+00;
	v13 =	vadd.f32 v16, v10  }
0x108: {  	v14 =	vadd.f32 v17, v10;
	v12 =	vmax.f32 v12, $0.0e+00;
	[tilespmem:s21+$0xFFFFFFB0] =	vst v11;
	v11 =	vld [tilespmem:s21+$0x30]  }
0x109: {  	v16 =	vadd.f32 v18, v10;
	[tilespmem:s21+$0xFFFFFFC0] =	vst v12;
	v12 =	vld [tilespmem:s21+$0x40];
	v13 =	vmax.f32 v13, $0.0e+00  }
0x10a: {  	v17 =	vadd.f32 v19, v10;
	v14 =	vmax.f32 v14, $0.0e+00;
	[tilespmem:s21+$0xFFFFFFD0] =	vst v13;
	v13 =	vld [tilespmem:s21+$0x50]  }
0x10b: {  	[tilespmem:s21+$0xFFFFFFE0] =	vst v14;
	v14 =	vld [tilespmem:s21+$0x60];
	v18 =	vmax.f32 v16, $0.0e+00;
	v16 =	vadd.f32 v15, v10  }
0x10c: {  	s22 =	simm.s32 $0x0;
	s23 =	simm.s32 $0x180;
	v15 =	vld [tilespmem:s21+$0xFFFFFF80];
	[tilespmem:s21+$0xFFFFFFF0] =	vst v18;
	v18 =	vmax.f32 v17, $0.0e+00;
	v17 =	vadd.f32 v20, v10  }
.LBB2_17:
0x10d: {  	v19 =	vld [tilespmem:s23+$0x70];
	s22 =	sadd.s32 $0x10, s22;
	[tilespmem:s21+$0x0] =	vst v18;
	v16 =	vmax.f32 v16, $0.0e+00;
	v11 =	vadd.f32 v11, v10  }
0x10e: {  	v18 =	vld [tilespmem:s23+$0xFFFFFF90];
	p0 =	slt.u32 s22, $0x7F0;
	[tilespmem:s21+$0x10] =	vst v16;
	v16 =	vmax.f32 v17, $0.0e+00;
	v12 =	vadd.f32 v12, v10  }
0x10f: {  	v17 =	vld [tilespmem:s23+$0xFFFFFFA0];
	[tilespmem:s21+$0x20] =	vst v16;
	v11 =	vmax.f32 v11, $0.0e+00;
	v13 =	vadd.f32 v13, v10  }
0x110: {  	v16 =	vld [tilespmem:s23+$0xFFFFFFB0];
	[tilespmem:s21+$0x30] =	vst v11;
	v11 =	vmax.f32 v12, $0.0e+00;
	v12 =	vadd.f32 v14, v10  }
0x111: {  	v14 =	vld [tilespmem:s23+$0xFFFFFFC0];
	v15 =	vadd.f32 v15, v10;
	[tilespmem:s21+$0x40] =	vst v11;
	v11 =	vmax.f32 v13, $0.0e+00  }
0x112: {  	v13 =	vld [tilespmem:s23+$0xFFFFFFD0];
	v19 =	vadd.f32 v19, v10;
	[tilespmem:s21+$0x50] =	vst v11;
	v11 =	vmax.f32 v12, $0.0e+00  }
0x113: {  	v12 =	vadd.f32 v18, v10;
	v18 =	vld [tilespmem:s23+$0xFFFFFFE0];
	v15 =	vmax.f32 v15, $0.0e+00;
	[tilespmem:s21+$0x60] =	vst v11  }
0x114: {  	v11 =	vadd.f32 v17, v10;
	v17 =	vld [tilespmem:s23+$0xFFFFFFF0];
	v19 =	vmax.f32 v19, $0.0e+00;
	[tilespmem:s21+$0xFFFFFF80] =	vst v15;
	s21 =	smov.u32 s23  }
0x115: {  	v12 =	vmax.f32 v12, $0.0e+00;
	v15 =	vadd.f32 v16, v10;
	v16 =	vld [tilespmem:s23+$0x0];
	[tilespmem:s23+$0x70] =	vst v19  }
0x116: {  	[tilespmem:s23+$0xFFFFFF90] =	vst v12;
	v11 =	vmax.f32 v11, $0.0e+00;
	v12 =	vadd.f32 v14, v10;
	v14 =	vld [tilespmem:s23+$0x10]  }
0x117: {  	[tilespmem:s23+$0xFFFFFFA0] =	vst v11;
	v11 =	vmax.f32 v15, $0.0e+00;
	v13 =	vadd.f32 v13, v10;
	v19 =	vld [tilespmem:s23+$0x20]  }
.Ltmp12:
0x118: {  	[tilespmem:s23+$0xFFFFFFB0] =	vst v11;
	v12 =	vmax.f32 v12, $0.0e+00;
	v15 =	vadd.f32 v18, v10;
	v11 =	vld [tilespmem:s23+$0x30];
	(pc) =	sbr.rel @p0 .LBB2_17-.Ltmp12, $4  }
0x119: {  	[tilespmem:s23+$0xFFFFFFC0] =	vst v12;
	v13 =	vmax.f32 v13, $0.0e+00;
	v17 =	vadd.f32 v17, v10;
	v12 =	vld [tilespmem:s23+$0x40]  }
0x11a: {  	[tilespmem:s23+$0xFFFFFFD0] =	vst v13;
	v15 =	vmax.f32 v15, $0.0e+00;
	v18 =	vadd.f32 v16, v10;
	v13 =	vld [tilespmem:s23+$0x50]  }
0x11b: {  	[tilespmem:s23+$0xFFFFFFE0] =	vst v15;
	v17 =	vmax.f32 v17, $0.0e+00;
	v16 =	vadd.f32 v14, v10;
	v14 =	vld [tilespmem:s23+$0x60]  }
0x11c: {  	s23 =	sadd.s32 $0x100, s23;
	v15 =	vld [tilespmem:s21+$0xFFFFFF80];
	[tilespmem:s21+$0xFFFFFFF0] =	vst v17;
	v18 =	vmax.f32 v18, $0.0e+00;
	v17 =	vadd.f32 v19, v10  }
0x11d: {  	[tilespmem:s21+$0x0] =	vst v18;
	v16 =	vmax.f32 v16, $0.0e+00;
	v11 =	vadd.f32 v11, v10  }
0x11e: {  	[tilespmem:s21+$0x10] =	vst v16;
	v16 =	vmax.f32 v17, $0.0e+00;
	v12 =	vadd.f32 v12, v10  }
0x11f: {  	[tilespmem:s21+$0x20] =	vst v16;
	v11 =	vmax.f32 v11, $0.0e+00;
	v13 =	vadd.f32 v13, v10  }
0x120: {  	[tilespmem:s21+$0x30] =	vst v11;
	v11 =	vmax.f32 v12, $0.0e+00;
	v12 =	vadd.f32 v14, v10  }
0x121: {  	v10 =	vadd.f32 v15, v10;
	[tilespmem:s21+$0x40] =	vst v11;
	v11 =	vmax.f32 v13, $0.0e+00  }
0x122: {  	[tilespmem:s21+$0x50] =	vst v11;
	v11 =	vmax.f32 v12, $0.0e+00  }
0x123: {  	v10 =	vmax.f32 v10, $0.0e+00;
	[tilespmem:s21+$0x60] =	vst v11  }
0x124: {  	[tilespmem:s21+$0xFFFFFF80] =	vst v10  }
0x125: {  	[hbm4b:s5+s16] =	stream.strided.scatter [tilespmem:s2], [sflag:$0x3], $0x8000, s12, s16, $0x38;
	[tilespmem:$0x18000] =	vst v63  }
0x126: {  	_ =	swait.ge [sflag:s17], $0x8000  }
0x127: {  	[sflag:s17] =	ssyncset.done $0x0  }
0x128: {  	[sflag:s17] =	ssyncadd.s32 $0xFFFF8000  }
0x129: {  	[tilespmem:s2], [sflag:$0x1] =	stream.strided.gather [hbm4b:s6+s16], $0x8000, s12, s16, $0x38;
	[tilespmem:$0x18000] =	vst v63  }
0x12a: {  	_ =	swait.ge [sflag:s18], $0x8000  }
0x12b: {  	[sflag:s18] =	ssyncset.done $0x0  }
0x12c: {  	s22 =	simm.s32 $0x8080;
	[sflag:s18] =	ssyncadd.s32 $0xFFFF8000  }
0x12d: {  	v10 =	vld [tilespmem:s22+$0xFFFFFF80]  }
0x12e: {  	v11 =	vld [tilespmem:s22+$0xFFFFFF90]  }
0x12f: {  	v12 =	vld [tilespmem:s22+$0xFFFFFFA0]  }
0x130: {  	v13 =	vld [tilespmem:s22+$0xFFFFFFB0]  }
0x131: {  	v14 =	vimm.f32 $-Inf;
	v15 =	vld [tilespmem:s22+$0xFFFFFFC0]  }
0x132: {  	v10 =	vmax.f32 v14, v10;
	v14 =	vld [tilespmem:s22+$0xFFFFFFD0]  }
0x133: {  	v10 =	vmax.f32 v10, v11;
	v11 =	vld [tilespmem:s22+$0xFFFFFFE0]  }
0x134: {  	v10 =	vmax.f32 v10, v12;
	v12 =	vld [tilespmem:s22+$0xFFFFFFF0]  }
0x135: {  	v10 =	vmax.f32 v10, v13;
	v13 =	vld [tilespmem:s22+$0x0]  }
0x136: {  	v10 =	vmax.f32 v10, v15;
	v15 =	vld [tilespmem:s22+$0x10]  }
0x137: {  	v10 =	vmax.f32 v10, v14;
	v14 =	vld [tilespmem:s22+$0x20]  }
0x138: {  	v11 =	vmax.f32 v10, v11;
	v10 =	vld [tilespmem:s22+$0x30]  }
0x139: {  	v12 =	vmax.f32 v11, v12;
	v11 =	vld [tilespmem:s22+$0x40]  }
0x13a: {  	v13 =	vmax.f32 v12, v13;
	v12 =	vld [tilespmem:s22+$0x50]  }
0x13b: {  	v15 =	vmax.f32 v13, v15;
	v13 =	vld [tilespmem:s22+$0x60]  }
0x13c: {  	s21 =	simm.s32 $0x0;
	v15 =	vmax.f32 v15, v14;
	v14 =	vld [tilespmem:s22+$0x70];
	s22 =	simm.s32 $0x8180  }
.LBB2_19:
0x13d: {  	v16 =	vld [tilespmem:s22+$0xFFFFFF80];
	s21 =	sadd.s32 $0x10, s21;
	v10 =	vmax.f32 v15, v10  }
0x13e: {  	v15 =	vld [tilespmem:s22+$0xFFFFFF90];
	p0 =	slt.u32 s21, $0x7F0;
	v10 =	vmax.f32 v10, v11  }
0x13f: {  	v11 =	vld [tilespmem:s22+$0xFFFFFFA0];
	v10 =	vmax.f32 v10, v12  }
0x140: {  	v12 =	vld [tilespmem:s22+$0xFFFFFFB0];
	v10 =	vmax.f32 v10, v13  }
0x141: {  	v13 =	vld [tilespmem:s22+$0xFFFFFFC0];
	v10 =	vmax.f32 v10, v14  }
0x142: {  	v10 =	vmax.f32 v10, v16;
	v14 =	vld [tilespmem:s22+$0xFFFFFFD0]  }
0x143: {  	v10 =	vmax.f32 v10, v15;
	v15 =	vld [tilespmem:s22+$0xFFFFFFE0]  }
0x144: {  	v10 =	vmax.f32 v10, v11;
	v11 =	vld [tilespmem:s22+$0xFFFFFFF0]  }
0x145: {  	v10 =	vmax.f32 v10, v12;
	v12 =	vld [tilespmem:s22+$0x0]  }
0x146: {  	v10 =	vmax.f32 v10, v13;
	v13 =	vld [tilespmem:s22+$0x10]  }
0x147: {  	v10 =	vmax.f32 v10, v14;
	v14 =	vld [tilespmem:s22+$0x20]  }
.Ltmp13:
0x148: {  	v15 =	vmax.f32 v10, v15;
	v10 =	vld [tilespmem:s22+$0x30];
	(pc) =	sbr.rel @p0 .LBB2_19-.Ltmp13, $4  }
0x149: {  	v15 =	vmax.f32 v15, v11;
	v11 =	vld [tilespmem:s22+$0x40]  }
0x14a: {  	v15 =	vmax.f32 v15, v12;
	v12 =	vld [tilespmem:s22+$0x50]  }
0x14b: {  	v15 =	vmax.f32 v15, v13;
	v13 =	vld [tilespmem:s22+$0x60]  }
0x14c: {  	v15 =	vmax.f32 v15, v14;
	v14 =	vld [tilespmem:s22+$0x70];
	s22 =	sadd.s32 $0x100, s22  }
0x14d: {  	v10 =	vmax.f32 v15, v10  }
0x14e: {  	v10 =	vmax.f32 v10, v11  }
0x14f: {  	v10 =	vmax.f32 v10, v12  }
0x150: {  	v10 =	vmax.f32 v10, v13  }
0x151: {  	v10 =	vmax.f32 v10, v14  }
0x152: {  	v11 =	vperm.xlane v10, v0  }
0x153: {  	s21 =	simm.s32 $0x8080  }
0x154: {  	v28 =	vld [tilespmem:s21+$0xFFFFFF80];
	v10 =	vmax.f32 v10, v11  }
0x155: {  	v17 =	vld [tilespmem:s21+$0xFFFFFFF0];
	v11 =	vperm.xlane v10, v1  }
0x156: {  	v15 =	vld [tilespmem:s21+$0x50]  }
0x157: {  	v20 =	vld [tilespmem:s21+$0xFFFFFFC0];
	v10 =	vmax.f32 v10, v11  }
0x158: {  	v16 =	vld [tilespmem:s21+$0xFFFFFFD0];
	v11 =	vperm.xlane v10, v2  }
0x159: {  	v21 =	vld [tilespmem:s21+$0xFFFFFFE0]  }
0x15a: {  	v12 =	vld [tilespmem:s21+$0x0];
	v10 =	vmax.f32 v10, v11  }
0x15b: {  	v13 =	vld [tilespmem:s21+$0x20];
	v11 =	vperm.xlane v10, v3  }
0x15c: {  	v14 =	vld [tilespmem:s21+$0x70]  }
0x15d: {  	v25 =	vld [tilespmem:s21+$0x30];
	v10 =	vmax.f32 v10, v11  }
0x15e: {  	v24 =	vld [tilespmem:s21+$0x10];
	v11 =	vadd.f32 $-1.000000000e+00, v10  }
0x15f: {  	v19 =	vimm.s32 $0x0  }
0x160: {  	vm7 =	vge.f32 v28, v11;
	vm10 =	vge.f32 v13, v11;
	vm2 =	vge.f32 v12, v11  }
0x161: {  	vm13 =	vge.f32 v15, v11;
	vm0 =	vge.f32 v17, v11;
	vm15 =	vge.f32 v14, v11  }
0x162: {  	vm5 =	vge.f32 v16, v11;
	vm6 =	vge.f32 v21, v11;
	vm8 =	vge.f32 v20, v11  }
0x163: {  	vm1 =	vge.f32 v25, v11;
	vm11 =	vge.f32 v24, v11;
	v18 =	vmpcnt.ones.xlane vm7  }
0x164: {  	v22 =	vsel vm7, $0x1, v4;
	v23 =	vsel vm10, $0x1, v4;
	v30 =	vsel vm2, $0x1, v4  }
0x165: {  	v35 =	vmpcnt.ones.xlane vm2;
	v36 =	vsel vm10, $0xFFFFFFFF, v4;
	v37 =	vmpcnt.ones.xlane vm10;
	(xrf0) =	vadd.scan.msk.s32 $0xffff, v22  }
0x166: {  	v27 =	vsel vm7, $0xFFFFFFFF, v4;
	v38 =	vsel vm0, $0x1, v4;
	v42 =	vmpcnt.ones.xlane vm0  }
0x167: {  	v40 =	vmpcnt.ones.xlane vm5;
	v29 =	vsel vm8, $0x1, v4;
	v39 =	vmpcnt.ones.xlane vm8;
	v22 =	vld [tilespmem:s21+$0xFFFFFFA0]  }
0x168: {  	v45 =	vsel vm2, $0xFFFFFFFF, v4;
	v32 =	vsel vm5, $0x1, v4;
	v26 =	vadd.s32 v19, v18;
	v18 =	vld [tilespmem:s21+$0xFFFFFF90]  }
0x169: {  	v47 =	vsel vm1, $0xFFFFFFFF, v4;
	v41 =	vsel vm5, $0xFFFFFFFF, v4;
	v27 =	vadd.s32 v27, v19;
	v19 =	vld [tilespmem:s21+$0x40]  }
0x16a: {  	v43 =	vsel vm1, $0x1, v4;
	v48 =	vsel vm0, $0xFFFFFFFF, v4;
	v50 =	vmpcnt.ones.xlane vm1  }
0x16b: {  	v44 =	vsel vm8, $0xFFFFFFFF, v4;
	v49 =	vsel vm6, $0x1, v4;
	v52 =	vsel vm11, $0xFFFFFFFF, v4;
	(xrf0) =	vadd.scan.msk.s32 $0xffff, v23;
	v23 =	vld [tilespmem:s21+$0x60];
	v31, _, _ =	vpop (xrf0)  }
0x16c: {  	v53 =	vmpcnt.ones.xlane vm11;
	vm9 =	vge.f32 v22, v11;
	v46 =	vadd.s32 v31, v27;
	v27 =	vld [tilespmem:s21+$0xFFFFFFB0]  }
0x16d: {  	v56 =	vsel vm11, $0x1, v4;
	(xrf0) =	vadd.scan.msk.s32 $0xffff, v29;
	vm3 =	vge.f32 v18, v11;
	v51 =	vsel vm9, $0x1, v4  }
0x16e: {  	(xrf0) =	vadd.scan.msk.s32 $0xffff, v32;
	vm4 =	vge.f32 v19, v11;
	v54 =	vmpcnt.ones.xlane vm9;
	v33 =	vsel vm3, $0x1, v4  }
0x16f: {  	v55 =	vsel vm9, $0xFFFFFFFF, v4;
	v31 =	vmpcnt.ones.xlane vm3;
	v34 =	vsel vm3, $0xFFFFFFFF, v4;
	(xrf0) =	vadd.scan.msk.s32 $0xffff, v33  }
0x170: {  	vm12 =	vge.f32 v23, v11;
	v29 =	vsel vm4, $0xFFFFFFFF, v4;
	v33 =	vadd.s32 v34, v26;
	(xrf0) =	vadd.scan.msk.s32 $0xffff, v30  }
0x171: {  	v61 =	vadd.s32 v26, v31;
	v31 =	vmpcnt.ones.xlane vm4;
	(xrf0) =	vadd.scan.msk.s32 $0xffff, v56;
	vm14 =	vge.f32 v27, v11  }
0x172: {  	v30, _, _ =	vpop (xrf0);
	v34 =	vadd.s32 v55, v61;
	v32 =	vadd.s32 v61, v54;
	(xrf0) =	vadd.scan.msk.s32 $0xffff, v43;
	v26 =	vmpcnt.ones.xlane vm14  }
0x173: {  	v60, _, _ =	vpop (xrf0);
	v43 =	vmpcnt.ones.xlane vm6;
	v62 =	vsel vm14, $0x1, v4;
	v63 =	vsel vm14, $0xFFFFFFFF, v4  }
0x174: {  	v56 =	vsel vm6, $0xFFFFFFFF, v4;
	v57, _, _ =	vpop (xrf0);
	[tilespmem:v46+s15+$0x0] =	vst.idx.msk vm7, v28;
	(xrf0) =	vadd.scan.msk.s32 $0xffff, v62;
	v26 =	vadd.s32 v32, v26  }
0x175: {  	vm7 =	vmmov vm13;
	v54 =	vadd.s32 v63, v32;
	(xrf0) =	vadd.scan.msk.s32 $0xffff, v51;
	v61 =	vadd.s32 v26, v39;
	v39, _, _ =	vpop (xrf0)  }
0x176: {  	v26 =	vadd.s32 v44, v26;
	(xrf0) =	vadd.scan.msk.s32 $0xffff, v49;
	v41 =	vadd.s32 v41, v61;
	v62 =	vadd.s32 v61, v40;
	v63, _, _ =	vpop (xrf0)  }
0x177: {  	(xrf0) =	vadd.scan.msk.s32 $0xffff, v38;
	v40 =	vadd.s32 v60, v26;
	v60 =	vsel vm4, $0x1, v4;
	v61 =	vadd.s32 v62, v43;
	v43, _, _ =	vpop (xrf0)  }
0x178: {  	v32 =	vsel vm13, $0x1, v4;
	vm13 =	vmmov vm10;
	v38 =	vadd.s32 v61, v42;
	v42, _, _ =	vpop (xrf0);
	(xrf0) =	vadd.scan.msk.s32 $0xffff, v60  }
0x179: {  	v44 =	vsel vm12, $0x1, v4;
	v56 =	vadd.s32 v56, v62;
	v26 =	vadd.s32 v57, v41  }
0x17a: {  	v41 =	vadd.s32 v48, v61;
	v28 =	vadd.s32 v45, v38;
	v35 =	vadd.s32 v38, v35;
	v62, _, _ =	vpop (xrf0)  }
0x17b: {  	v38 =	vadd.s32 v62, v54;
	v45 =	vadd.s32 v52, v35;
	v35 =	vadd.s32 v35, v53;
	v49, _, _ =	vpop (xrf0)  }
0x17c: {  	v28 =	vadd.s32 v63, v28;
	v46 =	vadd.s32 v36, v35;
	v35 =	vadd.s32 v35, v37;
	v63, _, _ =	vpop (xrf0)  }
0x17d: {  	s22 =	simm.s32 $0x8180;
	s21 =	simm.s32 $0x0;
	v36 =	vadd.s32 v63, v56;
	v47 =	vadd.s32 v47, v35;
	v37 =	vadd.s32 v35, v50;
	v48, _, _ =	vpop (xrf0)  }
.LBB2_21:
0x17e: {  	v33 =	vadd.s32 v39, v33;
	v34 =	vadd.s32 v49, v34;
	v39, _, _ =	vpop (xrf0);
	(xrf0) =	vadd.scan.msk.s32 $0xffff, v44  }
0x17f: {  	vm10 =	vmmov vm2;
	v51 =	vimm.s32 $0x0;
	v57 =	vadd.s32 v43, v45  }
0x180: {  	v44 =	vsel vm10, $0xFFFFFFFF, v51;
	vm10 =	vmmov vm7  }
0x181: {  	[tilespmem:v40+s15+$0x0] =	vst.idx.msk vm8, v20;
	vm7 =	vmmov vm15;
	v59 =	vmpcnt.ones.xlane vm10  }
0x182: {  	[tilespmem:v36+s15+$0x0] =	vst.idx.msk vm6, v21;
	v21 =	vadd.s32 v37, v31;
	v20 =	vsel vm7, $0x1, v4  }
0x183: {  	v61 =	vsel vm12, $0xFFFFFFFF, v4;
	(xrf0) =	vadd.scan.msk.s32 $0xffff, v20;
	[tilespmem:v34+s15+$0x0] =	vst.idx.msk vm9, v22;
	v22 =	vadd.s32 v21, v59  }
0x184: {  	[tilespmem:v57+s15+$0x0] =	vst.idx.msk vm11, v24;
	v24 =	vadd.s32 v61, v22;
	v31, _, _ =	vpop (xrf0);
	(xrf0) =	vadd.scan.msk.s32 $0xffff, v32  }
0x185: {  	v35 =	vld [tilespmem:s22+$0xFFFFFF80];
	v24 =	vadd.s32 v31, v24  }
0x186: {  	v52 =	vld [tilespmem:s22+$0xFFFFFFF0];
	v58 =	vimm.s32 $0x0  }
0x187: {  	v30 =	vadd.s32 v30, v46;
	vm2 =	vmmov vm5;
	v46 =	vld [tilespmem:s22+$0x0];
	v41 =	vadd.s32 v48, v41  }
0x188: {  	v42 =	vadd.s32 v42, v47;
	v29 =	vadd.s32 v29, v37;
	v62 =	vmpcnt.ones.xlane vm12;
	v63 =	vld [tilespmem:s22+$0x50]  }
0x189: {  	[tilespmem:v38+s15+$0x0] =	vst.idx.msk vm14, v27;
	v40 =	vld [tilespmem:s22+$0xFFFFFFD0];
	v43 =	vsel vm2, $0xFFFFFFFF, v58;
	v29 =	vadd.s32 v39, v29;
	v27 =	vsel vm10, $0xFFFFFFFF, v4;
	v58, _, _ =	vpop (xrf0)  }
0x18a: {  	v48 =	vld [tilespmem:s22+$0x60];
	v60 =	vsel vm7, $0xFFFFFFFF, v4;
	v27 =	vadd.s32 v27, v21;
	v22 =	vadd.s32 v22, v62;
	[tilespmem:v24+s15+$0x0] =	vst.idx.msk vm12, v23;
	v23, _, _ =	vpop (xrf0)  }
0x18b: {  	[tilespmem:$0x1FFA0] =	vst v44;
	v31 =	vadd.s32 v60, v22;
	v60 =	vadd.s32 v23, v27  }
0x18c: {  	[tilespmem:$0x1FFB0] =	vst v43;
	v43 =	vld [tilespmem:s22+$0x20];
	v53 =	vmpcnt.ones.xlane vm7;
	vm14 =	vge.f32 v35, v11  }
0x18d: {  	[tilespmem:v41+s15+$0x0] =	vst.idx.msk vm0, v17;
	vm2 =	vge.f32 v46, v11;
	vm11 =	vge.f32 v63, v11;
	v59 =	vimm.s32 $0x0  }
0x18e: {  	v50 =	vld [tilespmem:s22+$0x30];
	[tilespmem:v42+s15+$0x0] =	vst.idx.msk vm1, v25;
	vm5 =	vge.f32 v40, v11;
	v54 =	vmpcnt.ones.xlane vm14;
	v55 =	vsel vm14, $0x1, v4  }
0x18f: {  	v20 =	vld [tilespmem:s22+$0xFFFFFFC0];
	v17 =	vmovc v52;
	v45 =	vsel vm2, $0x1, v4;
	v38 =	vmpcnt.ones.xlane vm2;
	v25 =	vsel vm14, $0xFFFFFFFF, v4;
	[tilespmem:v29+s15+$0x0] =	vst.idx.msk vm4, v19  }
0x190: {  	vm0 =	vge.f32 v17, v11;
	v52 =	vmpcnt.ones.xlane vm5;
	v29 =	vsel vm5, $0x1, v4;
	[tilespmem:v60+s15+$0x0] =	vst.idx.msk vm10, v15;
	v15 =	vld [tilespmem:$0x1FFA0]  }
0x191: {  	v57 =	vld [tilespmem:s22+$0x70];
	[tilespmem:v33+s15+$0x0] =	vst.idx.msk vm3, v18;
	vm15 =	vge.f32 v43, v11;
	v34 =	vadd.s32 v22, v53;
	v42 =	vsel vm0, $0x1, v4  }
0x192: {  	v21 =	vld [tilespmem:s22+$0xFFFFFFE0];
	[tilespmem:v30+s15+$0x0] =	vst.idx.msk vm13, v13;
	v51 =	vmpcnt.ones.xlane vm0;
	v53 =	vsel vm2, $0xFFFFFFFF, v4;
	v13 =	vmovc v43;
	v43 =	vsel vm5, $0xFFFFFFFF, v4  }
0x193: {  	v18 =	vld [tilespmem:s22+$0xFFFFFF90];
	v47 =	vsel vm0, $0xFFFFFFFF, v4;
	v56 =	vsel vm15, $0x1, v4;
	v41 =	vadd.s32 v34, v54;
	(xrf0) =	vadd.scan.msk.s32 $0xffff, v55  }
0x194: {  	v22 =	vld [tilespmem:s22+$0xFFFFFFA0];
	v36 =	vsel vm15, $0xFFFFFFFF, v4;
	v37 =	vmpcnt.ones.xlane vm15;
	vm8 =	vge.f32 v20, v11  }
0x195: {  	v25 =	vadd.s32 v25, v34;
	vm13 =	vmmov vm15;
	vm4 =	vnez.u8 v15;
	v15 =	vld [tilespmem:$0x1FFB0]  }
0x196: {  	v39 =	vmpcnt.ones.xlane vm8;
	v55 =	vsel vm8, $0xFFFFFFFF, v4;
	vm1 =	vge.f32 v57, v11  }
0x197: {  	v31 =	vadd.s32 v58, v31;
	vm6 =	vge.f32 v21, v11;
	v33 =	vsel vm1, $0xFFFFFFFF, v59  }
0x198: {  	vm1 =	vge.f32 v50, v11;
	vm3 =	vge.f32 v18, v11;
	v49 =	vsel vm6, $0xFFFFFFFF, v4  }
0x199: {  	[tilespmem:$0x1FFC0] =	vst v33;
	(xrf0) =	vadd.scan.msk.s32 $0xffff, v56;
	v24 =	vld [tilespmem:s22+$0x10];
	v54 =	vsel vm1, $0xFFFFFFFF, v4;
	v23 =	vsel vm8, $0x1, v4;
	v27, _, _ =	vpop (xrf0)  }
0x19a: {  	vm9 =	vge.f32 v22, v11;
	(xrf0) =	vadd.scan.msk.s32 $0xffff, v23;
	v25 =	vadd.s32 v27, v25;
	v27 =	vld [tilespmem:s22+$0xFFFFFFB0];
	vm10 =	vnez.u8 v15  }
0x19b: {  	v61 =	vsel vm3, $0x1, v4;
	v44 =	vsel vm1, $0x1, v4;
	v62 =	vsel vm3, $0xFFFFFFFF, v4;
	(xrf0) =	vadd.scan.msk.s32 $0xffff, v29  }
0x19c: {  	v56 =	vsel vm6, $0x1, v4;
	v33 =	vadd.s32 v62, v41;
	[tilespmem:v31+s15+$0x0] =	vst.idx.msk vm7, v14;
	vm7 =	vmmov vm11  }
0x19d: {  	v23 =	vmovc v48;
	v29 =	vmpcnt.ones.xlane vm3;
	v48 =	vmpcnt.ones.xlane vm1;
	v32 =	vsel vm7, $0x1, v4  }
0x19e: {  	v19 =	vld [tilespmem:s22+$0x40];
	v14 =	vmovc v57;
	vm11 =	vge.f32 v24, v11;
	vm12 =	vge.f32 v23, v11;
	v60 =	vsel vm9, $0xFFFFFFFF, v4  }
0x19f: {  	v30, _, _ =	vpop (xrf0);
	v58 =	vsel vm11, $0x1, v4;
	[tilespmem:v25+s15+$0x0] =	vst.idx.msk vm14, v35;
	v25 =	vadd.s32 v41, v29;
	vm14 =	vge.f32 v27, v11  }
0x1a0: {  	v15 =	vmov v63;
	v63 =	vmpcnt.ones.xlane vm9;
	[tilespmem:v26+s15+$0x0] =	vst.idx.msk vm10, v16;
	v26, _, _ =	vpop (xrf0);
	(xrf0) =	vadd.scan.msk.s32 $0xffff, v61  }
0x1a1: {  	v35 =	vmpcnt.ones.xlane vm11;
	v34 =	vadd.s32 v60, v25;
	v62 =	vsel vm14, $0x1, v4;
	v57, _, _ =	vpop (xrf0);
	(xrf0) =	vadd.scan.msk.s32 $0xffff, v45  }
0x1a2: {  	v59 =	vsel vm14, $0xFFFFFFFF, v4;
	v61 =	vadd.s32 v25, v63;
	v63 =	vmpcnt.ones.xlane vm14;
	(xrf0) =	vadd.scan.msk.s32 $0xffff, v58  }
0x1a3: {  	[tilespmem:v28+s15+$0x0] =	vst.idx.msk vm4, v12;
	v12 =	vmovc v46;
	v28 =	vsel vm9, $0x1, v4;
	vm4 =	vge.f32 v19, v11;
	(xrf0) =	vadd.scan.msk.s32 $0xffff, v44  }
0x1a4: {  	v46 =	vsel vm11, $0xFFFFFFFF, v4;
	v29 =	vsel vm4, $0xFFFFFFFF, v4;
	v16 =	vmovc v40;
	v40 =	vadd.s32 v61, v63;
	(xrf0) =	vadd.scan.msk.s32 $0xffff, v62  }
0x1a5: {  	v25 =	vmovc v50;
	v50 =	vmpcnt.ones.xlane vm6;
	(xrf0) =	vadd.scan.msk.s32 $0xffff, v28;
	v28 =	vadd.s32 v55, v40;
	v40 =	vadd.s32 v40, v39  }
0x1a6: {  	v58 =	vadd.s32 v59, v61;
	v62 =	vsel vm4, $0x1, v4;
	v39, _, _ =	vpop (xrf0);
	(xrf0) =	vadd.scan.msk.s32 $0xffff, v56;
	v61 =	vadd.s32 v40, v52  }
0x1a7: {  	s21 =	sadd.s32 $0x10, s21;
	v60 =	vadd.s32 v43, v40;
	v40 =	vadd.s32 v26, v28;
	(xrf0) =	vadd.scan.msk.s32 $0xffff, v42;
	v63, _, _ =	vpop (xrf0);
	v28 =	vadd.s32 v61, v50  }
0x1a8: {  	p0 =	slt.u32 s21, $0x7F0;
	v31 =	vmpcnt.ones.xlane vm4;
	v43, _, _ =	vpop (xrf0);
	(xrf0) =	vadd.scan.msk.s32 $0xffff, v62;
	v41 =	vadd.s32 v47, v28;
	v28 =	vadd.s32 v28, v51;
	v62 =	vld [tilespmem:$0x1FFC0]  }
.Ltmp14:
0x1a9: {  	v26 =	vadd.s32 v57, v60;
	v42, _, _ =	vpop (xrf0);
	v60 =	vadd.s32 v53, v28;
	v28 =	vadd.s32 v28, v38;
	(pc) =	sbr.rel @p0 .LBB2_21-.Ltmp14, $4  }
0x1aa: {  	v44 =	vsel vm12, $0x1, v4;
	v59 =	vadd.s32 v49, v61;
	v61, _, _ =	vpop (xrf0);
	v35 =	vadd.s32 v28, v35  }
0x1ab: {  	v45 =	vadd.s32 v46, v28;
	v49, _, _ =	vpop (xrf0);
	v46 =	vadd.s32 v36, v35;
	v35 =	vadd.s32 v35, v37  }
0x1ac: {  	v28 =	vadd.s32 v63, v60;
	v38 =	vadd.s32 v61, v58;
	v63, _, _ =	vpop (xrf0);
	v47 =	vadd.s32 v54, v35  }
0x1ad: {  	s22 =	sadd.s32 $0x100, s22;
	v37 =	vadd.s32 v35, v48;
	vm15 =	vnez.u8 v62;
	v36 =	vadd.s32 v63, v59;
	v48, _, _ =	vpop (xrf0)  }
0x1ae: {  	vm7 =	vmmov vm7  }
0x1af: {  	v35 =	vmpcnt.ones.xlane vm7  }
0x1b0: {  	vm10 =	vmmov vm15;
	v50 =	vadd.s32 v37, v31;
	v31 =	vmpcnt.ones.xlane vm12  }
0x1b1: {  	v51 =	vmpcnt.ones.xlane vm10;
	v35 =	vadd.s32 v50, v35  }
0x1b2: {  	(xrf0) =	vadd.scan.msk.s32 $0xffff, v44;
	v59 =	vsel vm10, $0x1, v4;
	v52 =	vadd.s32 v35, v31  }
0x1b3: {  	(xrf0) =	vadd.scan.msk.s32 $0xffff, v59;
	v31 =	vadd.s32 v52, v51  }
0x1b4: {  	(xrf0) =	vadd.scan.msk.s32 $0xffff, v32;
	v60 =	vxor.u32 $0x80000000, v31  }
0x1b5: {  	(xrf0) =	vmax.scan.msk.u32 $0xffff, v60;
	_ =	sdelay $0x1  }
0x1b6: {  	v61, _, _ =	vpop (xrf0)  }
0x1b7: {  	v62, _, _ =	vpop (xrf0)  }
0x1b8: {  	v63, _, _ =	vpop (xrf0)  }
0x1b9: {  	v53, _, _ =	vpop (xrf0)  }
0x1ba: {  	v54, _, _ =	vpop (xrf0)  }
0x1bb: {  	(v2sf) =	vpush v54, $0xF;
	_ =	sdelay $0x8  }
0x1bc: {  	v34 =	vadd.s32 v49, v34;
	[tilespmem:v40+s15+$0x0] =	vst.idx.msk vm8, v20  }
0x1bd: {  	v43 =	vadd.s32 v43, v45;
	[tilespmem:v38+s15+$0x0] =	vst.idx.msk vm14, v27  }
0x1be: {  	v55 =	vadd.s32 v48, v41;
	[tilespmem:v36+s15+$0x0] =	vst.idx.msk vm6, v21  }
0x1bf: {  	v56 =	vadd.s32 v42, v47;
	v57 =	vsel vm12, $0xFFFFFFFF, v4;
	[tilespmem:v28+s15+$0x0] =	vst.idx.msk vm2, v12  }
0x1c0: {  	v33 =	vadd.s32 v39, v33;
	[tilespmem:v26+s15+$0x0] =	vst.idx.msk vm5, v16;
	v58 =	vadd.s32 v57, v35  }
0x1c1: {  	v29 =	vadd.s32 v29, v37;
	[tilespmem:v34+s15+$0x0] =	vst.idx.msk vm9, v22;
	v21 =	vadd.s32 v62, v58  }
0x1c2: {  	v59 =	vsel vm10, $0xFFFFFFFF, v4;
	[tilespmem:v43+s15+$0x0] =	vst.idx.msk vm11, v24;
	v60 =	vadd.s32 v61, v29;
	s21 =	spop (v2sf)  }
0x1c3: {  	[tilespmem:v55+s15+$0x0] =	vst.idx.msk vm0, v17;
	v29 =	vadd.s32 v30, v46;
	v30 =	vsel vm7, $0xFFFFFFFF, v4;
	v61 =	vadd.s32 v59, v52;
	s21 =	sadd.s32 $0x8000000F, s21  }
0x1c4: {  	[tilespmem:v56+s15+$0x0] =	vst.idx.msk vm1, v25;
	v62 =	vadd.s32 v30, v50;
	v17 =	vadd.s32 v63, v61;
	s22 =	sand.u32 $0xF, s21  }
0x1c5: {  	[tilespmem:v33+s15+$0x0] =	vst.idx.msk vm3, v18;
	v63 =	vadd.s32 v53, v62;
	s31 =	sshra.s32 s21, $0x1F;
	p1 =	slt.s32 s21, $0x1;
	p0 =	sne.s32 s22, $0x0  }
.Ltmp15:
0x1c6: {  	[tilespmem:v21+s15+$0x0] =	vst.idx.msk vm12, v23;
	s22 =	sshrl.u32 s31, $0x1C;
	p0 =	por !p1, !p0;
	(pc) =	sbr.rel .LBB2_23-.Ltmp15, $4  }
0x1c7: {  	[tilespmem:v60+s15+$0x0] =	vst.idx.msk vm4, v19;
	s21 =	sadd.s32 s22, s21;
	s22 =	simm.s32 $0x1;
	p0 =	por !p0, !p0  }
0x1c8: {  	[tilespmem:v29+s15+$0x0] =	vst.idx.msk vm13, v13;
	s21 =	sshra.s32 s21, $0x4;
	s22 =	simm.s32 @!p0 $0x0  }
0x1c9: {  	[tilespmem:v17+s15+$0x0] =	vst.idx.msk vm10, v14;
	s21 =	ssub.s32 s21, s22  }
0x1ca: {  	vm14 =	vmmov vm2;
	vm15 =	vmmov vm5;
	[tilespmem:v63+s15+$0x0] =	vst.idx.msk vm7, v15;
	s22 =	simm.s32 $0x0;
	p0 =	slt.s32 s21, $0x1  }
.LBB2_26:
0x1cb: {  	v15 =	vor.u32 s24, v5  }
0x1cc: {  	v14 =	vmax.f32 v14, $0.0e+00;
	vm0 =	vlt.s32 v15, v31  }
0x1cd: {  	v14 =	vnsel vm0, $0x0, v14  }
0x1ce: {  	v13 =	vadd.f32 v14, v13  }
.LBB2_27:
0x1cf: {  	_ = 	snop  }
0x1d0: {  	v14 =	vperm.xlane v13, v0;
	_ =	sdelay $0x1  }
0x1d1: {  	v13 =	vadd.f32 v14, v13;
	_ =	sdelay $0x1  }
0x1d2: {  	v14 =	vperm.xlane v13, v1;
	_ =	sdelay $0x1  }
0x1d3: {  	v13 =	vadd.f32 v14, v13;
	_ =	sdelay $0x1  }
0x1d4: {  	v14 =	vperm.xlane v13, v2;
	_ =	sdelay $0x1  }
0x1d5: {  	v13 =	vadd.f32 v14, v13  }
0x1d6: {  	s22 =	sadd.s32 $0x1, s22  }
0x1d7: {  	p1 =	sne.s32 s22, $0xE;
	v14 =	vperm.xlane v13, v3  }
.Ltmp16:
0x1d8: {  	_ = 	snop;
	(pc) =	sbr.rel @!p1 .LBB2_28-.Ltmp16, $3  }
0x1d9: {  	v13 =	vadd.f32 v14, v13;
	_ =	sdelay $0x1  }
0x1da: {  	vm0 =	vgt.f32 v13, $1.000000000e+00  }
0x1db: {  	v11 =	vsel vm0, v12, v11;
	v10 =	vsel vm0, v10, v12  }
.LBB2_23:
.Ltmp17:
0x1dc: {  	(pc) =	sbr.rel @p0 .LBB2_27-.Ltmp17, $3  }
0x1dd: {  	_ = 	snop  }
0x1de: {  	v12 =	vadd.f32 v10, v11;
	_ =	sdelay $0x1  }
0x1df: {  	v13 =	vimm.f32 $0.0e+00;
	s24 =	simm.s32 $0x10000;
	v12 =	vmul.f32 $5.000000000e-01, v12  }
0x1e0: {  	v14 =	vld [tilespmem:s24+$0x0];
	p1 =	sne.s32 s21, $0x1  }
.Ltmp18:
0x1e1: {  	_ = 	snop;
	(pc) =	sbr.rel @!p1 .LBB2_26-.Ltmp18, $2  }
0x1e2: {  	_ =	sdelay $0x2  }
0x1e3: {  	s23 =	sadd.s32 $0xFFFFFFFF, s21;
	s25 =	sadd.s32 $0x10, s24;
	s24 =	simm.s32 $0x0;
	v14 =	vsub.f32 v14, v12  }
.LBB2_25:
0x1e4: {  	v15 =	vld [tilespmem:s25+$0x0];
	p1 =	sne.s32 s23, $0x1;
	s23 =	sadd.s32 $0xFFFFFFFF, s23;
	v16 =	vor.u32 s24, v5  }
.Ltmp19:
0x1e5: {  	v14 =	vmax.f32 v14, $0.0e+00;
	vm0 =	vlt.s32 v16, v31;
	(pc) =	sbr.rel @p1 .LBB2_25-.Ltmp19, $3  }
0x1e6: {  	v14 =	vnsel vm0, $0x0, v14  }
0x1e7: {  	v13 =	vadd.f32 v14, v13;
	_ =	sdelay $0x1  }
0x1e8: {  	s25 =	sadd.s32 $0x10, s25;
	s24 =	sadd.s32 $0x10, s24;
	v14 =	vsub.f32 v15, v12  }
.Ltmp20:
0x1e9: {  	_ = 	snop;
	(pc) =	sbr.rel .LBB2_26-.Ltmp20, $1  }
0x1ea: {  	_ =	sdelay $0x3  }
.LBB2_28:
.Ltmp21:
0x1eb: {  	(pc) =	sbr.rel @p0 .LBB2_29-.Ltmp21, $2  }
0x1ec: {  	_ =	sdelay $0x2  }
0x1ed: {  	v12 =	vimm.f32 $0.0e+00  }
0x1ee: {  	s22 =	simm.s32 $0x10000  }
0x1ef: {  	p0 =	sne.s32 s21, $0x1;
	v13 =	vld [tilespmem:s22+$0x0]  }
.Ltmp22:
0x1f0: {  	v10 =	vadd.f32 v10, v11;
	(pc) =	sbr.rel @!p0 .LBB2_32-.Ltmp22, $4  }
0x1f1: {  	_ = 	snop  }
0x1f2: {  	s22 =	simm.s32 $0x0;
	v10 =	vmul.f32 $5.000000000e-01, v10  }
0x1f3: {  	v11 =	vor.u32 s22, v5  }
0x1f4: {  	s21 =	sadd.s32 $0xFFFFFFFF, s21;
	s23 =	simm.s32 $0x10010;
	vm0 =	vlt.s32 v11, v31;
	v11 =	vimm.f32 $0.0e+00;
	vm1 =	vgt.f32 v13, v10  }
.LBB2_31:
0x1f5: {  	v14 =	vld [tilespmem:s23+$0x0];
	p0 =	sne.s32 s21, $0x1;
	s21 =	sadd.s32 $0xFFFFFFFF, s21;
	vm0 =	vmand vm0, vm1  }
.Ltmp23:
0x1f6: {  	v15 =	vsel vm0, $0x3F800000, v6;
	v13 =	vnsel vm0, $0x0, v13;
	(pc) =	sbr.rel @p0 .LBB2_31-.Ltmp23, $4  }
0x1f7: {  	v12 =	vadd.f32 v15, v12;
	v11 =	vadd.f32 v13, v11  }
0x1f8: {  	s22 =	sadd.s32 $0x10, s22  }
0x1f9: {  	v15 =	vor.u32 s22, v5  }
0x1fa: {  	s23 =	sadd.s32 $0x10, s23;
	vm0 =	vlt.s32 v15, v31;
	vm1 =	vgt.f32 v14, v10;
	v13 =	vmov v14  }
.LBB2_32:
.Ltmp24:
0x1fb: {  	(pc) =	sbr.rel .LBB2_33-.Ltmp24, $4  }
0x1fc: {  	_ = 	snop  }
0x1fd: {  	vm0 =	vmand vm0, vm1  }
0x1fe: {  	v10 =	vsel vm0, $0x3F800000, v6;
	v13 =	vnsel vm0, $0x0, v13  }
0x1ff: {  	v12 =	vadd.f32 v10, v12;
	v10 =	vadd.f32 v13, v11  }
.LBB2_29:
0x200: {  	v10 =	vimm.f32 $0.0e+00  }
.LBB2_33:
0x201: {  	_ = 	snop  }
0x202: {  	v11 =	vperm.xlane v12, v9;
	_ =	sdelay $0x1  }
0x203: {  	v11 =	vadd.f32 v11, v12;
	_ =	sdelay $0x1  }
0x204: {  	v12 =	vperm.xlane v11, v8;
	_ =	sdelay $0x1  }
0x205: {  	v11 =	vadd.f32 v12, v11;
	_ =	sdelay $0x1  }
0x206: {  	v12 =	vperm.xlane v11, v7  }
0x207: {  	v13 =	vperm.xlane v10, v9  }
0x208: {  	v11 =	vadd.f32 v12, v11  }
0x209: {  	v10 =	vadd.f32 v13, v10  }
0x20a: {  	v12 =	vperm.xlane v11, v3  }
0x20b: {  	v13 =	vperm.xlane v10, v8  }
0x20c: {  	v11 =	vadd.f32 v12, v11  }
0x20d: {  	v10 =	vadd.f32 v13, v10  }
0x20e: {  	v11 =	vmax.f32 v11, $1.000000000e+00  }
0x20f: {  	v12 =	vperm.xlane v10, v7;
	(erf) = vrcp.f32 v11;
	_ =	sdelay $0x1  }
0x210: {  	v10 =	vadd.f32 v12, v10;
	_ =	sdelay $0x1  }
0x211: {  	v11 =	vperm.xlane v10, v3;
	_ =	sdelay $0x1  }
0x212: {  	s21 =	simm.s32 $0x8080;
	v10 =	vadd.f32 v11, v10  }
0x213: {  	v11 =	vld [tilespmem:s21+$0x70]  }
0x214: {  	v12 =	vld [tilespmem:s21+$0xFFFFFF90];
	v10 =	vadd.f32 $-1.000000000e+00, v10  }
0x215: {  	v14 =	vld [tilespmem:s21+$0xFFFFFFA0];
	v13 =	vpop (erf)  }
0x216: {  	v10 =	vmul.f32 v10, v13;
	v13 =	vld [tilespmem:s21+$0xFFFFFFB0]  }
0x217: {  	v15 =	vld [tilespmem:s21+$0xFFFFFFC0]  }
0x218: {  	v16 =	vld [tilespmem:s21+$0xFFFFFFD0];
	v11 =	vadd.f32 v11, v10  }
0x219: {  	v17 =	vld [tilespmem:s21+$0xFFFFFFE0];
	v12 =	vadd.f32 v12, v10  }
0x21a: {  	v18 =	vld [tilespmem:s21+$0xFFFFFFF0];
	v14 =	vadd.f32 v14, v10;
	v11 =	vmax.f32 v11, $0.0e+00  }
0x21b: {  	v19 =	vld [tilespmem:s21+$0x0];
	v12 =	vmax.f32 v12, $0.0e+00;
	v13 =	vadd.f32 v13, v10;
	[tilespmem:s21+$0x70] =	vst v11  }
0x21c: {  	[tilespmem:s21+$0xFFFFFF90] =	vst v12;
	v11 =	vmax.f32 v14, $0.0e+00;
	v12 =	vadd.f32 v15, v10;
	v15 =	vld [tilespmem:s21+$0x10]  }
0x21d: {  	v20 =	vld [tilespmem:s21+$0x20];
	[tilespmem:s21+$0xFFFFFFA0] =	vst v11;
	v11 =	vmax.f32 v13, $0.0e+00;
	v13 =	vadd.f32 v16, v10  }
0x21e: {  	v14 =	vadd.f32 v17, v10;
	v12 =	vmax.f32 v12, $0.0e+00;
	[tilespmem:s21+$0xFFFFFFB0] =	vst v11;
	v11 =	vld [tilespmem:s21+$0x30]  }
0x21f: {  	v16 =	vadd.f32 v18, v10;
	[tilespmem:s21+$0xFFFFFFC0] =	vst v12;
	v12 =	vld [tilespmem:s21+$0x40];
	v13 =	vmax.f32 v13, $0.0e+00  }
0x220: {  	v17 =	vadd.f32 v19, v10;
	v14 =	vmax.f32 v14, $0.0e+00;
	[tilespmem:s21+$0xFFFFFFD0] =	vst v13;
	v13 =	vld [tilespmem:s21+$0x50]  }
0x221: {  	[tilespmem:s21+$0xFFFFFFE0] =	vst v14;
	v14 =	vld [tilespmem:s21+$0x60];
	v18 =	vmax.f32 v16, $0.0e+00;
	v16 =	vadd.f32 v15, v10  }
0x222: {  	s22 =	simm.s32 $0x0;
	s23 =	simm.s32 $0x8180;
	v15 =	vld [tilespmem:s21+$0xFFFFFF80];
	[tilespmem:s21+$0xFFFFFFF0] =	vst v18;
	v18 =	vmax.f32 v17, $0.0e+00;
	v17 =	vadd.f32 v20, v10  }
.LBB2_34:
0x223: {  	v19 =	vld [tilespmem:s23+$0x70];
	s22 =	sadd.s32 $0x10, s22;
	[tilespmem:s21+$0x0] =	vst v18;
	v16 =	vmax.f32 v16, $0.0e+00;
	v11 =	vadd.f32 v11, v10  }
0x224: {  	v18 =	vld [tilespmem:s23+$0xFFFFFF90];
	p0 =	slt.u32 s22, $0x7F0;
	[tilespmem:s21+$0x10] =	vst v16;
	v16 =	vmax.f32 v17, $0.0e+00;
	v12 =	vadd.f32 v12, v10  }
0x225: {  	v17 =	vld [tilespmem:s23+$0xFFFFFFA0];
	[tilespmem:s21+$0x20] =	vst v16;
	v11 =	vmax.f32 v11, $0.0e+00;
	v13 =	vadd.f32 v13, v10  }
0x226: {  	v16 =	vld [tilespmem:s23+$0xFFFFFFB0];
	[tilespmem:s21+$0x30] =	vst v11;
	v11 =	vmax.f32 v12, $0.0e+00;
	v12 =	vadd.f32 v14, v10  }
0x227: {  	v14 =	vld [tilespmem:s23+$0xFFFFFFC0];
	v15 =	vadd.f32 v15, v10;
	[tilespmem:s21+$0x40] =	vst v11;
	v11 =	vmax.f32 v13, $0.0e+00  }
0x228: {  	v13 =	vld [tilespmem:s23+$0xFFFFFFD0];
	v19 =	vadd.f32 v19, v10;
	[tilespmem:s21+$0x50] =	vst v11;
	v11 =	vmax.f32 v12, $0.0e+00  }
0x229: {  	v12 =	vadd.f32 v18, v10;
	v18 =	vld [tilespmem:s23+$0xFFFFFFE0];
	v15 =	vmax.f32 v15, $0.0e+00;
	[tilespmem:s21+$0x60] =	vst v11  }
0x22a: {  	v11 =	vadd.f32 v17, v10;
	v17 =	vld [tilespmem:s23+$0xFFFFFFF0];
	v19 =	vmax.f32 v19, $0.0e+00;
	[tilespmem:s21+$0xFFFFFF80] =	vst v15;
	s21 =	smov.u32 s23  }
0x22b: {  	v12 =	vmax.f32 v12, $0.0e+00;
	v15 =	vadd.f32 v16, v10;
	v16 =	vld [tilespmem:s23+$0x0];
	[tilespmem:s23+$0x70] =	vst v19  }
0x22c: {  	[tilespmem:s23+$0xFFFFFF90] =	vst v12;
	v11 =	vmax.f32 v11, $0.0e+00;
	v12 =	vadd.f32 v14, v10;
	v14 =	vld [tilespmem:s23+$0x10]  }
0x22d: {  	[tilespmem:s23+$0xFFFFFFA0] =	vst v11;
	v11 =	vmax.f32 v15, $0.0e+00;
	v13 =	vadd.f32 v13, v10;
	v19 =	vld [tilespmem:s23+$0x20]  }
.Ltmp25:
0x22e: {  	[tilespmem:s23+$0xFFFFFFB0] =	vst v11;
	v12 =	vmax.f32 v12, $0.0e+00;
	v15 =	vadd.f32 v18, v10;
	v11 =	vld [tilespmem:s23+$0x30];
	(pc) =	sbr.rel @p0 .LBB2_34-.Ltmp25, $4  }
0x22f: {  	[tilespmem:s23+$0xFFFFFFC0] =	vst v12;
	v13 =	vmax.f32 v13, $0.0e+00;
	v17 =	vadd.f32 v17, v10;
	v12 =	vld [tilespmem:s23+$0x40]  }
0x230: {  	[tilespmem:s23+$0xFFFFFFD0] =	vst v13;
	v15 =	vmax.f32 v15, $0.0e+00;
	v18 =	vadd.f32 v16, v10;
	v13 =	vld [tilespmem:s23+$0x50]  }
0x231: {  	[tilespmem:s23+$0xFFFFFFE0] =	vst v15;
	v17 =	vmax.f32 v17, $0.0e+00;
	v16 =	vadd.f32 v14, v10;
	v14 =	vld [tilespmem:s23+$0x60]  }
0x232: {  	s23 =	sadd.s32 $0x100, s23;
	v15 =	vld [tilespmem:s21+$0xFFFFFF80];
	[tilespmem:s21+$0xFFFFFFF0] =	vst v17;
	v18 =	vmax.f32 v18, $0.0e+00;
	v17 =	vadd.f32 v19, v10  }
0x233: {  	[tilespmem:s21+$0x0] =	vst v18;
	v16 =	vmax.f32 v16, $0.0e+00;
	v11 =	vadd.f32 v11, v10  }
0x234: {  	[tilespmem:s21+$0x10] =	vst v16;
	v16 =	vmax.f32 v17, $0.0e+00;
	v12 =	vadd.f32 v12, v10  }
0x235: {  	[tilespmem:s21+$0x20] =	vst v16;
	v11 =	vmax.f32 v11, $0.0e+00;
	v13 =	vadd.f32 v13, v10  }
0x236: {  	[tilespmem:s21+$0x30] =	vst v11;
	v11 =	vmax.f32 v12, $0.0e+00;
	v12 =	vadd.f32 v14, v10  }
0x237: {  	v10 =	vadd.f32 v15, v10;
	[tilespmem:s21+$0x40] =	vst v11;
	v11 =	vmax.f32 v13, $0.0e+00  }
0x238: {  	[tilespmem:s21+$0x50] =	vst v11;
	v11 =	vmax.f32 v12, $0.0e+00  }
0x239: {  	v10 =	vmax.f32 v10, $0.0e+00;
	[tilespmem:s21+$0x60] =	vst v11  }
0x23a: {  	s22 =	simm.s32 $0x80;
	[tilespmem:s21+$0xFFFFFF80] =	vst v10  }
0x23b: {  	[hbm4b:s7+s22] =	stream.strided.scatter [tilespmem:s13], [sflag:$0x4], $0x8000, s12, s22, $0x38;
	[tilespmem:$0x18000] =	vst v63  }
0x23c: {  	_ =	swait.ge [sflag:s19], $0x8000  }
0x23d: {  	[sflag:s19] =	ssyncset.done $0x0  }
0x23e: {  	[sflag:s19] =	ssyncadd.s32 $0xFFFF8000  }
0x23f: {  	[tilespmem:s13], [sflag:$0x2] =	stream.strided.gather [hbm4b:s8+s22], $0x8000, s12, s22, $0x38;
	[tilespmem:$0x18000] =	vst v63  }
0x240: {  	_ =	swait.ge [sflag:s14], $0x8000  }
0x241: {  	[sflag:s14] =	ssyncset.done $0x0  }
0x242: {  	[sflag:s14] =	ssyncadd.s32 $0xFFFF8000  }
0x243: {  	v10 =	vld [tilespmem:s22+$0xFFFFFF80]  }
0x244: {  	v11 =	vld [tilespmem:s22+$0xFFFFFF90]  }
0x245: {  	v12 =	vld [tilespmem:s22+$0xFFFFFFA0]  }
0x246: {  	v13 =	vld [tilespmem:s22+$0xFFFFFFB0]  }
0x247: {  	v14 =	vimm.f32 $-Inf;
	v15 =	vld [tilespmem:s22+$0xFFFFFFC0]  }
0x248: {  	v10 =	vmax.f32 v14, v10;
	v14 =	vld [tilespmem:s22+$0xFFFFFFD0]  }
0x249: {  	v10 =	vmax.f32 v10, v11;
	v11 =	vld [tilespmem:s22+$0xFFFFFFE0]  }
0x24a: {  	v10 =	vmax.f32 v10, v12;
	v12 =	vld [tilespmem:s22+$0xFFFFFFF0]  }
0x24b: {  	v10 =	vmax.f32 v10, v13;
	v13 =	vld [tilespmem:s22+$0x0]  }
0x24c: {  	v10 =	vmax.f32 v10, v15;
	v15 =	vld [tilespmem:s22+$0x10]  }
0x24d: {  	v10 =	vmax.f32 v10, v14;
	v14 =	vld [tilespmem:s22+$0x20]  }
0x24e: {  	v11 =	vmax.f32 v10, v11;
	v10 =	vld [tilespmem:s22+$0x30]  }
0x24f: {  	v12 =	vmax.f32 v11, v12;
	v11 =	vld [tilespmem:s22+$0x40]  }
0x250: {  	v13 =	vmax.f32 v12, v13;
	v12 =	vld [tilespmem:s22+$0x50]  }
0x251: {  	v15 =	vmax.f32 v13, v15;
	v13 =	vld [tilespmem:s22+$0x60]  }
0x252: {  	s21 =	simm.s32 $0x0;
	v15 =	vmax.f32 v15, v14;
	v14 =	vld [tilespmem:s22+$0x70];
	s22 =	simm.s32 $0x180  }
.LBB2_36:
0x253: {  	v16 =	vld [tilespmem:s22+$0xFFFFFF80];
	s21 =	sadd.s32 $0x10, s21;
	v10 =	vmax.f32 v15, v10  }
0x254: {  	v15 =	vld [tilespmem:s22+$0xFFFFFF90];
	p0 =	slt.u32 s21, $0x7F0;
	v10 =	vmax.f32 v10, v11  }
0x255: {  	v11 =	vld [tilespmem:s22+$0xFFFFFFA0];
	v10 =	vmax.f32 v10, v12  }
0x256: {  	v12 =	vld [tilespmem:s22+$0xFFFFFFB0];
	v10 =	vmax.f32 v10, v13  }
0x257: {  	v13 =	vld [tilespmem:s22+$0xFFFFFFC0];
	v10 =	vmax.f32 v10, v14  }
0x258: {  	v10 =	vmax.f32 v10, v16;
	v14 =	vld [tilespmem:s22+$0xFFFFFFD0]  }
0x259: {  	v10 =	vmax.f32 v10, v15;
	v15 =	vld [tilespmem:s22+$0xFFFFFFE0]  }
0x25a: {  	v10 =	vmax.f32 v10, v11;
	v11 =	vld [tilespmem:s22+$0xFFFFFFF0]  }
0x25b: {  	v10 =	vmax.f32 v10, v12;
	v12 =	vld [tilespmem:s22+$0x0]  }
0x25c: {  	v10 =	vmax.f32 v10, v13;
	v13 =	vld [tilespmem:s22+$0x10]  }
0x25d: {  	v10 =	vmax.f32 v10, v14;
	v14 =	vld [tilespmem:s22+$0x20]  }
.Ltmp26:
0x25e: {  	v15 =	vmax.f32 v10, v15;
	v10 =	vld [tilespmem:s22+$0x30];
	(pc) =	sbr.rel @p0 .LBB2_36-.Ltmp26, $4  }
0x25f: {  	v15 =	vmax.f32 v15, v11;
	v11 =	vld [tilespmem:s22+$0x40]  }
0x260: {  	v15 =	vmax.f32 v15, v12;
	v12 =	vld [tilespmem:s22+$0x50]  }
0x261: {  	v15 =	vmax.f32 v15, v13;
	v13 =	vld [tilespmem:s22+$0x60]  }
0x262: {  	v15 =	vmax.f32 v15, v14;
	v14 =	vld [tilespmem:s22+$0x70];
	s22 =	sadd.s32 $0x100, s22  }
0x263: {  	v10 =	vmax.f32 v15, v10  }
0x264: {  	v10 =	vmax.f32 v10, v11  }
0x265: {  	v10 =	vmax.f32 v10, v12  }
0x266: {  	v10 =	vmax.f32 v10, v13  }
0x267: {  	v10 =	vmax.f32 v10, v14  }
0x268: {  	v11 =	vperm.xlane v10, v0  }
0x269: {  	s21 =	simm.s32 $0x80  }
0x26a: {  	v28 =	vld [tilespmem:s21+$0xFFFFFF80];
	v10 =	vmax.f32 v10, v11  }
0x26b: {  	v17 =	vld [tilespmem:s21+$0xFFFFFFF0];
	v11 =	vperm.xlane v10, v1  }
0x26c: {  	v15 =	vld [tilespmem:s21+$0x50]  }
0x26d: {  	v20 =	vld [tilespmem:s21+$0xFFFFFFC0];
	v10 =	vmax.f32 v10, v11  }
0x26e: {  	v16 =	vld [tilespmem:s21+$0xFFFFFFD0];
	v11 =	vperm.xlane v10, v2  }
0x26f: {  	v21 =	vld [tilespmem:s21+$0xFFFFFFE0]  }
0x270: {  	v12 =	vld [tilespmem:s21+$0x0];
	v10 =	vmax.f32 v10, v11  }
0x271: {  	v13 =	vld [tilespmem:s21+$0x20];
	v11 =	vperm.xlane v10, v3  }
0x272: {  	v14 =	vld [tilespmem:s21+$0x70]  }
0x273: {  	v25 =	vld [tilespmem:s21+$0x30];
	v10 =	vmax.f32 v10, v11  }
0x274: {  	v24 =	vld [tilespmem:s21+$0x10];
	v11 =	vadd.f32 $-1.000000000e+00, v10  }
0x275: {  	v19 =	vimm.s32 $0x0  }
0x276: {  	vm7 =	vge.f32 v28, v11;
	vm10 =	vge.f32 v13, v11;
	vm2 =	vge.f32 v12, v11  }
0x277: {  	vm13 =	vge.f32 v15, v11;
	vm0 =	vge.f32 v17, v11;
	vm15 =	vge.f32 v14, v11  }
0x278: {  	vm5 =	vge.f32 v16, v11;
	vm6 =	vge.f32 v21, v11;
	vm8 =	vge.f32 v20, v11  }
0x279: {  	vm1 =	vge.f32 v25, v11;
	vm11 =	vge.f32 v24, v11;
	v18 =	vmpcnt.ones.xlane vm7  }
0x27a: {  	v22 =	vsel vm7, $0x1, v4;
	v23 =	vsel vm10, $0x1, v4;
	v30 =	vsel vm2, $0x1, v4  }
0x27b: {  	v35 =	vmpcnt.ones.xlane vm2;
	v36 =	vsel vm10, $0xFFFFFFFF, v4;
	v37 =	vmpcnt.ones.xlane vm10;
	(xrf0) =	vadd.scan.msk.s32 $0xffff, v22  }
0x27c: {  	v27 =	vsel vm7, $0xFFFFFFFF, v4;
	v38 =	vsel vm0, $0x1, v4;
	v42 =	vmpcnt.ones.xlane vm0  }
0x27d: {  	v40 =	vmpcnt.ones.xlane vm5;
	v29 =	vsel vm8, $0x1, v4;
	v39 =	vmpcnt.ones.xlane vm8;
	v22 =	vld [tilespmem:s21+$0xFFFFFFA0]  }
0x27e: {  	v45 =	vsel vm2, $0xFFFFFFFF, v4;
	v32 =	vsel vm5, $0x1, v4;
	v26 =	vadd.s32 v19, v18;
	v18 =	vld [tilespmem:s21+$0xFFFFFF90]  }
0x27f: {  	v47 =	vsel vm1, $0xFFFFFFFF, v4;
	v41 =	vsel vm5, $0xFFFFFFFF, v4;
	v27 =	vadd.s32 v27, v19;
	v19 =	vld [tilespmem:s21+$0x40]  }
0x280: {  	v43 =	vsel vm1, $0x1, v4;
	v48 =	vsel vm0, $0xFFFFFFFF, v4;
	v50 =	vmpcnt.ones.xlane vm1  }
0x281: {  	v44 =	vsel vm8, $0xFFFFFFFF, v4;
	v49 =	vsel vm6, $0x1, v4;
	v52 =	vsel vm11, $0xFFFFFFFF, v4;
	(xrf0) =	vadd.scan.msk.s32 $0xffff, v23;
	v23 =	vld [tilespmem:s21+$0x60];
	v31, _, _ =	vpop (xrf0)  }
0x282: {  	v53 =	vmpcnt.ones.xlane vm11;
	vm9 =	vge.f32 v22, v11;
	v46 =	vadd.s32 v31, v27;
	v27 =	vld [tilespmem:s21+$0xFFFFFFB0]  }
0x283: {  	v56 =	vsel vm11, $0x1, v4;
	(xrf0) =	vadd.scan.msk.s32 $0xffff, v29;
	vm3 =	vge.f32 v18, v11;
	v51 =	vsel vm9, $0x1, v4  }
0x284: {  	(xrf0) =	vadd.scan.msk.s32 $0xffff, v32;
	vm4 =	vge.f32 v19, v11;
	v54 =	vmpcnt.ones.xlane vm9;
	v33 =	vsel vm3, $0x1, v4  }
0x285: {  	v55 =	vsel vm9, $0xFFFFFFFF, v4;
	v31 =	vmpcnt.ones.xlane vm3;
	v34 =	vsel vm3, $0xFFFFFFFF, v4;
	(xrf0) =	vadd.scan.msk.s32 $0xffff, v33  }
0x286: {  	vm12 =	vge.f32 v23, v11;
	v29 =	vsel vm4, $0xFFFFFFFF, v4;
	v33 =	vadd.s32 v34, v26;
	(xrf0) =	vadd.scan.msk.s32 $0xffff, v30  }
0x287: {  	v61 =	vadd.s32 v26, v31;
	v31 =	vmpcnt.ones.xlane vm4;
	(xrf0) =	vadd.scan.msk.s32 $0xffff, v56;
	vm14 =	vge.f32 v27, v11  }
0x288: {  	v30, _, _ =	vpop (xrf0);
	v34 =	vadd.s32 v55, v61;
	v32 =	vadd.s32 v61, v54;
	(xrf0) =	vadd.scan.msk.s32 $0xffff, v43;
	v26 =	vmpcnt.ones.xlane vm14  }
0x289: {  	v60, _, _ =	vpop (xrf0);
	v43 =	vmpcnt.ones.xlane vm6;
	v62 =	vsel vm14, $0x1, v4;
	v63 =	vsel vm14, $0xFFFFFFFF, v4  }
0x28a: {  	v56 =	vsel vm6, $0xFFFFFFFF, v4;
	v57, _, _ =	vpop (xrf0);
	[tilespmem:v46+s15+$0x0] =	vst.idx.msk vm7, v28;
	(xrf0) =	vadd.scan.msk.s32 $0xffff, v62;
	v26 =	vadd.s32 v32, v26  }
0x28b: {  	vm7 =	vmmov vm13;
	v54 =	vadd.s32 v63, v32;
	(xrf0) =	vadd.scan.msk.s32 $0xffff, v51;
	v61 =	vadd.s32 v26, v39;
	v39, _, _ =	vpop (xrf0)  }
0x28c: {  	v26 =	vadd.s32 v44, v26;
	(xrf0) =	vadd.scan.msk.s32 $0xffff, v49;
	v41 =	vadd.s32 v41, v61;
	v62 =	vadd.s32 v61, v40;
	v63, _, _ =	vpop (xrf0)  }
0x28d: {  	(xrf0) =	vadd.scan.msk.s32 $0xffff, v38;
	v40 =	vadd.s32 v60, v26;
	v60 =	vsel vm4, $0x1, v4;
	v61 =	vadd.s32 v62, v43;
	v43, _, _ =	vpop (xrf0)  }
0x28e: {  	v32 =	vsel vm13, $0x1, v4;
	vm13 =	vmmov vm10;
	v38 =	vadd.s32 v61, v42;
	v42, _, _ =	vpop (xrf0);
	(xrf0) =	vadd.scan.msk.s32 $0xffff, v60  }
0x28f: {  	v44 =	vsel vm12, $0x1, v4;
	v56 =	vadd.s32 v56, v62;
	v26 =	vadd.s32 v57, v41  }
0x290: {  	v41 =	vadd.s32 v48, v61;
	v28 =	vadd.s32 v45, v38;
	v35 =	vadd.s32 v38, v35;
	v62, _, _ =	vpop (xrf0)  }
0x291: {  	v38 =	vadd.s32 v62, v54;
	v45 =	vadd.s32 v52, v35;
	v35 =	vadd.s32 v35, v53;
	v49, _, _ =	vpop (xrf0)  }
0x292: {  	v28 =	vadd.s32 v63, v28;
	v46 =	vadd.s32 v36, v35;
	v35 =	vadd.s32 v35, v37;
	v63, _, _ =	vpop (xrf0)  }
0x293: {  	s22 =	simm.s32 $0x180;
	s21 =	simm.s32 $0x0;
	v36 =	vadd.s32 v63, v56;
	v47 =	vadd.s32 v47, v35;
	v37 =	vadd.s32 v35, v50;
	v48, _, _ =	vpop (xrf0)  }
.LBB2_38:
0x294: {  	v33 =	vadd.s32 v39, v33;
	v34 =	vadd.s32 v49, v34;
	v39, _, _ =	vpop (xrf0);
	(xrf0) =	vadd.scan.msk.s32 $0xffff, v44  }
0x295: {  	vm10 =	vmmov vm2;
	v51 =	vimm.s32 $0x0;
	v57 =	vadd.s32 v43, v45  }
0x296: {  	v44 =	vsel vm10, $0xFFFFFFFF, v51;
	vm10 =	vmmov vm7  }
0x297: {  	[tilespmem:v40+s15+$0x0] =	vst.idx.msk vm8, v20;
	vm7 =	vmmov vm15;
	v59 =	vmpcnt.ones.xlane vm10  }
0x298: {  	[tilespmem:v36+s15+$0x0] =	vst.idx.msk vm6, v21;
	v21 =	vadd.s32 v37, v31;
	v20 =	vsel vm7, $0x1, v4  }
0x299: {  	v61 =	vsel vm12, $0xFFFFFFFF, v4;
	(xrf0) =	vadd.scan.msk.s32 $0xffff, v20;
	[tilespmem:v34+s15+$0x0] =	vst.idx.msk vm9, v22;
	v22 =	vadd.s32 v21, v59  }
0x29a: {  	[tilespmem:v57+s15+$0x0] =	vst.idx.msk vm11, v24;
	v24 =	vadd.s32 v61, v22;
	v31, _, _ =	vpop (xrf0);
	(xrf0) =	vadd.scan.msk.s32 $0xffff, v32  }
0x29b: {  	v35 =	vld [tilespmem:s22+$0xFFFFFF80];
	v24 =	vadd.s32 v31, v24  }
0x29c: {  	v52 =	vld [tilespmem:s22+$0xFFFFFFF0];
	v58 =	vimm.s32 $0x0  }
0x29d: {  	v30 =	vadd.s32 v30, v46;
	vm2 =	vmmov vm5;
	v46 =	vld [tilespmem:s22+$0x0];
	v41 =	vadd.s32 v48, v41  }
0x29e: {  	v42 =	vadd.s32 v42, v47;
	v29 =	vadd.s32 v29, v37;
	v62 =	vmpcnt.ones.xlane vm12;
	v63 =	vld [tilespmem:s22+$0x50]  }
0x29f: {  	[tilespmem:v38+s15+$0x0] =	vst.idx.msk vm14, v27;
	v40 =	vld [tilespmem:s22+$0xFFFFFFD0];
	v43 =	vsel vm2, $0xFFFFFFFF, v58;
	v29 =	vadd.s32 v39, v29;
	v27 =	vsel vm10, $0xFFFFFFFF, v4;
	v58, _, _ =	vpop (xrf0)  }
0x2a0: {  	v48 =	vld [tilespmem:s22+$0x60];
	v60 =	vsel vm7, $0xFFFFFFFF, v4;
	v27 =	vadd.s32 v27, v21;
	v22 =	vadd.s32 v22, v62;
	[tilespmem:v24+s15+$0x0] =	vst.idx.msk vm12, v23;
	v23, _, _ =	vpop (xrf0)  }
0x2a1: {  	[tilespmem:$0x1FF70] =	vst v44;
	v31 =	vadd.s32 v60, v22;
	v60 =	vadd.s32 v23, v27  }
0x2a2: {  	[tilespmem:$0x1FF80] =	vst v43;
	v43 =	vld [tilespmem:s22+$0x20];
	v53 =	vmpcnt.ones.xlane vm7;
	vm14 =	vge.f32 v35, v11  }
0x2a3: {  	[tilespmem:v41+s15+$0x0] =	vst.idx.msk vm0, v17;
	vm2 =	vge.f32 v46, v11;
	vm11 =	vge.f32 v63, v11;
	v59 =	vimm.s32 $0x0  }
0x2a4: {  	v50 =	vld [tilespmem:s22+$0x30];
	[tilespmem:v42+s15+$0x0] =	vst.idx.msk vm1, v25;
	vm5 =	vge.f32 v40, v11;
	v54 =	vmpcnt.ones.xlane vm14;
	v55 =	vsel vm14, $0x1, v4  }
0x2a5: {  	v20 =	vld [tilespmem:s22+$0xFFFFFFC0];
	v17 =	vmovc v52;
	v45 =	vsel vm2, $0x1, v4;
	v38 =	vmpcnt.ones.xlane vm2;
	v25 =	vsel vm14, $0xFFFFFFFF, v4;
	[tilespmem:v29+s15+$0x0] =	vst.idx.msk vm4, v19  }
0x2a6: {  	vm0 =	vge.f32 v17, v11;
	v52 =	vmpcnt.ones.xlane vm5;
	v29 =	vsel vm5, $0x1, v4;
	[tilespmem:v60+s15+$0x0] =	vst.idx.msk vm10, v15;
	v15 =	vld [tilespmem:$0x1FF70]  }
0x2a7: {  	v57 =	vld [tilespmem:s22+$0x70];
	[tilespmem:v33+s15+$0x0] =	vst.idx.msk vm3, v18;
	vm15 =	vge.f32 v43, v11;
	v34 =	vadd.s32 v22, v53;
	v42 =	vsel vm0, $0x1, v4  }
0x2a8: {  	v21 =	vld [tilespmem:s22+$0xFFFFFFE0];
	[tilespmem:v30+s15+$0x0] =	vst.idx.msk vm13, v13;
	v51 =	vmpcnt.ones.xlane vm0;
	v53 =	vsel vm2, $0xFFFFFFFF, v4;
	v13 =	vmovc v43;
	v43 =	vsel vm5, $0xFFFFFFFF, v4  }
0x2a9: {  	v18 =	vld [tilespmem:s22+$0xFFFFFF90];
	v47 =	vsel vm0, $0xFFFFFFFF, v4;
	v56 =	vsel vm15, $0x1, v4;
	v41 =	vadd.s32 v34, v54;
	(xrf0) =	vadd.scan.msk.s32 $0xffff, v55  }
0x2aa: {  	v22 =	vld [tilespmem:s22+$0xFFFFFFA0];
	v36 =	vsel vm15, $0xFFFFFFFF, v4;
	v37 =	vmpcnt.ones.xlane vm15;
	vm8 =	vge.f32 v20, v11  }
0x2ab: {  	v25 =	vadd.s32 v25, v34;
	vm13 =	vmmov vm15;
	vm4 =	vnez.u8 v15;
	v15 =	vld [tilespmem:$0x1FF80]  }
0x2ac: {  	v39 =	vmpcnt.ones.xlane vm8;
	v55 =	vsel vm8, $0xFFFFFFFF, v4;
	vm1 =	vge.f32 v57, v11  }
0x2ad: {  	v31 =	vadd.s32 v58, v31;
	vm6 =	vge.f32 v21, v11;
	v33 =	vsel vm1, $0xFFFFFFFF, v59  }
0x2ae: {  	vm1 =	vge.f32 v50, v11;
	vm3 =	vge.f32 v18, v11;
	v49 =	vsel vm6, $0xFFFFFFFF, v4  }
0x2af: {  	[tilespmem:$0x1FF90] =	vst v33;
	(xrf0) =	vadd.scan.msk.s32 $0xffff, v56;
	v24 =	vld [tilespmem:s22+$0x10];
	v54 =	vsel vm1, $0xFFFFFFFF, v4;
	v23 =	vsel vm8, $0x1, v4;
	v27, _, _ =	vpop (xrf0)  }
0x2b0: {  	vm9 =	vge.f32 v22, v11;
	(xrf0) =	vadd.scan.msk.s32 $0xffff, v23;
	v25 =	vadd.s32 v27, v25;
	v27 =	vld [tilespmem:s22+$0xFFFFFFB0];
	vm10 =	vnez.u8 v15  }
0x2b1: {  	v61 =	vsel vm3, $0x1, v4;
	v44 =	vsel vm1, $0x1, v4;
	v62 =	vsel vm3, $0xFFFFFFFF, v4;
	(xrf0) =	vadd.scan.msk.s32 $0xffff, v29  }
0x2b2: {  	v56 =	vsel vm6, $0x1, v4;
	v33 =	vadd.s32 v62, v41;
	[tilespmem:v31+s15+$0x0] =	vst.idx.msk vm7, v14;
	vm7 =	vmmov vm11  }
0x2b3: {  	v23 =	vmovc v48;
	v29 =	vmpcnt.ones.xlane vm3;
	v48 =	vmpcnt.ones.xlane vm1;
	v32 =	vsel vm7, $0x1, v4  }
0x2b4: {  	v19 =	vld [tilespmem:s22+$0x40];
	v14 =	vmovc v57;
	vm11 =	vge.f32 v24, v11;
	vm12 =	vge.f32 v23, v11;
	v60 =	vsel vm9, $0xFFFFFFFF, v4  }
0x2b5: {  	v30, _, _ =	vpop (xrf0);
	v58 =	vsel vm11, $0x1, v4;
	[tilespmem:v25+s15+$0x0] =	vst.idx.msk vm14, v35;
	v25 =	vadd.s32 v41, v29;
	vm14 =	vge.f32 v27, v11  }
0x2b6: {  	v15 =	vmov v63;
	v63 =	vmpcnt.ones.xlane vm9;
	[tilespmem:v26+s15+$0x0] =	vst.idx.msk vm10, v16;
	v26, _, _ =	vpop (xrf0);
	(xrf0) =	vadd.scan.msk.s32 $0xffff, v61  }
0x2b7: {  	v35 =	vmpcnt.ones.xlane vm11;
	v34 =	vadd.s32 v60, v25;
	v62 =	vsel vm14, $0x1, v4;
	v57, _, _ =	vpop (xrf0);
	(xrf0) =	vadd.scan.msk.s32 $0xffff, v45  }
0x2b8: {  	v59 =	vsel vm14, $0xFFFFFFFF, v4;
	v61 =	vadd.s32 v25, v63;
	v63 =	vmpcnt.ones.xlane vm14;
	(xrf0) =	vadd.scan.msk.s32 $0xffff, v58  }
0x2b9: {  	[tilespmem:v28+s15+$0x0] =	vst.idx.msk vm4, v12;
	v12 =	vmovc v46;
	v28 =	vsel vm9, $0x1, v4;
	vm4 =	vge.f32 v19, v11;
	(xrf0) =	vadd.scan.msk.s32 $0xffff, v44  }
0x2ba: {  	v46 =	vsel vm11, $0xFFFFFFFF, v4;
	v29 =	vsel vm4, $0xFFFFFFFF, v4;
	v16 =	vmovc v40;
	v40 =	vadd.s32 v61, v63;
	(xrf0) =	vadd.scan.msk.s32 $0xffff, v62  }
0x2bb: {  	v25 =	vmovc v50;
	v50 =	vmpcnt.ones.xlane vm6;
	(xrf0) =	vadd.scan.msk.s32 $0xffff, v28;
	v28 =	vadd.s32 v55, v40;
	v40 =	vadd.s32 v40, v39  }
0x2bc: {  	v58 =	vadd.s32 v59, v61;
	v62 =	vsel vm4, $0x1, v4;
	v39, _, _ =	vpop (xrf0);
	(xrf0) =	vadd.scan.msk.s32 $0xffff, v56;
	v61 =	vadd.s32 v40, v52  }
0x2bd: {  	s21 =	sadd.s32 $0x10, s21;
	v60 =	vadd.s32 v43, v40;
	v40 =	vadd.s32 v26, v28;
	(xrf0) =	vadd.scan.msk.s32 $0xffff, v42;
	v63, _, _ =	vpop (xrf0);
	v28 =	vadd.s32 v61, v50  }
0x2be: {  	p0 =	slt.u32 s21, $0x7F0;
	v31 =	vmpcnt.ones.xlane vm4;
	v43, _, _ =	vpop (xrf0);
	(xrf0) =	vadd.scan.msk.s32 $0xffff, v62;
	v41 =	vadd.s32 v47, v28;
	v28 =	vadd.s32 v28, v51;
	v62 =	vld [tilespmem:$0x1FF90]  }
.Ltmp27:
0x2bf: {  	v26 =	vadd.s32 v57, v60;
	v42, _, _ =	vpop (xrf0);
	v60 =	vadd.s32 v53, v28;
	v28 =	vadd.s32 v28, v38;
	(pc) =	sbr.rel @p0 .LBB2_38-.Ltmp27, $4  }
0x2c0: {  	v44 =	vsel vm12, $0x1, v4;
	v59 =	vadd.s32 v49, v61;
	v61, _, _ =	vpop (xrf0);
	v35 =	vadd.s32 v28, v35  }
0x2c1: {  	v45 =	vadd.s32 v46, v28;
	v49, _, _ =	vpop (xrf0);
	v46 =	vadd.s32 v36, v35;
	v35 =	vadd.s32 v35, v37  }
0x2c2: {  	v28 =	vadd.s32 v63, v60;
	v38 =	vadd.s32 v61, v58;
	v63, _, _ =	vpop (xrf0);
	v47 =	vadd.s32 v54, v35  }
0x2c3: {  	s22 =	sadd.s32 $0x100, s22;
	v37 =	vadd.s32 v35, v48;
	vm15 =	vnez.u8 v62;
	v36 =	vadd.s32 v63, v59;
	v48, _, _ =	vpop (xrf0)  }
0x2c4: {  	vm7 =	vmmov vm7  }
0x2c5: {  	v35 =	vmpcnt.ones.xlane vm7  }
0x2c6: {  	vm10 =	vmmov vm15;
	v50 =	vadd.s32 v37, v31;
	v31 =	vmpcnt.ones.xlane vm12  }
0x2c7: {  	v51 =	vmpcnt.ones.xlane vm10;
	v35 =	vadd.s32 v50, v35  }
0x2c8: {  	(xrf0) =	vadd.scan.msk.s32 $0xffff, v44;
	v59 =	vsel vm10, $0x1, v4;
	v52 =	vadd.s32 v35, v31  }
0x2c9: {  	(xrf0) =	vadd.scan.msk.s32 $0xffff, v59;
	v31 =	vadd.s32 v52, v51  }
0x2ca: {  	(xrf0) =	vadd.scan.msk.s32 $0xffff, v32;
	v60 =	vxor.u32 $0x80000000, v31  }
0x2cb: {  	(xrf0) =	vmax.scan.msk.u32 $0xffff, v60;
	_ =	sdelay $0x1  }
0x2cc: {  	v61, _, _ =	vpop (xrf0)  }
0x2cd: {  	v62, _, _ =	vpop (xrf0)  }
0x2ce: {  	v63, _, _ =	vpop (xrf0)  }
0x2cf: {  	v53, _, _ =	vpop (xrf0)  }
0x2d0: {  	v54, _, _ =	vpop (xrf0)  }
0x2d1: {  	(v2sf) =	vpush v54, $0xF;
	_ =	sdelay $0x8  }
0x2d2: {  	v34 =	vadd.s32 v49, v34;
	[tilespmem:v40+s15+$0x0] =	vst.idx.msk vm8, v20  }
0x2d3: {  	v43 =	vadd.s32 v43, v45;
	[tilespmem:v38+s15+$0x0] =	vst.idx.msk vm14, v27  }
0x2d4: {  	v55 =	vadd.s32 v48, v41;
	[tilespmem:v36+s15+$0x0] =	vst.idx.msk vm6, v21  }
0x2d5: {  	v56 =	vadd.s32 v42, v47;
	v57 =	vsel vm12, $0xFFFFFFFF, v4;
	[tilespmem:v28+s15+$0x0] =	vst.idx.msk vm2, v12  }
0x2d6: {  	v33 =	vadd.s32 v39, v33;
	[tilespmem:v26+s15+$0x0] =	vst.idx.msk vm5, v16;
	v58 =	vadd.s32 v57, v35  }
0x2d7: {  	v29 =	vadd.s32 v29, v37;
	[tilespmem:v34+s15+$0x0] =	vst.idx.msk vm9, v22;
	v21 =	vadd.s32 v62, v58  }
0x2d8: {  	v59 =	vsel vm10, $0xFFFFFFFF, v4;
	[tilespmem:v43+s15+$0x0] =	vst.idx.msk vm11, v24;
	v60 =	vadd.s32 v61, v29;
	s21 =	spop (v2sf)  }
0x2d9: {  	[tilespmem:v55+s15+$0x0] =	vst.idx.msk vm0, v17;
	v29 =	vadd.s32 v30, v46;
	v30 =	vsel vm7, $0xFFFFFFFF, v4;
	v61 =	vadd.s32 v59, v52;
	s21 =	sadd.s32 $0x8000000F, s21  }
0x2da: {  	[tilespmem:v56+s15+$0x0] =	vst.idx.msk vm1, v25;
	v62 =	vadd.s32 v30, v50;
	v17 =	vadd.s32 v63, v61;
	s22 =	sand.u32 $0xF, s21  }
0x2db: {  	[tilespmem:v33+s15+$0x0] =	vst.idx.msk vm3, v18;
	v63 =	vadd.s32 v53, v62;
	s31 =	sshra.s32 s21, $0x1F;
	p1 =	slt.s32 s21, $0x1;
	p0 =	sne.s32 s22, $0x0  }
.Ltmp28:
0x2dc: {  	[tilespmem:v21+s15+$0x0] =	vst.idx.msk vm12, v23;
	s22 =	sshrl.u32 s31, $0x1C;
	p0 =	por !p1, !p0;
	(pc) =	sbr.rel .LBB2_40-.Ltmp28, $4  }
0x2dd: {  	[tilespmem:v60+s15+$0x0] =	vst.idx.msk vm4, v19;
	s21 =	sadd.s32 s22, s21;
	s22 =	simm.s32 $0x1;
	p0 =	por !p0, !p0  }
0x2de: {  	[tilespmem:v29+s15+$0x0] =	vst.idx.msk vm13, v13;
	s21 =	sshra.s32 s21, $0x4;
	s22 =	simm.s32 @!p0 $0x0  }
0x2df: {  	[tilespmem:v17+s15+$0x0] =	vst.idx.msk vm10, v14;
	s21 =	ssub.s32 s21, s22  }
0x2e0: {  	vm14 =	vmmov vm2;
	vm15 =	vmmov vm5;
	[tilespmem:v63+s15+$0x0] =	vst.idx.msk vm7, v15;
	s22 =	simm.s32 $0x0;
	p0 =	slt.s32 s21, $0x1  }
.LBB2_43:
0x2e1: {  	v15 =	vor.u32 s24, v5  }
0x2e2: {  	v14 =	vmax.f32 v14, $0.0e+00;
	vm0 =	vlt.s32 v15, v31  }
0x2e3: {  	v14 =	vnsel vm0, $0x0, v14  }
0x2e4: {  	v13 =	vadd.f32 v14, v13  }
.LBB2_44:
0x2e5: {  	_ = 	snop  }
0x2e6: {  	v14 =	vperm.xlane v13, v0;
	_ =	sdelay $0x1  }
0x2e7: {  	v13 =	vadd.f32 v14, v13;
	_ =	sdelay $0x1  }
0x2e8: {  	v14 =	vperm.xlane v13, v1;
	_ =	sdelay $0x1  }
0x2e9: {  	v13 =	vadd.f32 v14, v13;
	_ =	sdelay $0x1  }
0x2ea: {  	v14 =	vperm.xlane v13, v2;
	_ =	sdelay $0x1  }
0x2eb: {  	v13 =	vadd.f32 v14, v13  }
0x2ec: {  	s22 =	sadd.s32 $0x1, s22  }
0x2ed: {  	p1 =	sne.s32 s22, $0xE;
	v14 =	vperm.xlane v13, v3  }
.Ltmp29:
0x2ee: {  	_ = 	snop;
	(pc) =	sbr.rel @!p1 .LBB2_45-.Ltmp29, $3  }
0x2ef: {  	v13 =	vadd.f32 v14, v13;
	_ =	sdelay $0x1  }
0x2f0: {  	vm0 =	vgt.f32 v13, $1.000000000e+00  }
0x2f1: {  	v11 =	vsel vm0, v12, v11;
	v10 =	vsel vm0, v10, v12  }
.LBB2_40:
.Ltmp30:
0x2f2: {  	(pc) =	sbr.rel @p0 .LBB2_44-.Ltmp30, $3  }
0x2f3: {  	_ = 	snop  }
0x2f4: {  	v12 =	vadd.f32 v10, v11;
	_ =	sdelay $0x1  }
0x2f5: {  	v13 =	vimm.f32 $0.0e+00;
	s24 =	simm.s32 $0x10000;
	v12 =	vmul.f32 $5.000000000e-01, v12  }
0x2f6: {  	v14 =	vld [tilespmem:s24+$0x0];
	p1 =	sne.s32 s21, $0x1  }
.Ltmp31:
0x2f7: {  	_ = 	snop;
	(pc) =	sbr.rel @!p1 .LBB2_43-.Ltmp31, $2  }
0x2f8: {  	_ =	sdelay $0x2  }
0x2f9: {  	s23 =	sadd.s32 $0xFFFFFFFF, s21;
	s25 =	sadd.s32 $0x10, s24;
	s24 =	simm.s32 $0x0;
	v14 =	vsub.f32 v14, v12  }
.LBB2_42:
0x2fa: {  	v15 =	vld [tilespmem:s25+$0x0];
	p1 =	sne.s32 s23, $0x1;
	s23 =	sadd.s32 $0xFFFFFFFF, s23;
	v16 =	vor.u32 s24, v5  }
.Ltmp32:
0x2fb: {  	v14 =	vmax.f32 v14, $0.0e+00;
	vm0 =	vlt.s32 v16, v31;
	(pc) =	sbr.rel @p1 .LBB2_42-.Ltmp32, $3  }
0x2fc: {  	v14 =	vnsel vm0, $0x0, v14  }
0x2fd: {  	v13 =	vadd.f32 v14, v13;
	_ =	sdelay $0x1  }
0x2fe: {  	s25 =	sadd.s32 $0x10, s25;
	s24 =	sadd.s32 $0x10, s24;
	v14 =	vsub.f32 v15, v12  }
.Ltmp33:
0x2ff: {  	_ = 	snop;
	(pc) =	sbr.rel .LBB2_43-.Ltmp33, $1  }
0x300: {  	_ =	sdelay $0x3  }
.LBB2_45:
.Ltmp34:
0x301: {  	(pc) =	sbr.rel @p0 .LBB2_46-.Ltmp34, $2  }
0x302: {  	_ =	sdelay $0x2  }
0x303: {  	v12 =	vimm.f32 $0.0e+00  }
0x304: {  	s22 =	simm.s32 $0x10000  }
0x305: {  	p0 =	sne.s32 s21, $0x1;
	v13 =	vld [tilespmem:s22+$0x0]  }
.Ltmp35:
0x306: {  	v10 =	vadd.f32 v10, v11;
	(pc) =	sbr.rel @!p0 .LBB2_49-.Ltmp35, $4  }
0x307: {  	_ = 	snop  }
0x308: {  	s22 =	simm.s32 $0x0;
	v10 =	vmul.f32 $5.000000000e-01, v10  }
0x309: {  	v11 =	vor.u32 s22, v5  }
0x30a: {  	s21 =	sadd.s32 $0xFFFFFFFF, s21;
	s23 =	simm.s32 $0x10010;
	vm0 =	vlt.s32 v11, v31;
	v11 =	vimm.f32 $0.0e+00;
	vm1 =	vgt.f32 v13, v10  }
.LBB2_48:
0x30b: {  	v14 =	vld [tilespmem:s23+$0x0];
	p0 =	sne.s32 s21, $0x1;
	s21 =	sadd.s32 $0xFFFFFFFF, s21;
	vm0 =	vmand vm0, vm1  }
.Ltmp36:
0x30c: {  	v15 =	vsel vm0, $0x3F800000, v6;
	v13 =	vnsel vm0, $0x0, v13;
	(pc) =	sbr.rel @p0 .LBB2_48-.Ltmp36, $4  }
0x30d: {  	v12 =	vadd.f32 v15, v12;
	v11 =	vadd.f32 v13, v11  }
0x30e: {  	s22 =	sadd.s32 $0x10, s22  }
0x30f: {  	v15 =	vor.u32 s22, v5  }
0x310: {  	s23 =	sadd.s32 $0x10, s23;
	vm0 =	vlt.s32 v15, v31;
	vm1 =	vgt.f32 v14, v10;
	v13 =	vmov v14  }
.LBB2_49:
.Ltmp37:
0x311: {  	(pc) =	sbr.rel .LBB2_50-.Ltmp37, $4  }
0x312: {  	_ = 	snop  }
0x313: {  	vm0 =	vmand vm0, vm1  }
0x314: {  	v10 =	vsel vm0, $0x3F800000, v6;
	v13 =	vnsel vm0, $0x0, v13  }
0x315: {  	v12 =	vadd.f32 v10, v12;
	v10 =	vadd.f32 v13, v11  }
.LBB2_46:
0x316: {  	v10 =	vimm.f32 $0.0e+00  }
.LBB2_50:
0x317: {  	_ = 	snop  }
0x318: {  	v11 =	vperm.xlane v12, v9;
	_ =	sdelay $0x1  }
0x319: {  	v11 =	vadd.f32 v11, v12;
	_ =	sdelay $0x1  }
0x31a: {  	v12 =	vperm.xlane v11, v8;
	_ =	sdelay $0x1  }
0x31b: {  	v11 =	vadd.f32 v12, v11;
	_ =	sdelay $0x1  }
0x31c: {  	v12 =	vperm.xlane v11, v7  }
0x31d: {  	v13 =	vperm.xlane v10, v9  }
0x31e: {  	v11 =	vadd.f32 v12, v11  }
0x31f: {  	v10 =	vadd.f32 v13, v10  }
0x320: {  	v12 =	vperm.xlane v11, v3  }
0x321: {  	v13 =	vperm.xlane v10, v8  }
0x322: {  	v11 =	vadd.f32 v12, v11  }
0x323: {  	v10 =	vadd.f32 v13, v10  }
0x324: {  	v11 =	vmax.f32 v11, $1.000000000e+00  }
0x325: {  	v12 =	vperm.xlane v10, v7;
	(erf) = vrcp.f32 v11;
	_ =	sdelay $0x1  }
0x326: {  	v10 =	vadd.f32 v12, v10;
	_ =	sdelay $0x1  }
0x327: {  	v11 =	vperm.xlane v10, v3;
	_ =	sdelay $0x1  }
0x328: {  	s21 =	simm.s32 $0x80;
	v10 =	vadd.f32 v11, v10  }
0x329: {  	v11 =	vld [tilespmem:s21+$0x70]  }
0x32a: {  	v12 =	vld [tilespmem:s21+$0xFFFFFF90];
	v10 =	vadd.f32 $-1.000000000e+00, v10  }
0x32b: {  	v14 =	vld [tilespmem:s21+$0xFFFFFFA0];
	v13 =	vpop (erf)  }
0x32c: {  	v10 =	vmul.f32 v10, v13;
	v13 =	vld [tilespmem:s21+$0xFFFFFFB0]  }
0x32d: {  	v15 =	vld [tilespmem:s21+$0xFFFFFFC0]  }
0x32e: {  	v16 =	vld [tilespmem:s21+$0xFFFFFFD0];
	v11 =	vadd.f32 v11, v10  }
0x32f: {  	v17 =	vld [tilespmem:s21+$0xFFFFFFE0];
	v12 =	vadd.f32 v12, v10  }
0x330: {  	v18 =	vld [tilespmem:s21+$0xFFFFFFF0];
	v14 =	vadd.f32 v14, v10;
	v11 =	vmax.f32 v11, $0.0e+00  }
0x331: {  	v19 =	vld [tilespmem:s21+$0x0];
	v12 =	vmax.f32 v12, $0.0e+00;
	v13 =	vadd.f32 v13, v10;
	[tilespmem:s21+$0x70] =	vst v11  }
0x332: {  	[tilespmem:s21+$0xFFFFFF90] =	vst v12;
	v11 =	vmax.f32 v14, $0.0e+00;
	v12 =	vadd.f32 v15, v10;
	v15 =	vld [tilespmem:s21+$0x10]  }
0x333: {  	v20 =	vld [tilespmem:s21+$0x20];
	[tilespmem:s21+$0xFFFFFFA0] =	vst v11;
	v11 =	vmax.f32 v13, $0.0e+00;
	v13 =	vadd.f32 v16, v10  }
0x334: {  	v14 =	vadd.f32 v17, v10;
	v12 =	vmax.f32 v12, $0.0e+00;
	[tilespmem:s21+$0xFFFFFFB0] =	vst v11;
	v11 =	vld [tilespmem:s21+$0x30]  }
0x335: {  	v16 =	vadd.f32 v18, v10;
	[tilespmem:s21+$0xFFFFFFC0] =	vst v12;
	v12 =	vld [tilespmem:s21+$0x40];
	v13 =	vmax.f32 v13, $0.0e+00  }
0x336: {  	v17 =	vadd.f32 v19, v10;
	v14 =	vmax.f32 v14, $0.0e+00;
	[tilespmem:s21+$0xFFFFFFD0] =	vst v13;
	v13 =	vld [tilespmem:s21+$0x50]  }
0x337: {  	[tilespmem:s21+$0xFFFFFFE0] =	vst v14;
	v14 =	vld [tilespmem:s21+$0x60];
	v18 =	vmax.f32 v16, $0.0e+00;
	v16 =	vadd.f32 v15, v10  }
0x338: {  	s22 =	simm.s32 $0x0;
	s23 =	simm.s32 $0x180;
	v15 =	vld [tilespmem:s21+$0xFFFFFF80];
	[tilespmem:s21+$0xFFFFFFF0] =	vst v18;
	v18 =	vmax.f32 v17, $0.0e+00;
	v17 =	vadd.f32 v20, v10  }
.LBB2_51:
0x339: {  	v19 =	vld [tilespmem:s23+$0x70];
	s22 =	sadd.s32 $0x10, s22;
	[tilespmem:s21+$0x0] =	vst v18;
	v16 =	vmax.f32 v16, $0.0e+00;
	v11 =	vadd.f32 v11, v10  }
0x33a: {  	v18 =	vld [tilespmem:s23+$0xFFFFFF90];
	p0 =	slt.u32 s22, $0x7F0;
	[tilespmem:s21+$0x10] =	vst v16;
	v16 =	vmax.f32 v17, $0.0e+00;
	v12 =	vadd.f32 v12, v10  }
0x33b: {  	v17 =	vld [tilespmem:s23+$0xFFFFFFA0];
	[tilespmem:s21+$0x20] =	vst v16;
	v11 =	vmax.f32 v11, $0.0e+00;
	v13 =	vadd.f32 v13, v10  }
0x33c: {  	v16 =	vld [tilespmem:s23+$0xFFFFFFB0];
	[tilespmem:s21+$0x30] =	vst v11;
	v11 =	vmax.f32 v12, $0.0e+00;
	v12 =	vadd.f32 v14, v10  }
0x33d: {  	v14 =	vld [tilespmem:s23+$0xFFFFFFC0];
	v15 =	vadd.f32 v15, v10;
	[tilespmem:s21+$0x40] =	vst v11;
	v11 =	vmax.f32 v13, $0.0e+00  }
0x33e: {  	v13 =	vld [tilespmem:s23+$0xFFFFFFD0];
	v19 =	vadd.f32 v19, v10;
	[tilespmem:s21+$0x50] =	vst v11;
	v11 =	vmax.f32 v12, $0.0e+00  }
0x33f: {  	v12 =	vadd.f32 v18, v10;
	v18 =	vld [tilespmem:s23+$0xFFFFFFE0];
	v15 =	vmax.f32 v15, $0.0e+00;
	[tilespmem:s21+$0x60] =	vst v11  }
0x340: {  	v11 =	vadd.f32 v17, v10;
	v17 =	vld [tilespmem:s23+$0xFFFFFFF0];
	v19 =	vmax.f32 v19, $0.0e+00;
	[tilespmem:s21+$0xFFFFFF80] =	vst v15;
	s21 =	smov.u32 s23  }
0x341: {  	v12 =	vmax.f32 v12, $0.0e+00;
	v15 =	vadd.f32 v16, v10;
	v16 =	vld [tilespmem:s23+$0x0];
	[tilespmem:s23+$0x70] =	vst v19  }
0x342: {  	[tilespmem:s23+$0xFFFFFF90] =	vst v12;
	v11 =	vmax.f32 v11, $0.0e+00;
	v12 =	vadd.f32 v14, v10;
	v14 =	vld [tilespmem:s23+$0x10]  }
0x343: {  	[tilespmem:s23+$0xFFFFFFA0] =	vst v11;
	v11 =	vmax.f32 v15, $0.0e+00;
	v13 =	vadd.f32 v13, v10;
	v19 =	vld [tilespmem:s23+$0x20]  }
.Ltmp38:
0x344: {  	[tilespmem:s23+$0xFFFFFFB0] =	vst v11;
	v12 =	vmax.f32 v12, $0.0e+00;
	v15 =	vadd.f32 v18, v10;
	v11 =	vld [tilespmem:s23+$0x30];
	(pc) =	sbr.rel @p0 .LBB2_51-.Ltmp38, $4  }
0x345: {  	[tilespmem:s23+$0xFFFFFFC0] =	vst v12;
	v13 =	vmax.f32 v13, $0.0e+00;
	v17 =	vadd.f32 v17, v10;
	v12 =	vld [tilespmem:s23+$0x40]  }
0x346: {  	[tilespmem:s23+$0xFFFFFFD0] =	vst v13;
	v15 =	vmax.f32 v15, $0.0e+00;
	v18 =	vadd.f32 v16, v10;
	v13 =	vld [tilespmem:s23+$0x50]  }
0x347: {  	[tilespmem:s23+$0xFFFFFFE0] =	vst v15;
	v17 =	vmax.f32 v17, $0.0e+00;
	v16 =	vadd.f32 v14, v10;
	v14 =	vld [tilespmem:s23+$0x60]  }
0x348: {  	s23 =	sadd.s32 $0x100, s23;
	v15 =	vld [tilespmem:s21+$0xFFFFFF80];
	[tilespmem:s21+$0xFFFFFFF0] =	vst v17;
	v18 =	vmax.f32 v18, $0.0e+00;
	v17 =	vadd.f32 v19, v10  }
0x349: {  	[tilespmem:s21+$0x0] =	vst v18;
	v16 =	vmax.f32 v16, $0.0e+00;
	v11 =	vadd.f32 v11, v10  }
0x34a: {  	[tilespmem:s21+$0x10] =	vst v16;
	v16 =	vmax.f32 v17, $0.0e+00;
	v12 =	vadd.f32 v12, v10  }
0x34b: {  	[tilespmem:s21+$0x20] =	vst v16;
	v11 =	vmax.f32 v11, $0.0e+00;
	v13 =	vadd.f32 v13, v10  }
0x34c: {  	[tilespmem:s21+$0x30] =	vst v11;
	v11 =	vmax.f32 v12, $0.0e+00;
	v12 =	vadd.f32 v14, v10  }
0x34d: {  	v10 =	vadd.f32 v15, v10;
	[tilespmem:s21+$0x40] =	vst v11;
	v11 =	vmax.f32 v13, $0.0e+00  }
0x34e: {  	[tilespmem:s21+$0x50] =	vst v11;
	v11 =	vmax.f32 v12, $0.0e+00  }
0x34f: {  	v10 =	vmax.f32 v10, $0.0e+00;
	[tilespmem:s21+$0x60] =	vst v11  }
0x350: {  	[tilespmem:s21+$0xFFFFFF80] =	vst v10  }
0x351: {  	[hbm4b:s9+s16] =	stream.strided.scatter [tilespmem:s2], [sflag:$0x3], $0x8000, s12, s16, $0x38;
	[tilespmem:$0x18000] =	vst v63  }
0x352: {  	_ =	swait.ge [sflag:s18], $0x8000  }
0x353: {  	[sflag:s18] =	ssyncset.done $0x0  }
0x354: {  	s22 =	simm.s32 $0x8080;
	[sflag:s18] =	ssyncadd.s32 $0xFFFF8000  }
0x355: {  	v10 =	vld [tilespmem:s22+$0xFFFFFF80]  }
0x356: {  	v11 =	vld [tilespmem:s22+$0xFFFFFF90]  }
0x357: {  	v12 =	vld [tilespmem:s22+$0xFFFFFFA0]  }
0x358: {  	v13 =	vld [tilespmem:s22+$0xFFFFFFB0]  }
0x359: {  	v14 =	vimm.f32 $-Inf;
	v15 =	vld [tilespmem:s22+$0xFFFFFFC0]  }
0x35a: {  	v10 =	vmax.f32 v14, v10;
	v14 =	vld [tilespmem:s22+$0xFFFFFFD0]  }
0x35b: {  	v10 =	vmax.f32 v10, v11;
	v11 =	vld [tilespmem:s22+$0xFFFFFFE0]  }
0x35c: {  	v10 =	vmax.f32 v10, v12;
	v12 =	vld [tilespmem:s22+$0xFFFFFFF0]  }
0x35d: {  	v10 =	vmax.f32 v10, v13;
	v13 =	vld [tilespmem:s22+$0x0]  }
0x35e: {  	v10 =	vmax.f32 v10, v15;
	v15 =	vld [tilespmem:s22+$0x10]  }
0x35f: {  	v10 =	vmax.f32 v10, v14;
	v14 =	vld [tilespmem:s22+$0x20]  }
0x360: {  	v11 =	vmax.f32 v10, v11;
	v10 =	vld [tilespmem:s22+$0x30]  }
0x361: {  	v12 =	vmax.f32 v11, v12;
	v11 =	vld [tilespmem:s22+$0x40]  }
0x362: {  	v13 =	vmax.f32 v12, v13;
	v12 =	vld [tilespmem:s22+$0x50]  }
0x363: {  	v15 =	vmax.f32 v13, v15;
	v13 =	vld [tilespmem:s22+$0x60]  }
0x364: {  	s21 =	simm.s32 $0x0;
	v15 =	vmax.f32 v15, v14;
	v14 =	vld [tilespmem:s22+$0x70];
	s22 =	simm.s32 $0x8180  }
.LBB2_53:
0x365: {  	v16 =	vld [tilespmem:s22+$0xFFFFFF80];
	s21 =	sadd.s32 $0x10, s21;
	v10 =	vmax.f32 v15, v10  }
0x366: {  	v15 =	vld [tilespmem:s22+$0xFFFFFF90];
	p0 =	slt.u32 s21, $0x7F0;
	v10 =	vmax.f32 v10, v11  }
0x367: {  	v11 =	vld [tilespmem:s22+$0xFFFFFFA0];
	v10 =	vmax.f32 v10, v12  }
0x368: {  	v12 =	vld [tilespmem:s22+$0xFFFFFFB0];
	v10 =	vmax.f32 v10, v13  }
0x369: {  	v13 =	vld [tilespmem:s22+$0xFFFFFFC0];
	v10 =	vmax.f32 v10, v14  }
0x36a: {  	v10 =	vmax.f32 v10, v16;
	v14 =	vld [tilespmem:s22+$0xFFFFFFD0]  }
0x36b: {  	v10 =	vmax.f32 v10, v15;
	v15 =	vld [tilespmem:s22+$0xFFFFFFE0]  }
0x36c: {  	v10 =	vmax.f32 v10, v11;
	v11 =	vld [tilespmem:s22+$0xFFFFFFF0]  }
0x36d: {  	v10 =	vmax.f32 v10, v12;
	v12 =	vld [tilespmem:s22+$0x0]  }
0x36e: {  	v10 =	vmax.f32 v10, v13;
	v13 =	vld [tilespmem:s22+$0x10]  }
0x36f: {  	v10 =	vmax.f32 v10, v14;
	v14 =	vld [tilespmem:s22+$0x20]  }
.Ltmp39:
0x370: {  	v15 =	vmax.f32 v10, v15;
	v10 =	vld [tilespmem:s22+$0x30];
	(pc) =	sbr.rel @p0 .LBB2_53-.Ltmp39, $4  }
0x371: {  	v15 =	vmax.f32 v15, v11;
	v11 =	vld [tilespmem:s22+$0x40]  }
0x372: {  	v15 =	vmax.f32 v15, v12;
	v12 =	vld [tilespmem:s22+$0x50]  }
0x373: {  	v15 =	vmax.f32 v15, v13;
	v13 =	vld [tilespmem:s22+$0x60]  }
0x374: {  	v15 =	vmax.f32 v15, v14;
	v14 =	vld [tilespmem:s22+$0x70];
	s22 =	sadd.s32 $0x100, s22  }
0x375: {  	v10 =	vmax.f32 v15, v10  }
0x376: {  	v10 =	vmax.f32 v10, v11  }
0x377: {  	v10 =	vmax.f32 v10, v12  }
0x378: {  	v10 =	vmax.f32 v10, v13  }
0x379: {  	v10 =	vmax.f32 v10, v14  }
0x37a: {  	v11 =	vperm.xlane v10, v0  }
0x37b: {  	s21 =	simm.s32 $0x8080  }
0x37c: {  	v28 =	vld [tilespmem:s21+$0xFFFFFF80];
	v10 =	vmax.f32 v10, v11  }
0x37d: {  	v17 =	vld [tilespmem:s21+$0xFFFFFFF0];
	v11 =	vperm.xlane v10, v1  }
0x37e: {  	v15 =	vld [tilespmem:s21+$0x50]  }
0x37f: {  	v20 =	vld [tilespmem:s21+$0xFFFFFFC0];
	v10 =	vmax.f32 v10, v11  }
0x380: {  	v16 =	vld [tilespmem:s21+$0xFFFFFFD0];
	v11 =	vperm.xlane v10, v2  }
0x381: {  	v21 =	vld [tilespmem:s21+$0xFFFFFFE0]  }
0x382: {  	v12 =	vld [tilespmem:s21+$0x0];
	v10 =	vmax.f32 v10, v11  }
0x383: {  	v13 =	vld [tilespmem:s21+$0x20];
	v11 =	vperm.xlane v10, v3  }
0x384: {  	v14 =	vld [tilespmem:s21+$0x70]  }
0x385: {  	v25 =	vld [tilespmem:s21+$0x30];
	v10 =	vmax.f32 v10, v11  }
0x386: {  	v24 =	vld [tilespmem:s21+$0x10];
	v11 =	vadd.f32 $-1.000000000e+00, v10  }
0x387: {  	v19 =	vimm.s32 $0x0  }
0x388: {  	vm7 =	vge.f32 v28, v11;
	vm10 =	vge.f32 v13, v11;
	vm2 =	vge.f32 v12, v11  }
0x389: {  	vm13 =	vge.f32 v15, v11;
	vm0 =	vge.f32 v17, v11;
	vm15 =	vge.f32 v14, v11  }
0x38a: {  	vm5 =	vge.f32 v16, v11;
	vm6 =	vge.f32 v21, v11;
	vm8 =	vge.f32 v20, v11  }
0x38b: {  	vm1 =	vge.f32 v25, v11;
	vm11 =	vge.f32 v24, v11;
	v18 =	vmpcnt.ones.xlane vm7  }
0x38c: {  	v22 =	vsel vm7, $0x1, v4;
	v23 =	vsel vm10, $0x1, v4;
	v30 =	vsel vm2, $0x1, v4  }
0x38d: {  	v35 =	vmpcnt.ones.xlane vm2;
	v36 =	vsel vm10, $0xFFFFFFFF, v4;
	v37 =	vmpcnt.ones.xlane vm10;
	(xrf0) =	vadd.scan.msk.s32 $0xffff, v22  }
0x38e: {  	v27 =	vsel vm7, $0xFFFFFFFF, v4;
	v38 =	vsel vm0, $0x1, v4;
	v42 =	vmpcnt.ones.xlane vm0  }
0x38f: {  	v40 =	vmpcnt.ones.xlane vm5;
	v29 =	vsel vm8, $0x1, v4;
	v39 =	vmpcnt.ones.xlane vm8;
	v22 =	vld [tilespmem:s21+$0xFFFFFFA0]  }
0x390: {  	v45 =	vsel vm2, $0xFFFFFFFF, v4;
	v32 =	vsel vm5, $0x1, v4;
	v26 =	vadd.s32 v19, v18;
	v18 =	vld [tilespmem:s21+$0xFFFFFF90]  }
0x391: {  	v47 =	vsel vm1, $0xFFFFFFFF, v4;
	v41 =	vsel vm5, $0xFFFFFFFF, v4;
	v27 =	vadd.s32 v27, v19;
	v19 =	vld [tilespmem:s21+$0x40]  }
0x392: {  	v43 =	vsel vm1, $0x1, v4;
	v48 =	vsel vm0, $0xFFFFFFFF, v4;
	v50 =	vmpcnt.ones.xlane vm1  }
0x393: {  	v44 =	vsel vm8, $0xFFFFFFFF, v4;
	v49 =	vsel vm6, $0x1, v4;
	v52 =	vsel vm11, $0xFFFFFFFF, v4;
	(xrf0) =	vadd.scan.msk.s32 $0xffff, v23;
	v23 =	vld [tilespmem:s21+$0x60];
	v31, _, _ =	vpop (xrf0)  }
0x394: {  	v53 =	vmpcnt.ones.xlane vm11;
	vm9 =	vge.f32 v22, v11;
	v46 =	vadd.s32 v31, v27;
	v27 =	vld [tilespmem:s21+$0xFFFFFFB0]  }
0x395: {  	v56 =	vsel vm11, $0x1, v4;
	(xrf0) =	vadd.scan.msk.s32 $0xffff, v29;
	vm3 =	vge.f32 v18, v11;
	v51 =	vsel vm9, $0x1, v4  }
0x396: {  	(xrf0) =	vadd.scan.msk.s32 $0xffff, v32;
	vm4 =	vge.f32 v19, v11;
	v54 =	vmpcnt.ones.xlane vm9;
	v33 =	vsel vm3, $0x1, v4  }
0x397: {  	v55 =	vsel vm9, $0xFFFFFFFF, v4;
	v31 =	vmpcnt.ones.xlane vm3;
	v34 =	vsel vm3, $0xFFFFFFFF, v4;
	(xrf0) =	vadd.scan.msk.s32 $0xffff, v33  }
0x398: {  	vm12 =	vge.f32 v23, v11;
	v29 =	vsel vm4, $0xFFFFFFFF, v4;
	v33 =	vadd.s32 v34, v26;
	(xrf0) =	vadd.scan.msk.s32 $0xffff, v30  }
0x399: {  	v61 =	vadd.s32 v26, v31;
	v31 =	vmpcnt.ones.xlane vm4;
	(xrf0) =	vadd.scan.msk.s32 $0xffff, v56;
	vm14 =	vge.f32 v27, v11  }
0x39a: {  	v30, _, _ =	vpop (xrf0);
	v34 =	vadd.s32 v55, v61;
	v32 =	vadd.s32 v61, v54;
	(xrf0) =	vadd.scan.msk.s32 $0xffff, v43;
	v26 =	vmpcnt.ones.xlane vm14  }
0x39b: {  	v60, _, _ =	vpop (xrf0);
	v43 =	vmpcnt.ones.xlane vm6;
	v62 =	vsel vm14, $0x1, v4;
	v63 =	vsel vm14, $0xFFFFFFFF, v4  }
0x39c: {  	v56 =	vsel vm6, $0xFFFFFFFF, v4;
	v57, _, _ =	vpop (xrf0);
	[tilespmem:v46+s15+$0x0] =	vst.idx.msk vm7, v28;
	(xrf0) =	vadd.scan.msk.s32 $0xffff, v62;
	v26 =	vadd.s32 v32, v26  }
0x39d: {  	vm7 =	vmmov vm13;
	v54 =	vadd.s32 v63, v32;
	(xrf0) =	vadd.scan.msk.s32 $0xffff, v51;
	v61 =	vadd.s32 v26, v39;
	v39, _, _ =	vpop (xrf0)  }
0x39e: {  	v26 =	vadd.s32 v44, v26;
	(xrf0) =	vadd.scan.msk.s32 $0xffff, v49;
	v41 =	vadd.s32 v41, v61;
	v62 =	vadd.s32 v61, v40;
	v63, _, _ =	vpop (xrf0)  }
0x39f: {  	(xrf0) =	vadd.scan.msk.s32 $0xffff, v38;
	v40 =	vadd.s32 v60, v26;
	v60 =	vsel vm4, $0x1, v4;
	v61 =	vadd.s32 v62, v43;
	v43, _, _ =	vpop (xrf0)  }
0x3a0: {  	v32 =	vsel vm13, $0x1, v4;
	vm13 =	vmmov vm10;
	v38 =	vadd.s32 v61, v42;
	v42, _, _ =	vpop (xrf0);
	(xrf0) =	vadd.scan.msk.s32 $0xffff, v60  }
0x3a1: {  	v44 =	vsel vm12, $0x1, v4;
	v56 =	vadd.s32 v56, v62;
	v26 =	vadd.s32 v57, v41  }
0x3a2: {  	v41 =	vadd.s32 v48, v61;
	v28 =	vadd.s32 v45, v38;
	v35 =	vadd.s32 v38, v35;
	v62, _, _ =	vpop (xrf0)  }
0x3a3: {  	v38 =	vadd.s32 v62, v54;
	v45 =	vadd.s32 v52, v35;
	v35 =	vadd.s32 v35, v53;
	v49, _, _ =	vpop (xrf0)  }
0x3a4: {  	v28 =	vadd.s32 v63, v28;
	v46 =	vadd.s32 v36, v35;
	v35 =	vadd.s32 v35, v37;
	v63, _, _ =	vpop (xrf0)  }
0x3a5: {  	s22 =	simm.s32 $0x8180;
	s21 =	simm.s32 $0x0;
	v36 =	vadd.s32 v63, v56;
	v47 =	vadd.s32 v47, v35;
	v37 =	vadd.s32 v35, v50;
	v48, _, _ =	vpop (xrf0)  }
.LBB2_55:
0x3a6: {  	v33 =	vadd.s32 v39, v33;
	v34 =	vadd.s32 v49, v34;
	v39, _, _ =	vpop (xrf0);
	(xrf0) =	vadd.scan.msk.s32 $0xffff, v44  }
0x3a7: {  	vm10 =	vmmov vm2;
	v51 =	vimm.s32 $0x0;
	v57 =	vadd.s32 v43, v45  }
0x3a8: {  	v44 =	vsel vm10, $0xFFFFFFFF, v51;
	vm10 =	vmmov vm7  }
0x3a9: {  	[tilespmem:v40+s15+$0x0] =	vst.idx.msk vm8, v20;
	vm7 =	vmmov vm15;
	v59 =	vmpcnt.ones.xlane vm10  }
0x3aa: {  	[tilespmem:v36+s15+$0x0] =	vst.idx.msk vm6, v21;
	v21 =	vadd.s32 v37, v31;
	v20 =	vsel vm7, $0x1, v4  }
0x3ab: {  	v61 =	vsel vm12, $0xFFFFFFFF, v4;
	(xrf0) =	vadd.scan.msk.s32 $0xffff, v20;
	[tilespmem:v34+s15+$0x0] =	vst.idx.msk vm9, v22;
	v22 =	vadd.s32 v21, v59  }
0x3ac: {  	[tilespmem:v57+s15+$0x0] =	vst.idx.msk vm11, v24;
	v24 =	vadd.s32 v61, v22;
	v31, _, _ =	vpop (xrf0);
	(xrf0) =	vadd.scan.msk.s32 $0xffff, v32  }
0x3ad: {  	v35 =	vld [tilespmem:s22+$0xFFFFFF80];
	v24 =	vadd.s32 v31, v24  }
0x3ae: {  	v52 =	vld [tilespmem:s22+$0xFFFFFFF0];
	v58 =	vimm.s32 $0x0  }
0x3af: {  	v30 =	vadd.s32 v30, v46;
	vm2 =	vmmov vm5;
	v46 =	vld [tilespmem:s22+$0x0];
	v41 =	vadd.s32 v48, v41  }
0x3b0: {  	v42 =	vadd.s32 v42, v47;
	v29 =	vadd.s32 v29, v37;
	v62 =	vmpcnt.ones.xlane vm12;
	v63 =	vld [tilespmem:s22+$0x50]  }
0x3b1: {  	[tilespmem:v38+s15+$0x0] =	vst.idx.msk vm14, v27;
	v40 =	vld [tilespmem:s22+$0xFFFFFFD0];
	v43 =	vsel vm2, $0xFFFFFFFF, v58;
	v29 =	vadd.s32 v39, v29;
	v27 =	vsel vm10, $0xFFFFFFFF, v4;
	v58, _, _ =	vpop (xrf0)  }
0x3b2: {  	v48 =	vld [tilespmem:s22+$0x60];
	v60 =	vsel vm7, $0xFFFFFFFF, v4;
	v27 =	vadd.s32 v27, v21;
	v22 =	vadd.s32 v22, v62;
	[tilespmem:v24+s15+$0x0] =	vst.idx.msk vm12, v23;
	v23, _, _ =	vpop (xrf0)  }
0x3b3: {  	[tilespmem:$0x1FF40] =	vst v44;
	v31 =	vadd.s32 v60, v22;
	v60 =	vadd.s32 v23, v27  }
0x3b4: {  	[tilespmem:$0x1FF50] =	vst v43;
	v43 =	vld [tilespmem:s22+$0x20];
	v53 =	vmpcnt.ones.xlane vm7;
	vm14 =	vge.f32 v35, v11  }
0x3b5: {  	[tilespmem:v41+s15+$0x0] =	vst.idx.msk vm0, v17;
	vm2 =	vge.f32 v46, v11;
	vm11 =	vge.f32 v63, v11;
	v59 =	vimm.s32 $0x0  }
0x3b6: {  	v50 =	vld [tilespmem:s22+$0x30];
	[tilespmem:v42+s15+$0x0] =	vst.idx.msk vm1, v25;
	vm5 =	vge.f32 v40, v11;
	v54 =	vmpcnt.ones.xlane vm14;
	v55 =	vsel vm14, $0x1, v4  }
0x3b7: {  	v20 =	vld [tilespmem:s22+$0xFFFFFFC0];
	v17 =	vmovc v52;
	v45 =	vsel vm2, $0x1, v4;
	v38 =	vmpcnt.ones.xlane vm2;
	v25 =	vsel vm14, $0xFFFFFFFF, v4;
	[tilespmem:v29+s15+$0x0] =	vst.idx.msk vm4, v19  }
0x3b8: {  	vm0 =	vge.f32 v17, v11;
	v52 =	vmpcnt.ones.xlane vm5;
	v29 =	vsel vm5, $0x1, v4;
	[tilespmem:v60+s15+$0x0] =	vst.idx.msk vm10, v15;
	v15 =	vld [tilespmem:$0x1FF40]  }
0x3b9: {  	v57 =	vld [tilespmem:s22+$0x70];
	[tilespmem:v33+s15+$0x0] =	vst.idx.msk vm3, v18;
	vm15 =	vge.f32 v43, v11;
	v34 =	vadd.s32 v22, v53;
	v42 =	vsel vm0, $0x1, v4  }
0x3ba: {  	v21 =	vld [tilespmem:s22+$0xFFFFFFE0];
	[tilespmem:v30+s15+$0x0] =	vst.idx.msk vm13, v13;
	v51 =	vmpcnt.ones.xlane vm0;
	v53 =	vsel vm2, $0xFFFFFFFF, v4;
	v13 =	vmovc v43;
	v43 =	vsel vm5, $0xFFFFFFFF, v4  }
0x3bb: {  	v18 =	vld [tilespmem:s22+$0xFFFFFF90];
	v47 =	vsel vm0, $0xFFFFFFFF, v4;
	v56 =	vsel vm15, $0x1, v4;
	v41 =	vadd.s32 v34, v54;
	(xrf0) =	vadd.scan.msk.s32 $0xffff, v55  }
0x3bc: {  	v22 =	vld [tilespmem:s22+$0xFFFFFFA0];
	v36 =	vsel vm15, $0xFFFFFFFF, v4;
	v37 =	vmpcnt.ones.xlane vm15;
	vm8 =	vge.f32 v20, v11  }
0x3bd: {  	v25 =	vadd.s32 v25, v34;
	vm13 =	vmmov vm15;
	vm4 =	vnez.u8 v15;
	v15 =	vld [tilespmem:$0x1FF50]  }
0x3be: {  	v39 =	vmpcnt.ones.xlane vm8;
	v55 =	vsel vm8, $0xFFFFFFFF, v4;
	vm1 =	vge.f32 v57, v11  }
0x3bf: {  	v31 =	vadd.s32 v58, v31;
	vm6 =	vge.f32 v21, v11;
	v33 =	vsel vm1, $0xFFFFFFFF, v59  }
0x3c0: {  	vm1 =	vge.f32 v50, v11;
	vm3 =	vge.f32 v18, v11;
	v49 =	vsel vm6, $0xFFFFFFFF, v4  }
0x3c1: {  	[tilespmem:$0x1FF60] =	vst v33;
	(xrf0) =	vadd.scan.msk.s32 $0xffff, v56;
	v24 =	vld [tilespmem:s22+$0x10];
	v54 =	vsel vm1, $0xFFFFFFFF, v4;
	v23 =	vsel vm8, $0x1, v4;
	v27, _, _ =	vpop (xrf0)  }
0x3c2: {  	vm9 =	vge.f32 v22, v11;
	(xrf0) =	vadd.scan.msk.s32 $0xffff, v23;
	v25 =	vadd.s32 v27, v25;
	v27 =	vld [tilespmem:s22+$0xFFFFFFB0];
	vm10 =	vnez.u8 v15  }
0x3c3: {  	v61 =	vsel vm3, $0x1, v4;
	v44 =	vsel vm1, $0x1, v4;
	v62 =	vsel vm3, $0xFFFFFFFF, v4;
	(xrf0) =	vadd.scan.msk.s32 $0xffff, v29  }
0x3c4: {  	v56 =	vsel vm6, $0x1, v4;
	v33 =	vadd.s32 v62, v41;
	[tilespmem:v31+s15+$0x0] =	vst.idx.msk vm7, v14;
	vm7 =	vmmov vm11  }
0x3c5: {  	v23 =	vmovc v48;
	v29 =	vmpcnt.ones.xlane vm3;
	v48 =	vmpcnt.ones.xlane vm1;
	v32 =	vsel vm7, $0x1, v4  }
0x3c6: {  	v19 =	vld [tilespmem:s22+$0x40];
	v14 =	vmovc v57;
	vm11 =	vge.f32 v24, v11;
	vm12 =	vge.f32 v23, v11;
	v60 =	vsel vm9, $0xFFFFFFFF, v4  }
0x3c7: {  	v30, _, _ =	vpop (xrf0);
	v58 =	vsel vm11, $0x1, v4;
	[tilespmem:v25+s15+$0x0] =	vst.idx.msk vm14, v35;
	v25 =	vadd.s32 v41, v29;
	vm14 =	vge.f32 v27, v11  }
0x3c8: {  	v15 =	vmov v63;
	v63 =	vmpcnt.ones.xlane vm9;
	[tilespmem:v26+s15+$0x0] =	vst.idx.msk vm10, v16;
	v26, _, _ =	vpop (xrf0);
	(xrf0) =	vadd.scan.msk.s32 $0xffff, v61  }
0x3c9: {  	v35 =	vmpcnt.ones.xlane vm11;
	v34 =	vadd.s32 v60, v25;
	v62 =	vsel vm14, $0x1, v4;
	v57, _, _ =	vpop (xrf0);
	(xrf0) =	vadd.scan.msk.s32 $0xffff, v45  }
0x3ca: {  	v59 =	vsel vm14, $0xFFFFFFFF, v4;
	v61 =	vadd.s32 v25, v63;
	v63 =	vmpcnt.ones.xlane vm14;
	(xrf0) =	vadd.scan.msk.s32 $0xffff, v58  }
0x3cb: {  	[tilespmem:v28+s15+$0x0] =	vst.idx.msk vm4, v12;
	v12 =	vmovc v46;
	v28 =	vsel vm9, $0x1, v4;
	vm4 =	vge.f32 v19, v11;
	(xrf0) =	vadd.scan.msk.s32 $0xffff, v44  }
0x3cc: {  	v46 =	vsel vm11, $0xFFFFFFFF, v4;
	v29 =	vsel vm4, $0xFFFFFFFF, v4;
	v16 =	vmovc v40;
	v40 =	vadd.s32 v61, v63;
	(xrf0) =	vadd.scan.msk.s32 $0xffff, v62  }
0x3cd: {  	v25 =	vmovc v50;
	v50 =	vmpcnt.ones.xlane vm6;
	(xrf0) =	vadd.scan.msk.s32 $0xffff, v28;
	v28 =	vadd.s32 v55, v40;
	v40 =	vadd.s32 v40, v39  }
0x3ce: {  	v58 =	vadd.s32 v59, v61;
	v62 =	vsel vm4, $0x1, v4;
	v39, _, _ =	vpop (xrf0);
	(xrf0) =	vadd.scan.msk.s32 $0xffff, v56;
	v61 =	vadd.s32 v40, v52  }
0x3cf: {  	s21 =	sadd.s32 $0x10, s21;
	v60 =	vadd.s32 v43, v40;
	v40 =	vadd.s32 v26, v28;
	(xrf0) =	vadd.scan.msk.s32 $0xffff, v42;
	v63, _, _ =	vpop (xrf0);
	v28 =	vadd.s32 v61, v50  }
0x3d0: {  	p0 =	slt.u32 s21, $0x7F0;
	v31 =	vmpcnt.ones.xlane vm4;
	v43, _, _ =	vpop (xrf0);
	(xrf0) =	vadd.scan.msk.s32 $0xffff, v62;
	v41 =	vadd.s32 v47, v28;
	v28 =	vadd.s32 v28, v51;
	v62 =	vld [tilespmem:$0x1FF60]  }
.Ltmp40:
0x3d1: {  	v26 =	vadd.s32 v57, v60;
	v42, _, _ =	vpop (xrf0);
	v60 =	vadd.s32 v53, v28;
	v28 =	vadd.s32 v28, v38;
	(pc) =	sbr.rel @p0 .LBB2_55-.Ltmp40, $4  }
0x3d2: {  	v44 =	vsel vm12, $0x1, v4;
	v59 =	vadd.s32 v49, v61;
	v61, _, _ =	vpop (xrf0);
	v35 =	vadd.s32 v28, v35  }
0x3d3: {  	v45 =	vadd.s32 v46, v28;
	v49, _, _ =	vpop (xrf0);
	v46 =	vadd.s32 v36, v35;
	v35 =	vadd.s32 v35, v37  }
0x3d4: {  	v28 =	vadd.s32 v63, v60;
	v38 =	vadd.s32 v61, v58;
	v63, _, _ =	vpop (xrf0);
	v47 =	vadd.s32 v54, v35  }
0x3d5: {  	s22 =	sadd.s32 $0x100, s22;
	v37 =	vadd.s32 v35, v48;
	vm15 =	vnez.u8 v62;
	v36 =	vadd.s32 v63, v59;
	v48, _, _ =	vpop (xrf0)  }
0x3d6: {  	vm7 =	vmmov vm7  }
0x3d7: {  	v35 =	vmpcnt.ones.xlane vm7  }
0x3d8: {  	vm10 =	vmmov vm15;
	v50 =	vadd.s32 v37, v31;
	v31 =	vmpcnt.ones.xlane vm12  }
0x3d9: {  	v51 =	vmpcnt.ones.xlane vm10;
	v35 =	vadd.s32 v50, v35  }
0x3da: {  	(xrf0) =	vadd.scan.msk.s32 $0xffff, v44;
	v59 =	vsel vm10, $0x1, v4;
	v52 =	vadd.s32 v35, v31  }
0x3db: {  	(xrf0) =	vadd.scan.msk.s32 $0xffff, v59;
	v31 =	vadd.s32 v52, v51  }
0x3dc: {  	(xrf0) =	vadd.scan.msk.s32 $0xffff, v32;
	v60 =	vxor.u32 $0x80000000, v31  }
0x3dd: {  	(xrf0) =	vmax.scan.msk.u32 $0xffff, v60;
	_ =	sdelay $0x1  }
0x3de: {  	v61, _, _ =	vpop (xrf0)  }
0x3df: {  	v62, _, _ =	vpop (xrf0)  }
0x3e0: {  	v63, _, _ =	vpop (xrf0)  }
0x3e1: {  	v53, _, _ =	vpop (xrf0)  }
0x3e2: {  	v54, _, _ =	vpop (xrf0)  }
0x3e3: {  	(v2sf) =	vpush v54, $0xF;
	_ =	sdelay $0x8  }
0x3e4: {  	v34 =	vadd.s32 v49, v34;
	[tilespmem:v40+s15+$0x0] =	vst.idx.msk vm8, v20  }
0x3e5: {  	v43 =	vadd.s32 v43, v45;
	[tilespmem:v38+s15+$0x0] =	vst.idx.msk vm14, v27  }
0x3e6: {  	v55 =	vadd.s32 v48, v41;
	[tilespmem:v36+s15+$0x0] =	vst.idx.msk vm6, v21  }
0x3e7: {  	v56 =	vadd.s32 v42, v47;
	v57 =	vsel vm12, $0xFFFFFFFF, v4;
	[tilespmem:v28+s15+$0x0] =	vst.idx.msk vm2, v12  }
0x3e8: {  	v33 =	vadd.s32 v39, v33;
	[tilespmem:v26+s15+$0x0] =	vst.idx.msk vm5, v16;
	v58 =	vadd.s32 v57, v35  }
0x3e9: {  	v29 =	vadd.s32 v29, v37;
	[tilespmem:v34+s15+$0x0] =	vst.idx.msk vm9, v22;
	v21 =	vadd.s32 v62, v58  }
0x3ea: {  	v59 =	vsel vm10, $0xFFFFFFFF, v4;
	[tilespmem:v43+s15+$0x0] =	vst.idx.msk vm11, v24;
	v60 =	vadd.s32 v61, v29;
	s21 =	spop (v2sf)  }
0x3eb: {  	[tilespmem:v55+s15+$0x0] =	vst.idx.msk vm0, v17;
	v29 =	vadd.s32 v30, v46;
	v30 =	vsel vm7, $0xFFFFFFFF, v4;
	v61 =	vadd.s32 v59, v52;
	s21 =	sadd.s32 $0x8000000F, s21  }
0x3ec: {  	[tilespmem:v56+s15+$0x0] =	vst.idx.msk vm1, v25;
	v62 =	vadd.s32 v30, v50;
	v17 =	vadd.s32 v63, v61;
	s22 =	sand.u32 $0xF, s21  }
0x3ed: {  	[tilespmem:v33+s15+$0x0] =	vst.idx.msk vm3, v18;
	v63 =	vadd.s32 v53, v62;
	s31 =	sshra.s32 s21, $0x1F;
	p1 =	slt.s32 s21, $0x1;
	p0 =	sne.s32 s22, $0x0  }
.Ltmp41:
0x3ee: {  	[tilespmem:v21+s15+$0x0] =	vst.idx.msk vm12, v23;
	s22 =	sshrl.u32 s31, $0x1C;
	p0 =	por !p1, !p0;
	(pc) =	sbr.rel .LBB2_57-.Ltmp41, $4  }
0x3ef: {  	[tilespmem:v60+s15+$0x0] =	vst.idx.msk vm4, v19;
	s21 =	sadd.s32 s22, s21;
	s22 =	simm.s32 $0x1;
	p0 =	por !p0, !p0  }
0x3f0: {  	[tilespmem:v29+s15+$0x0] =	vst.idx.msk vm13, v13;
	s21 =	sshra.s32 s21, $0x4;
	s22 =	simm.s32 @!p0 $0x0  }
0x3f1: {  	[tilespmem:v17+s15+$0x0] =	vst.idx.msk vm10, v14;
	s21 =	ssub.s32 s21, s22  }
0x3f2: {  	vm14 =	vmmov vm2;
	vm15 =	vmmov vm5;
	[tilespmem:v63+s15+$0x0] =	vst.idx.msk vm7, v15;
	s22 =	simm.s32 $0x0;
	p0 =	slt.s32 s21, $0x1  }
.LBB2_60:
0x3f3: {  	v15 =	vor.u32 s24, v5  }
0x3f4: {  	v14 =	vmax.f32 v14, $0.0e+00;
	vm0 =	vlt.s32 v15, v31  }
0x3f5: {  	v14 =	vnsel vm0, $0x0, v14  }
0x3f6: {  	v13 =	vadd.f32 v14, v13  }
.LBB2_61:
0x3f7: {  	_ = 	snop  }
0x3f8: {  	v14 =	vperm.xlane v13, v0;
	_ =	sdelay $0x1  }
0x3f9: {  	v13 =	vadd.f32 v14, v13;
	_ =	sdelay $0x1  }
0x3fa: {  	v14 =	vperm.xlane v13, v1;
	_ =	sdelay $0x1  }
0x3fb: {  	v13 =	vadd.f32 v14, v13;
	_ =	sdelay $0x1  }
0x3fc: {  	v14 =	vperm.xlane v13, v2;
	_ =	sdelay $0x1  }
0x3fd: {  	v13 =	vadd.f32 v14, v13  }
0x3fe: {  	s22 =	sadd.s32 $0x1, s22  }
0x3ff: {  	p1 =	sne.s32 s22, $0xE;
	v14 =	vperm.xlane v13, v3  }
.Ltmp42:
0x400: {  	_ = 	snop;
	(pc) =	sbr.rel @!p1 .LBB2_62-.Ltmp42, $3  }
0x401: {  	v13 =	vadd.f32 v14, v13;
	_ =	sdelay $0x1  }
0x402: {  	vm0 =	vgt.f32 v13, $1.000000000e+00  }
0x403: {  	v11 =	vsel vm0, v12, v11;
	v10 =	vsel vm0, v10, v12  }
.LBB2_57:
.Ltmp43:
0x404: {  	(pc) =	sbr.rel @p0 .LBB2_61-.Ltmp43, $3  }
0x405: {  	_ = 	snop  }
0x406: {  	v12 =	vadd.f32 v10, v11;
	_ =	sdelay $0x1  }
0x407: {  	v13 =	vimm.f32 $0.0e+00;
	s24 =	simm.s32 $0x10000;
	v12 =	vmul.f32 $5.000000000e-01, v12  }
0x408: {  	v14 =	vld [tilespmem:s24+$0x0];
	p1 =	sne.s32 s21, $0x1  }
.Ltmp44:
0x409: {  	_ = 	snop;
	(pc) =	sbr.rel @!p1 .LBB2_60-.Ltmp44, $2  }
0x40a: {  	_ =	sdelay $0x2  }
0x40b: {  	s23 =	sadd.s32 $0xFFFFFFFF, s21;
	s25 =	sadd.s32 $0x10, s24;
	s24 =	simm.s32 $0x0;
	v14 =	vsub.f32 v14, v12  }
.LBB2_59:
0x40c: {  	v15 =	vld [tilespmem:s25+$0x0];
	p1 =	sne.s32 s23, $0x1;
	s23 =	sadd.s32 $0xFFFFFFFF, s23;
	v16 =	vor.u32 s24, v5  }
.Ltmp45:
0x40d: {  	v14 =	vmax.f32 v14, $0.0e+00;
	vm0 =	vlt.s32 v16, v31;
	(pc) =	sbr.rel @p1 .LBB2_59-.Ltmp45, $3  }
0x40e: {  	v14 =	vnsel vm0, $0x0, v14  }
0x40f: {  	v13 =	vadd.f32 v14, v13;
	_ =	sdelay $0x1  }
0x410: {  	s25 =	sadd.s32 $0x10, s25;
	s24 =	sadd.s32 $0x10, s24;
	v14 =	vsub.f32 v15, v12  }
.Ltmp46:
0x411: {  	_ = 	snop;
	(pc) =	sbr.rel .LBB2_60-.Ltmp46, $1  }
0x412: {  	_ =	sdelay $0x3  }
.LBB2_62:
.Ltmp47:
0x413: {  	(pc) =	sbr.rel @p0 .LBB2_63-.Ltmp47, $2  }
0x414: {  	_ =	sdelay $0x2  }
0x415: {  	v12 =	vimm.f32 $0.0e+00  }
0x416: {  	s22 =	simm.s32 $0x10000  }
0x417: {  	p0 =	sne.s32 s21, $0x1;
	v13 =	vld [tilespmem:s22+$0x0]  }
.Ltmp48:
0x418: {  	v10 =	vadd.f32 v10, v11;
	(pc) =	sbr.rel @!p0 .LBB2_66-.Ltmp48, $4  }
0x419: {  	_ = 	snop  }
0x41a: {  	s22 =	simm.s32 $0x0;
	v10 =	vmul.f32 $5.000000000e-01, v10  }
0x41b: {  	v11 =	vor.u32 s22, v5  }
0x41c: {  	s21 =	sadd.s32 $0xFFFFFFFF, s21;
	s23 =	simm.s32 $0x10010;
	vm0 =	vlt.s32 v11, v31;
	v11 =	vimm.f32 $0.0e+00;
	vm1 =	vgt.f32 v13, v10  }
.LBB2_65:
0x41d: {  	v14 =	vld [tilespmem:s23+$0x0];
	p0 =	sne.s32 s21, $0x1;
	s21 =	sadd.s32 $0xFFFFFFFF, s21;
	vm0 =	vmand vm0, vm1  }
.Ltmp49:
0x41e: {  	v15 =	vsel vm0, $0x3F800000, v6;
	v13 =	vnsel vm0, $0x0, v13;
	(pc) =	sbr.rel @p0 .LBB2_65-.Ltmp49, $4  }
0x41f: {  	v12 =	vadd.f32 v15, v12;
	v11 =	vadd.f32 v13, v11  }
0x420: {  	s22 =	sadd.s32 $0x10, s22  }
0x421: {  	v15 =	vor.u32 s22, v5  }
0x422: {  	s23 =	sadd.s32 $0x10, s23;
	vm0 =	vlt.s32 v15, v31;
	vm1 =	vgt.f32 v14, v10;
	v13 =	vmov v14  }
.LBB2_66:
.Ltmp50:
0x423: {  	(pc) =	sbr.rel .LBB2_67-.Ltmp50, $4  }
0x424: {  	_ = 	snop  }
0x425: {  	vm0 =	vmand vm0, vm1  }
0x426: {  	v10 =	vsel vm0, $0x3F800000, v6;
	v13 =	vnsel vm0, $0x0, v13  }
0x427: {  	v12 =	vadd.f32 v10, v12;
	v10 =	vadd.f32 v13, v11  }
.LBB2_63:
0x428: {  	v10 =	vimm.f32 $0.0e+00  }
.LBB2_67:
0x429: {  	_ = 	snop  }
0x42a: {  	v11 =	vperm.xlane v12, v9;
	_ =	sdelay $0x1  }
0x42b: {  	v11 =	vadd.f32 v11, v12;
	_ =	sdelay $0x1  }
0x42c: {  	v12 =	vperm.xlane v11, v8;
	_ =	sdelay $0x1  }
0x42d: {  	v11 =	vadd.f32 v12, v11;
	_ =	sdelay $0x1  }
0x42e: {  	v12 =	vperm.xlane v11, v7  }
0x42f: {  	v9 =	vperm.xlane v10, v9  }
0x430: {  	v11 =	vadd.f32 v12, v11  }
0x431: {  	v9 =	vadd.f32 v9, v10  }
0x432: {  	v10 =	vperm.xlane v11, v3  }
0x433: {  	v8 =	vperm.xlane v9, v8  }
0x434: {  	v10 =	vadd.f32 v10, v11  }
0x435: {  	v8 =	vadd.f32 v8, v9  }
0x436: {  	v9 =	vmax.f32 v10, $1.000000000e+00  }
0x437: {  	v7 =	vperm.xlane v8, v7;
	(erf) = vrcp.f32 v9;
	_ =	sdelay $0x1  }
0x438: {  	v7 =	vadd.f32 v7, v8;
	_ =	sdelay $0x1  }
0x439: {  	v8 =	vperm.xlane v7, v3;
	_ =	sdelay $0x1  }
0x43a: {  	s21 =	simm.s32 $0x8080;
	v7 =	vadd.f32 v8, v7  }
0x43b: {  	v8 =	vld [tilespmem:s21+$0x70]  }
0x43c: {  	v7 =	vadd.f32 $-1.000000000e+00, v7;
	v9 =	vld [tilespmem:s21+$0xFFFFFF90]  }
0x43d: {  	v11 =	vld [tilespmem:s21+$0xFFFFFFA0];
	v10 =	vpop (erf)  }
0x43e: {  	v7 =	vmul.f32 v7, v10;
	v10 =	vld [tilespmem:s21+$0xFFFFFFB0]  }
0x43f: {  	v12 =	vld [tilespmem:s21+$0xFFFFFFC0]  }
0x440: {  	v13 =	vld [tilespmem:s21+$0xFFFFFFD0];
	v8 =	vadd.f32 v8, v7  }
0x441: {  	v14 =	vld [tilespmem:s21+$0xFFFFFFE0];
	v9 =	vadd.f32 v9, v7  }
0x442: {  	v15 =	vld [tilespmem:s21+$0xFFFFFFF0];
	v11 =	vadd.f32 v11, v7;
	v8 =	vmax.f32 v8, $0.0e+00  }
0x443: {  	v16 =	vld [tilespmem:s21+$0x0];
	v9 =	vmax.f32 v9, $0.0e+00;
	v10 =	vadd.f32 v10, v7;
	[tilespmem:s21+$0x70] =	vst v8  }
0x444: {  	[tilespmem:s21+$0xFFFFFF90] =	vst v9;
	v8 =	vmax.f32 v11, $0.0e+00;
	v9 =	vadd.f32 v12, v7;
	v12 =	vld [tilespmem:s21+$0x10]  }
0x445: {  	v17 =	vld [tilespmem:s21+$0x20];
	[tilespmem:s21+$0xFFFFFFA0] =	vst v8;
	v8 =	vmax.f32 v10, $0.0e+00;
	v10 =	vadd.f32 v13, v7  }
0x446: {  	v11 =	vadd.f32 v14, v7;
	v9 =	vmax.f32 v9, $0.0e+00;
	[tilespmem:s21+$0xFFFFFFB0] =	vst v8;
	v8 =	vld [tilespmem:s21+$0x30]  }
0x447: {  	v13 =	vadd.f32 v15, v7;
	[tilespmem:s21+$0xFFFFFFC0] =	vst v9;
	v9 =	vld [tilespmem:s21+$0x40];
	v10 =	vmax.f32 v10, $0.0e+00  }
0x448: {  	v14 =	vadd.f32 v16, v7;
	v11 =	vmax.f32 v11, $0.0e+00;
	[tilespmem:s21+$0xFFFFFFD0] =	vst v10;
	v10 =	vld [tilespmem:s21+$0x50]  }
0x449: {  	[tilespmem:s21+$0xFFFFFFE0] =	vst v11;
	v11 =	vld [tilespmem:s21+$0x60];
	v15 =	vmax.f32 v13, $0.0e+00;
	v13 =	vadd.f32 v12, v7  }
0x44a: {  	s22 =	simm.s32 $0x0;
	s23 =	simm.s32 $0x8180;
	v12 =	vld [tilespmem:s21+$0xFFFFFF80];
	[tilespmem:s21+$0xFFFFFFF0] =	vst v15;
	v15 =	vmax.f32 v14, $0.0e+00;
	v14 =	vadd.f32 v17, v7  }
.LBB2_68:
0x44b: {  	v16 =	vld [tilespmem:s23+$0x70];
	s22 =	sadd.s32 $0x10, s22;
	[tilespmem:s21+$0x0] =	vst v15;
	v13 =	vmax.f32 v13, $0.0e+00;
	v8 =	vadd.f32 v8, v7  }
0x44c: {  	v15 =	vld [tilespmem:s23+$0xFFFFFF90];
	p0 =	slt.u32 s22, $0x7F0;
	[tilespmem:s21+$0x10] =	vst v13;
	v13 =	vmax.f32 v14, $0.0e+00;
	v9 =	vadd.f32 v9, v7  }
0x44d: {  	v14 =	vld [tilespmem:s23+$0xFFFFFFA0];
	[tilespmem:s21+$0x20] =	vst v13;
	v8 =	vmax.f32 v8, $0.0e+00;
	v10 =	vadd.f32 v10, v7  }
0x44e: {  	v13 =	vld [tilespmem:s23+$0xFFFFFFB0];
	[tilespmem:s21+$0x30] =	vst v8;
	v8 =	vmax.f32 v9, $0.0e+00;
	v9 =	vadd.f32 v11, v7  }
0x44f: {  	v11 =	vld [tilespmem:s23+$0xFFFFFFC0];
	v12 =	vadd.f32 v12, v7;
	[tilespmem:s21+$0x40] =	vst v8;
	v8 =	vmax.f32 v10, $0.0e+00  }
0x450: {  	v10 =	vld [tilespmem:s23+$0xFFFFFFD0];
	v16 =	vadd.f32 v16, v7;
	[tilespmem:s21+$0x50] =	vst v8;
	v8 =	vmax.f32 v9, $0.0e+00  }
0x451: {  	v9 =	vadd.f32 v15, v7;
	v15 =	vld [tilespmem:s23+$0xFFFFFFE0];
	v12 =	vmax.f32 v12, $0.0e+00;
	[tilespmem:s21+$0x60] =	vst v8  }
0x452: {  	v8 =	vadd.f32 v14, v7;
	v14 =	vld [tilespmem:s23+$0xFFFFFFF0];
	v16 =	vmax.f32 v16, $0.0e+00;
	[tilespmem:s21+$0xFFFFFF80] =	vst v12;
	s21 =	smov.u32 s23  }
0x453: {  	v9 =	vmax.f32 v9, $0.0e+00;
	v12 =	vadd.f32 v13, v7;
	v13 =	vld [tilespmem:s23+$0x0];
	[tilespmem:s23+$0x70] =	vst v16  }
0x454: {  	[tilespmem:s23+$0xFFFFFF90] =	vst v9;
	v8 =	vmax.f32 v8, $0.0e+00;
	v9 =	vadd.f32 v11, v7;
	v11 =	vld [tilespmem:s23+$0x10]  }
0x455: {  	[tilespmem:s23+$0xFFFFFFA0] =	vst v8;
	v8 =	vmax.f32 v12, $0.0e+00;
	v10 =	vadd.f32 v10, v7;
	v16 =	vld [tilespmem:s23+$0x20]  }
.Ltmp51:
0x456: {  	[tilespmem:s23+$0xFFFFFFB0] =	vst v8;
	v9 =	vmax.f32 v9, $0.0e+00;
	v12 =	vadd.f32 v15, v7;
	v8 =	vld [tilespmem:s23+$0x30];
	(pc) =	sbr.rel @p0 .LBB2_68-.Ltmp51, $4  }
0x457: {  	[tilespmem:s23+$0xFFFFFFC0] =	vst v9;
	v10 =	vmax.f32 v10, $0.0e+00;
	v14 =	vadd.f32 v14, v7;
	v9 =	vld [tilespmem:s23+$0x40]  }
0x458: {  	[tilespmem:s23+$0xFFFFFFD0] =	vst v10;
	v12 =	vmax.f32 v12, $0.0e+00;
	v15 =	vadd.f32 v13, v7;
	v10 =	vld [tilespmem:s23+$0x50]  }
0x459: {  	[tilespmem:s23+$0xFFFFFFE0] =	vst v12;
	v14 =	vmax.f32 v14, $0.0e+00;
	v13 =	vadd.f32 v11, v7;
	v11 =	vld [tilespmem:s23+$0x60]  }
0x45a: {  	s23 =	sadd.s32 $0x100, s23;
	v12 =	vld [tilespmem:s21+$0xFFFFFF80];
	[tilespmem:s21+$0xFFFFFFF0] =	vst v14;
	v15 =	vmax.f32 v15, $0.0e+00;
	v14 =	vadd.f32 v16, v7  }
0x45b: {  	[tilespmem:s21+$0x0] =	vst v15;
	v13 =	vmax.f32 v13, $0.0e+00;
	v8 =	vadd.f32 v8, v7  }
0x45c: {  	[tilespmem:s21+$0x10] =	vst v13;
	v62 =	vmax.f32 v14, $0.0e+00;
	v9 =	vadd.f32 v9, v7  }
0x45d: {  	[tilespmem:s21+$0x20] =	vst v62;
	v8 =	vmax.f32 v8, $0.0e+00;
	v10 =	vadd.f32 v10, v7  }
0x45e: {  	[tilespmem:s21+$0x30] =	vst v8;
	v8 =	vmax.f32 v9, $0.0e+00;
	v63 =	vadd.f32 v11, v7  }
0x45f: {  	v7 =	vadd.f32 v12, v7;
	[tilespmem:s21+$0x40] =	vst v8;
	v8 =	vmax.f32 v10, $0.0e+00  }
0x460: {  	[tilespmem:s21+$0x50] =	vst v8;
	v8 =	vmax.f32 v63, $0.0e+00  }
0x461: {  	v7 =	vmax.f32 v7, $0.0e+00;
	[tilespmem:s21+$0x60] =	vst v8  }
0x462: {  	s20 =	sadd.s32 $0x1, s20;
	[tilespmem:s21+$0xFFFFFF80] =	vst v7  }
0x463: {  	[hbm4b:s10+s16] =	stream.strided.scatter [tilespmem:s13], [sflag:$0x4], $0x8000, s12, s16, $0x38;
	[tilespmem:$0x18000] =	vst v63  }
0x464: {  	p0 =	sne.s32 s20, s11;
	_ =	swait.ge [sflag:s17], $0x8000  }
.Ltmp52:
0x465: {  	[sflag:s17] =	ssyncset.done $0x0;
	(pc) =	sbr.rel @p0 .LBB2_1-.Ltmp52, $4  }
0x466: {  	[sflag:s17] =	ssyncadd.s32 $0xFFFF8000  }
0x467: {  	_ =	swait.ge [sflag:s19], $0x8000  }
0x468: {  	[sflag:s19] =	ssyncset.done $0x0  }
0x469: {  	[sflag:s19] =	ssyncadd.s32 $0xFFFF8000  }
0x46a: {  	_ =	sfence.sel $0x180000  }
0x46b: {  	[bflag:$0x0] =	sbarrier.arrive $0xFFFF  }
0x46c: {  	p0 =	sne.s32 s1, $0x0;
	_ =	strace $0x90000047  }
0x46d: {  	s0 =	sadd.s32 @!p0 $0x100000, s0;
	[bflag:$0x2] =	sbarrier.arrive $0xFFFF  }
0x46e: {  	[sflag:s0] =	ssyncadd.tile.s32 @!p0 $0x1;
	_ =	shalt  }
.Lfunc_end2:
_tile_overlayer_lowered:
.L_overlay_start_2:
0x46f: {  	(tag) =	ssettag $0x2  }
0x470: {  	s0 =	rddreg [dreg:$0x0];
	s2 =	stileid.u32  }
0x471: {  	s1 =	rddreg [dreg:$0x1];
	p0 =	sne.s32 s2, $0x0  }
0x472: {  	s3 =	rddreg [dreg:$0x2];
	[bflag:$0x3] =	sbarrier.arrive $0xFFFF;
	s2 =	simm.s32 @!p0 $0x1C05  }
0x473: {  	[timem:s3], [sflag:s2] =	dma.local @!p0 [hbm:s0], s1  }
0x474: {  	s0 =	simm.s32 @!p0 $0x5  }
0x475: {  	_ =	swait.ge @!p0 [sflag:s0], s1  }
0x476: {  	s1 =	ssub.s32 @!p0 $0x0, s1;
	[sflag:s0] =	ssyncset.done @!p0 $0x0  }
0x477: {  	[sflag:s0] =	ssyncadd.s32 @!p0 s1  }
0x478: {  	[bflag:$0x3] =	sbarrier.arrive $0xFFFF  }
0x479: {  	_ =	shalt  }

</sc_bundles>
